<compile_context>
chip_gen: v7x
topology: tpu7x:2x2x1
jax: 0.10.2.dev20260603
libtpu: 0.0.44.dev20260713+nightly
codegen_flags: <defaults>
</compile_context>

<pallas_src>
import functools

import jax
import jax.numpy as jnp
from jax import lax
from jax.experimental import pallas as pl
from jax.experimental.pallas import tpu as pltpu
from jax.experimental.pallas import tpu_sc as plsc

_N = 10000
_E = 320000
_H = 128
_G = 64
_NL = 3
_NC = 2
_NS = 16
_NW = _NC * _NS
_CW = 128
_NCH = 80
_EPT = _CW * _NCH
_EPAD = _EPT * _NW
_APAD = 10112
_RPT = _APAD // _NS
_HCH = _NCH // 2


def _sc_agg(h_pad, srcr, dstr, zrows):
    mesh = plsc.VectorSubcoreMesh(core_axis_name="c", subcore_axis_name="s")

    @functools.partial(
        pl.kernel,
        out_type=jax.ShapeDtypeStruct((_NC, _APAD, _H), jnp.float32),
        mesh=mesh,
        scratch_types=[
            pltpu.VMEM((_HCH, _CW), jnp.int32),
            pltpu.VMEM((_HCH, _CW), jnp.int32),
            pltpu.VMEM((_CW, _H), jnp.float32),
            pltpu.VMEM((_CW, _H), jnp.float32),
            pltpu.VMEM_SHARED((_APAD, _H), jnp.float32),
            pltpu.SemaphoreType.DMA,
        ],
    )
    def agg(h_hbm, src_hbm, dst_hbm, z_hbm, out_hbm, src_v, dst_v, rows_a,
            rows_b, acc, sem):
        c = lax.axis_index("c")
        s = lax.axis_index("s")
        wid = s * _NC + c
        r0 = s * _RPT
        pltpu.sync_copy(z_hbm, acc.at[pl.ds(r0, _RPT)])
        plsc.subcore_barrier()

        for half in range(2):
            pltpu.sync_copy(src_hbm.at[wid, pl.ds(half * _HCH, _HCH)], src_v)
            pltpu.sync_copy(dst_hbm.at[wid, pl.ds(half * _HCH, _HCH)], dst_v)
            pltpu.async_copy(h_hbm.at[src_v.at[0]], rows_a, sem).wait()

            def step(jo, carry):
                j = 2 * jo
                cp_b = pltpu.async_copy(h_hbm.at[src_v.at[j + 1]], rows_b,
                                        sem)
                pltpu.sync_copy(rows_a, acc.at[dst_v.at[j]], add=True)
                cp_b.wait()
                j2 = jnp.minimum(j + 2, _HCH - 1)
                cp_a = pltpu.async_copy(h_hbm.at[src_v.at[j2]], rows_a, sem)
                pltpu.sync_copy(rows_b, acc.at[dst_v.at[j + 1]], add=True)
                cp_a.wait()
                return carry

            lax.fori_loop(0, _HCH // 2, step, 0)
        plsc.subcore_barrier()
        pltpu.sync_copy(acc.at[pl.ds(r0, _RPT)],
                        out_hbm.at[c, pl.ds(r0, _RPT)])

    return agg(h_pad, srcr, dstr, zrows)


def _tc_fc0(x, W, b):
    def body(x_ref, w_ref, b_ref, o_ref):
        o_ref[...] = jnp.dot(x_ref[...], w_ref[...],
                             preferred_element_type=jnp.float32) + b_ref[...]

    return pl.pallas_call(
        body,
        out_shape=jax.ShapeDtypeStruct((_N, _H), jnp.float32),
    )(x, W, b.reshape(1, _H))


def _tc_layer(h, agg2, W1, b1, a1, gin, bein, W2, b2, a2, gout, beout):
    def body(h_ref, agg_ref, w1_ref, b1_ref, a1_ref, gi_ref, bi_ref,
             w2_ref, b2_ref, a2_ref, go_ref, bo_ref, o_ref):
        m = h_ref[...] + agg_ref[0, :_N] + agg_ref[1, :_N]
        t = jnp.dot(m, w1_ref[...],
                    preferred_element_type=jnp.float32) + b1_ref[...]
        t = jnp.where(t >= 0, t, a1_ref[0, 0] * t)
        mu = jnp.mean(t, axis=0, keepdims=True)
        var = jnp.mean((t - mu) ** 2, axis=0, keepdims=True)
        t = gi_ref[...] * (t - mu) / jnp.sqrt(var + 1e-5) + bi_ref[...]
        t = jnp.dot(t, w2_ref[...],
                    preferred_element_type=jnp.float32) + b2_ref[...]
        t = jnp.where(t >= 0, t, a2_ref[0, 0] * t)
        mu2 = jnp.mean(t, axis=0, keepdims=True)
        var2 = jnp.mean((t - mu2) ** 2, axis=0, keepdims=True)
        o_ref[...] = (go_ref[...] * (t - mu2) / jnp.sqrt(var2 + 1e-5)
                      + bo_ref[...])

    return pl.pallas_call(
        body,
        out_shape=jax.ShapeDtypeStruct((_N, _H), jnp.float32),
    )(h, agg2, W1, b1.reshape(1, _H), a1.reshape(1, 1), gin.reshape(1, _H),
      bein.reshape(1, _H), W2, b2.reshape(1, _H), a2.reshape(1, 1),
      gout.reshape(1, _H), beout.reshape(1, _H))


def _tc_last(h, agg2, W1, b1, a1, gin, bein, W2, b2, a2, gout, beout,
             batch2d, bn_g, bn_b, fc_W, fc_b):

    def body(h_ref, agg_ref, w1_ref, b1_ref, a1_ref, gi_ref, bi_ref,
             w2_ref, b2_ref, a2_ref, go_ref, bo_ref, b_ref, g_ref, bb_ref,
             w_ref, fb_ref, o_ref):
        m = h_ref[...] + agg_ref[0, :_N] + agg_ref[1, :_N]
        t = jnp.dot(m, w1_ref[...],
                    preferred_element_type=jnp.float32) + b1_ref[...]
        t = jnp.where(t >= 0, t, a1_ref[0, 0] * t)
        mu = jnp.mean(t, axis=0, keepdims=True)
        var = jnp.mean((t - mu) ** 2, axis=0, keepdims=True)
        t = gi_ref[...] * (t - mu) / jnp.sqrt(var + 1e-5) + bi_ref[...]
        t = jnp.dot(t, w2_ref[...],
                    preferred_element_type=jnp.float32) + b2_ref[...]
        t = jnp.where(t >= 0, t, a2_ref[0, 0] * t)
        mu2 = jnp.mean(t, axis=0, keepdims=True)
        var2 = jnp.mean((t - mu2) ** 2, axis=0, keepdims=True)
        hl = (go_ref[...] * (t - mu2) / jnp.sqrt(var2 + 1e-5)
              + bo_ref[...])
        gids = lax.broadcasted_iota(jnp.int32, (_G, _N), 0)
        oh = (b_ref[...] == gids).astype(jnp.float32)
        pooled = jnp.dot(oh, hl, preferred_element_type=jnp.float32)
        mu3 = jnp.mean(pooled, axis=0, keepdims=True)
        var3 = jnp.mean((pooled - mu3) ** 2, axis=0, keepdims=True)
        z = g_ref[...] * (pooled - mu3) / jnp.sqrt(var3 + 1e-5) + bb_ref[...]
        o_ref[...] = jnp.dot(z, w_ref[...],
                             preferred_element_type=jnp.float32) + fb_ref[...]

    lat = fc_W.shape[1]
    return pl.pallas_call(
        body,
        out_shape=jax.ShapeDtypeStruct((_G, lat), jnp.float32),
    )(h, agg2, W1, b1.reshape(1, _H), a1.reshape(1, 1), gin.reshape(1, _H),
      bein.reshape(1, _H), W2, b2.reshape(1, _H), a2.reshape(1, 1),
      gout.reshape(1, _H), beout.reshape(1, _H), batch2d,
      bn_g.reshape(1, _H), bn_b.reshape(1, _H), fc_W, fc_b.reshape(1, lat))


def kernel(x, edge_index, batch, fc0_W, fc0_b, W1, b1, a1, g_in, be_in,
           W2, b2, a2, g_out, be_out, bn_g, bn_b, fc_W, fc_b):
    src = edge_index[0]
    dst = edge_index[1]
    pad = _EPAD - _E
    srcr = jnp.concatenate(
        [src, jnp.full((pad,), _N, src.dtype)]).reshape(_NW, _NCH, _CW)
    dstr = jnp.concatenate(
        [dst, jnp.zeros((pad,), dst.dtype)]).reshape(_NW, _NCH, _CW)
    zrows = jnp.zeros((_RPT, _H), jnp.float32)

    h = _tc_fc0(x, fc0_W, fc0_b)
    for i in range(_NL - 1):
        hp = jnp.concatenate([h, jnp.zeros((8, _H), jnp.float32)], axis=0)
        agg2 = _sc_agg(hp, srcr, dstr, zrows)
        h = _tc_layer(h, agg2, W1[i], b1[i], a1[i].reshape(1, 1),
                      g_in[i], be_in[i], W2[i], b2[i], a2[i].reshape(1, 1),
                      g_out[i], be_out[i])
    i = _NL - 1
    hp = jnp.concatenate([h, jnp.zeros((8, _H), jnp.float32)], axis=0)
    agg2 = _sc_agg(hp, srcr, dstr, zrows)
    return _tc_last(h, agg2, W1[i], b1[i], a1[i].reshape(1, 1),
                    g_in[i], be_in[i], W2[i], b2[i], a2[i].reshape(1, 1),
                    g_out[i], be_out[i], batch.reshape(1, _N),
                    bn_g, bn_b, fc_W, fc_b)

# --- scband reference (transcript-rebuilt; emitter-appended) ---
"""Pipeline reference for scband-gin-73753178406913 (READ-ONLY COPY).

The authoritative reference and input builder live on the scoring server;
editing this copy changes nothing except your own understanding.
"""

import jax, jax.numpy as jnp
import numpy as np

N = 10000
E = 320000
D = 128
H = 128
LAT = 128
NL = 3
G = 64


def _bn(x, g, b, eps=1e-5):
    m = x.mean(axis=0)
    v = x.var(axis=0)
    return g * (x - m) / jnp.sqrt(v + eps) + b


def _prelu(x, a):
    return jnp.where(x >= 0, x, a * x)


def setup_inputs(seed: int = 0) -> dict:
    key = jax.random.key(seed)
    ks = [jax.random.fold_in(key, i) for i in range(32)]
    inp = {}
    inp["x"] = jax.random.normal(ks[0], (N, D), dtype=jnp.float32)
    inp["edge_index"] = jax.random.randint(ks[1], (2, E), 0, N)
    inp["batch"] = jnp.sort(jax.random.randint(ks[2], (N,), 0, G))
    inp["fc0_W"] = jax.random.normal(ks[3], (D, H), dtype=jnp.float32) * 0.05
    inp["fc0_b"] = jnp.zeros((H,), dtype=jnp.float32)
    inp["W1"] = jax.random.normal(ks[4], (NL, H, H), dtype=jnp.float32) * 0.05
    inp["b1"] = jnp.zeros((NL, H), dtype=jnp.float32)
    inp["a1"] = 0.25 * jnp.ones((NL,), dtype=jnp.float32)
    inp["g_in"] = jnp.ones((NL, H), dtype=jnp.float32)
    inp["be_in"] = jnp.zeros((NL, H), dtype=jnp.float32)
    inp["W2"] = jax.random.normal(ks[5], (NL, H, H), dtype=jnp.float32) * 0.05
    inp["b2"] = jnp.zeros((NL, H), dtype=jnp.float32)
    inp["a2"] = 0.25 * jnp.ones((NL,), dtype=jnp.float32)
    inp["g_out"] = jnp.ones((NL, H), dtype=jnp.float32)
    inp["be_out"] = jnp.zeros((NL, H), dtype=jnp.float32)
    inp["bn_g"] = jnp.ones((H,), dtype=jnp.float32)
    inp["bn_b"] = jnp.zeros((H,), dtype=jnp.float32)
    inp["fc_W"] = jax.random.normal(ks[6], (H, LAT), dtype=jnp.float32) * 0.05
    inp["fc_b"] = jnp.zeros((LAT,), dtype=jnp.float32)
    return inp


def reference(x, edge_index, batch, fc0_W, fc0_b, W1, b1, a1, g_in, be_in,
              W2, b2, a2, g_out, be_out, bn_g, bn_b, fc_W, fc_b):
    src = edge_index[0]
    dst = edge_index[1]
    h = x @ fc0_W + fc0_b
    for i in range(NL):
        # GINConv: (1 + eps) * x + sum_{j in N(i)} x_j, eps = 0
        agg = jax.ops.segment_sum(h[src], dst, num_segments=N)
        m = h + agg
        t = m @ W1[i] + b1[i]
        t = _prelu(t, a1[i])
        t = _bn(t, g_in[i], be_in[i])
        t = t @ W2[i] + b2[i]
        t = _prelu(t, a2[i])
        # dropout is identity in eval mode
        h = _bn(t, g_out[i], be_out[i])
    pooled = jax.ops.segment_sum(h, batch, num_segments=G)
    out = _bn(pooled, bn_g, bn_b)
    out = out @ fc_W + fc_b
    return out

if __name__ == "__main__":
    import jax
    _d = setup_inputs()
    print(jax.jit(kernel)(*tuple(_d.values())))

</pallas_src>

<mosaic_0001>
#map = affine_map<(d0, d1) -> (0, 0)>
#map1 = affine_map<(d0, d1) -> (0, 0, 0)>
module attributes {stable_mosaic.version = 14 : i64} {
  func.func @agg(%arg0: i32, %arg1: i32, %arg2: memref<10008x128xf32, #tpu.memory_space<hbm>>, %arg3: memref<32x80x128xi32, #tpu.memory_space<hbm>>, %arg4: memref<32x80x128xi32, #tpu.memory_space<hbm>>, %arg5: memref<632x128xf32, #tpu.memory_space<hbm>>, %arg6: memref<2x10112x128xf32, #tpu.memory_space<hbm>>, %arg7: memref<40x128xi32, #tpu.memory_space<vmem>>, %arg8: memref<40x128xi32, #tpu.memory_space<vmem>>, %arg9: memref<128x128xf32, #tpu.memory_space<vmem>>, %arg10: memref<128x128xf32, #tpu.memory_space<vmem>>, %arg11: memref<10112x128xf32, #tpu.memory_space<vmem_shared>>, %arg12: memref<!tpu.dma_semaphore, #tpu.memory_space<semaphore_mem>>) attributes {dimension_semantics = [#tpu.dimension_semantics<core_parallel>, #tpu.dimension_semantics<subcore_parallel>], iteration_bounds = array<i64: 2, 16>, scalar_prefetch = 0 : i64, scratch_operands = 6 : i64, tpu.core_type = #tpu.core_type<sc_vector_subcore>, window_params = [{transform_indices = #map}, {transform_indices = #map1}, {transform_indices = #map1}, {transform_indices = #map}, {transform_indices = #map1}]} {
    %mul3A = arith.constant 2 : i32
    %mul3A_0 = arith.muli %arg1, %mul3A : i32
    %add3A = arith.addi %mul3A_0, %arg0 : i32
    %mul3A_1 = arith.constant 632 : i32
    %mul3A_2 = arith.muli %arg1, %mul3A_1 : i32
    "tpu.region"() ({
      %run_scoped3A = tpu.sem_alloc : memref<!tpu.dma_semaphore, #tpu.memory_space<semaphore_mem>>
      %dma_start3A_41 = arith.constant 0 : i32
      %dma_start3A_42 = tpu.memref_slice %arg11[%mul3A_2, %dma_start3A_41] : memref<10112x128xf32, #tpu.memory_space<vmem_shared>> -> memref<632x128xf32, #tpu.memory_space<vmem_shared>>
      tpu.enqueue_dma source(%arg5 : memref<632x128xf32, #tpu.memory_space<hbm>>) target(%dma_start3A_42 : memref<632x128xf32, #tpu.memory_space<vmem_shared>>) target_semaphore(%run_scoped3A : memref<!tpu.dma_semaphore, #tpu.memory_space<semaphore_mem>>)
      %dma_wait3A_43 = arith.constant 0 : i32
      %dma_wait3A_44 = tpu.memref_slice %arg11[%mul3A_2, %dma_wait3A_43] : memref<10112x128xf32, #tpu.memory_space<vmem_shared>> -> memref<632x128xf32, #tpu.memory_space<vmem_shared>>
      tpu.wait_dma2 semaphore(%run_scoped3A : memref<!tpu.dma_semaphore, #tpu.memory_space<semaphore_mem>>) src(%arg5 : memref<632x128xf32, #tpu.memory_space<hbm>>) dst(%dma_wait3A_44 : memref<632x128xf32, #tpu.memory_space<vmem_shared>>)
      tpu.yield
    }) : () -> ()
    %barrier3A = arith.constant 0 : index
    tpu.barrier barrier_id(%barrier3A)
    "tpu.region"() ({
      %run_scoped3A = tpu.sem_alloc : memref<!tpu.dma_semaphore, #tpu.memory_space<semaphore_mem>>
      %dma_start3A_41 = arith.constant 0 : i32
      %dma_start3A_42 = arith.constant 0 : i32
      %dma_start3A_43 = tpu.memref_slice %arg3[%add3A, %dma_start3A_41, %dma_start3A_42] : memref<32x80x128xi32, #tpu.memory_space<hbm>> -> memref<1x40x128xi32, #tpu.memory_space<hbm>>
      %dma_start3A_44 = tpu.memref_squeeze %dma_start3A_43 : memref<1x40x128xi32, #tpu.memory_space<hbm>> -> memref<40x128xi32, #tpu.memory_space<hbm>>
      %dma_start3A_45 = arith.constant 0 : i32
      %dma_start3A_46 = arith.constant 0 : i32
      %dma_start3A_47 = tpu.memref_slice %arg3[%add3A, %dma_start3A_45, %dma_start3A_46] : memref<32x80x128xi32, #tpu.memory_space<hbm>> -> memref<1x40x128xi32, #tpu.memory_space<hbm>>
      %dma_start3A_48 = tpu.memref_squeeze %dma_start3A_47 : memref<1x40x128xi32, #tpu.memory_space<hbm>> -> memref<40x128xi32, #tpu.memory_space<hbm>>
      tpu.enqueue_dma source(%dma_start3A_48 : memref<40x128xi32, #tpu.memory_space<hbm>>) target(%arg7 : memref<40x128xi32, #tpu.memory_space<vmem>>) target_semaphore(%run_scoped3A : memref<!tpu.dma_semaphore, #tpu.memory_space<semaphore_mem>>)
      %dma_wait3A_49 = arith.constant 0 : i32
      %dma_wait3A_50 = arith.constant 0 : i32
      %dma_wait3A_51 = tpu.memref_slice %arg3[%add3A, %dma_wait3A_49, %dma_wait3A_50] : memref<32x80x128xi32, #tpu.memory_space<hbm>> -> memref<1x40x128xi32, #tpu.memory_space<hbm>>
      %dma_wait3A_52 = tpu.memref_squeeze %dma_wait3A_51 : memref<1x40x128xi32, #tpu.memory_space<hbm>> -> memref<40x128xi32, #tpu.memory_space<hbm>>
      %dma_wait3A_53 = arith.constant 0 : i32
      %dma_wait3A_54 = arith.constant 0 : i32
      %dma_wait3A_55 = tpu.memref_slice %arg3[%add3A, %dma_wait3A_53, %dma_wait3A_54] : memref<32x80x128xi32, #tpu.memory_space<hbm>> -> memref<1x40x128xi32, #tpu.memory_space<hbm>>
      %dma_wait3A_56 = tpu.memref_squeeze %dma_wait3A_55 : memref<1x40x128xi32, #tpu.memory_space<hbm>> -> memref<40x128xi32, #tpu.memory_space<hbm>>
      tpu.wait_dma2 semaphore(%run_scoped3A : memref<!tpu.dma_semaphore, #tpu.memory_space<semaphore_mem>>) src(%dma_wait3A_56 : memref<40x128xi32, #tpu.memory_space<hbm>>) dst(%arg7 : memref<40x128xi32, #tpu.memory_space<vmem>>)
      tpu.yield
    }) : () -> ()
    "tpu.region"() ({
      %run_scoped3A = tpu.sem_alloc : memref<!tpu.dma_semaphore, #tpu.memory_space<semaphore_mem>>
      %dma_start3A_41 = arith.constant 0 : i32
      %dma_start3A_42 = arith.constant 0 : i32
      %dma_start3A_43 = tpu.memref_slice %arg4[%add3A, %dma_start3A_41, %dma_start3A_42] : memref<32x80x128xi32, #tpu.memory_space<hbm>> -> memref<1x40x128xi32, #tpu.memory_space<hbm>>
      %dma_start3A_44 = tpu.memref_squeeze %dma_start3A_43 : memref<1x40x128xi32, #tpu.memory_space<hbm>> -> memref<40x128xi32, #tpu.memory_space<hbm>>
      %dma_start3A_45 = arith.constant 0 : i32
      %dma_start3A_46 = arith.constant 0 : i32
      %dma_start3A_47 = tpu.memref_slice %arg4[%add3A, %dma_start3A_45, %dma_start3A_46] : memref<32x80x128xi32, #tpu.memory_space<hbm>> -> memref<1x40x128xi32, #tpu.memory_space<hbm>>
      %dma_start3A_48 = tpu.memref_squeeze %dma_start3A_47 : memref<1x40x128xi32, #tpu.memory_space<hbm>> -> memref<40x128xi32, #tpu.memory_space<hbm>>
      tpu.enqueue_dma source(%dma_start3A_48 : memref<40x128xi32, #tpu.memory_space<hbm>>) target(%arg8 : memref<40x128xi32, #tpu.memory_space<vmem>>) target_semaphore(%run_scoped3A : memref<!tpu.dma_semaphore, #tpu.memory_space<semaphore_mem>>)
      %dma_wait3A_49 = arith.constant 0 : i32
      %dma_wait3A_50 = arith.constant 0 : i32
      %dma_wait3A_51 = tpu.memref_slice %arg4[%add3A, %dma_wait3A_49, %dma_wait3A_50] : memref<32x80x128xi32, #tpu.memory_space<hbm>> -> memref<1x40x128xi32, #tpu.memory_space<hbm>>
      %dma_wait3A_52 = tpu.memref_squeeze %dma_wait3A_51 : memref<1x40x128xi32, #tpu.memory_space<hbm>> -> memref<40x128xi32, #tpu.memory_space<hbm>>
      %dma_wait3A_53 = arith.constant 0 : i32
      %dma_wait3A_54 = arith.constant 0 : i32
      %dma_wait3A_55 = tpu.memref_slice %arg4[%add3A, %dma_wait3A_53, %dma_wait3A_54] : memref<32x80x128xi32, #tpu.memory_space<hbm>> -> memref<1x40x128xi32, #tpu.memory_space<hbm>>
      %dma_wait3A_56 = tpu.memref_squeeze %dma_wait3A_55 : memref<1x40x128xi32, #tpu.memory_space<hbm>> -> memref<40x128xi32, #tpu.memory_space<hbm>>
      tpu.wait_dma2 semaphore(%run_scoped3A : memref<!tpu.dma_semaphore, #tpu.memory_space<semaphore_mem>>) src(%dma_wait3A_56 : memref<40x128xi32, #tpu.memory_space<hbm>>) dst(%arg8 : memref<40x128xi32, #tpu.memory_space<vmem>>)
      tpu.yield
    }) : () -> ()
    %dma_start3A = arith.constant 0 : i32
    %dma_start3A_3 = arith.constant 0 : i32
    %dma_start3A_4 = tpu.memref_slice %arg7[%dma_start3A, %dma_start3A_3] : memref<40x128xi32, #tpu.memory_space<vmem>> -> memref<1x128xi32, #tpu.memory_space<vmem>>
    %dma_start3A_5 = tpu.memref_squeeze %dma_start3A_4 : memref<1x128xi32, #tpu.memory_space<vmem>> -> memref<128xi32, #tpu.memory_space<vmem>>
    %dma_start3A_6 = arith.constant 0 : i32
    %dma_start3A_7 = arith.constant 0 : i32
    %dma_start3A_8 = tpu.memref_slice %arg2[%dma_start3A_6, %dma_start3A_7] : memref<10008x128xf32, #tpu.memory_space<hbm>> -> memref<10008x128xf32, #tpu.memory_space<hbm>>
    tpu.enqueue_indirect_dma source(%dma_start3A_8 : memref<10008x128xf32, #tpu.memory_space<hbm>>) target(%arg9 : memref<128x128xf32, #tpu.memory_space<vmem>>) offsets(%dma_start3A_5 : memref<128xi32, #tpu.memory_space<vmem>>) semaphore(%arg12 : memref<!tpu.dma_semaphore, #tpu.memory_space<semaphore_mem>>)
    %dma_wait3A = arith.constant 0 : i32
    %dma_wait3A_9 = arith.constant 0 : i32
    %dma_wait3A_10 = tpu.memref_slice %arg7[%dma_wait3A, %dma_wait3A_9] : memref<40x128xi32, #tpu.memory_space<vmem>> -> memref<1x128xi32, #tpu.memory_space<vmem>>
    %dma_wait3A_11 = tpu.memref_squeeze %dma_wait3A_10 : memref<1x128xi32, #tpu.memory_space<vmem>> -> memref<128xi32, #tpu.memory_space<vmem>>
    %dma_wait3A_12 = arith.constant 0 : i32
    %dma_wait3A_13 = arith.constant 0 : i32
    %dma_wait3A_14 = tpu.memref_slice %arg2[%dma_wait3A_12, %dma_wait3A_13] : memref<10008x128xf32, #tpu.memory_space<hbm>> -> memref<10008x128xf32, #tpu.memory_space<hbm>>
    tpu.wait_indirect_dma semaphore(%arg12 : memref<!tpu.dma_semaphore, #tpu.memory_space<semaphore_mem>>) src(%dma_wait3A_14 : memref<10008x128xf32, #tpu.memory_space<hbm>>) dst(%arg9 : memref<128x128xf32, #tpu.memory_space<vmem>>)
    %scan3A = arith.constant 0 : i32
    %scan3A_15 = arith.constant 0 : i32
    %scan3A_16 = arith.constant 20 : i32
    %scan3A_17 = arith.addi %scan3A_15, %scan3A_16 : i32
    %scan3A_18 = arith.constant 1 : i32
    scf.for %scan3A_41 = %scan3A_15 to %scan3A_17 step %scan3A_18  : i32 {
      %mul3A_42 = arith.constant 2 : i32
      %mul3A_43 = arith.muli %mul3A_42, %scan3A_41 : i32
      %add3A_44 = arith.constant 1 : i32
      %add3A_45 = arith.addi %mul3A_43, %add3A_44 : i32
      %dma_start3A_46 = arith.constant 0 : i32
      %dma_start3A_47 = tpu.memref_slice %arg7[%add3A_45, %dma_start3A_46] : memref<40x128xi32, #tpu.memory_space<vmem>> -> memref<1x128xi32, #tpu.memory_space<vmem>>
      %dma_start3A_48 = tpu.memref_squeeze %dma_start3A_47 : memref<1x128xi32, #tpu.memory_space<vmem>> -> memref<128xi32, #tpu.memory_space<vmem>>
      %dma_start3A_49 = arith.constant 0 : i32
      %dma_start3A_50 = arith.constant 0 : i32
      %dma_start3A_51 = tpu.memref_slice %arg2[%dma_start3A_49, %dma_start3A_50] : memref<10008x128xf32, #tpu.memory_space<hbm>> -> memref<10008x128xf32, #tpu.memory_space<hbm>>
      tpu.enqueue_indirect_dma source(%dma_start3A_51 : memref<10008x128xf32, #tpu.memory_space<hbm>>) target(%arg10 : memref<128x128xf32, #tpu.memory_space<vmem>>) offsets(%dma_start3A_48 : memref<128xi32, #tpu.memory_space<vmem>>) semaphore(%arg12 : memref<!tpu.dma_semaphore, #tpu.memory_space<semaphore_mem>>)
      "tpu.region"() ({
        %run_scoped3A = tpu.sem_alloc : memref<!tpu.dma_semaphore, #tpu.memory_space<semaphore_mem>>
        %dma_start3A_75 = arith.constant 0 : i32
        %dma_start3A_76 = tpu.memref_slice %arg8[%mul3A_43, %dma_start3A_75] : memref<40x128xi32, #tpu.memory_space<vmem>> -> memref<1x128xi32, #tpu.memory_space<vmem>>
        %dma_start3A_77 = tpu.memref_squeeze %dma_start3A_76 : memref<1x128xi32, #tpu.memory_space<vmem>> -> memref<128xi32, #tpu.memory_space<vmem>>
        %dma_start3A_78 = arith.constant 0 : i32
        %dma_start3A_79 = arith.constant 0 : i32
        %dma_start3A_80 = tpu.memref_slice %arg11[%dma_start3A_78, %dma_start3A_79] : memref<10112x128xf32, #tpu.memory_space<vmem_shared>> -> memref<10112x128xf32, #tpu.memory_space<vmem_shared>>
        tpu.enqueue_indirect_dma source(%arg9 : memref<128x128xf32, #tpu.memory_space<vmem>>) target(%dma_start3A_80 : memref<10112x128xf32, #tpu.memory_space<vmem_shared>>) offsets(%dma_start3A_77 : memref<128xi32, #tpu.memory_space<vmem>>) semaphore(%run_scoped3A : memref<!tpu.dma_semaphore, #tpu.memory_space<semaphore_mem>>) {add = true}
        %dma_wait3A_81 = arith.constant 0 : i32
        %dma_wait3A_82 = tpu.memref_slice %arg8[%mul3A_43, %dma_wait3A_81] : memref<40x128xi32, #tpu.memory_space<vmem>> -> memref<1x128xi32, #tpu.memory_space<vmem>>
        %dma_wait3A_83 = tpu.memref_squeeze %dma_wait3A_82 : memref<1x128xi32, #tpu.memory_space<vmem>> -> memref<128xi32, #tpu.memory_space<vmem>>
        %dma_wait3A_84 = arith.constant 0 : i32
        %dma_wait3A_85 = arith.constant 0 : i32
        %dma_wait3A_86 = tpu.memref_slice %arg11[%dma_wait3A_84, %dma_wait3A_85] : memref<10112x128xf32, #tpu.memory_space<vmem_shared>> -> memref<10112x128xf32, #tpu.memory_space<vmem_shared>>
        tpu.wait_indirect_dma semaphore(%run_scoped3A : memref<!tpu.dma_semaphore, #tpu.memory_space<semaphore_mem>>) src(%arg9 : memref<128x128xf32, #tpu.memory_space<vmem>>) dst(%dma_wait3A_86 : memref<10112x128xf32, #tpu.memory_space<vmem_shared>>)
        tpu.yield
      }) : () -> ()
      %dma_wait3A_52 = arith.constant 0 : i32
      %dma_wait3A_53 = tpu.memref_slice %arg7[%add3A_45, %dma_wait3A_52] : memref<40x128xi32, #tpu.memory_space<vmem>> -> memref<1x128xi32, #tpu.memory_space<vmem>>
      %dma_wait3A_54 = tpu.memref_squeeze %dma_wait3A_53 : memref<1x128xi32, #tpu.memory_space<vmem>> -> memref<128xi32, #tpu.memory_space<vmem>>
      %dma_wait3A_55 = arith.constant 0 : i32
      %dma_wait3A_56 = arith.constant 0 : i32
      %dma_wait3A_57 = tpu.memref_slice %arg2[%dma_wait3A_55, %dma_wait3A_56] : memref<10008x128xf32, #tpu.memory_space<hbm>> -> memref<10008x128xf32, #tpu.memory_space<hbm>>
      tpu.wait_indirect_dma semaphore(%arg12 : memref<!tpu.dma_semaphore, #tpu.memory_space<semaphore_mem>>) src(%dma_wait3A_57 : memref<10008x128xf32, #tpu.memory_space<hbm>>) dst(%arg10 : memref<128x128xf32, #tpu.memory_space<vmem>>)
      %add3A_58 = arith.constant 2 : i32
      %add3A_59 = arith.addi %mul3A_43, %add3A_58 : i32
      %min3A = arith.constant 39 : i32
      %min3A_60 = arith.minsi %add3A_59, %min3A : i32
      %dma_start3A_61 = arith.constant 0 : i32
      %dma_start3A_62 = tpu.memref_slice %arg7[%min3A_60, %dma_start3A_61] : memref<40x128xi32, #tpu.memory_space<vmem>> -> memref<1x128xi32, #tpu.memory_space<vmem>>
      %dma_start3A_63 = tpu.memref_squeeze %dma_start3A_62 : memref<1x128xi32, #tpu.memory_space<vmem>> -> memref<128xi32, #tpu.memory_space<vmem>>
      %dma_start3A_64 = arith.constant 0 : i32
      %dma_start3A_65 = arith.constant 0 : i32
      %dma_start3A_66 = tpu.memref_slice %arg2[%dma_start3A_64, %dma_start3A_65] : memref<10008x128xf32, #tpu.memory_space<hbm>> -> memref<10008x128xf32, #tpu.memory_space<hbm>>
      tpu.enqueue_indirect_dma source(%dma_start3A_66 : memref<10008x128xf32, #tpu.memory_space<hbm>>) target(%arg9 : memref<128x128xf32, #tpu.memory_space<vmem>>) offsets(%dma_start3A_63 : memref<128xi32, #tpu.memory_space<vmem>>) semaphore(%arg12 : memref<!tpu.dma_semaphore, #tpu.memory_space<semaphore_mem>>)
      %add3A_67 = arith.constant 1 : i32
      %add3A_68 = arith.addi %mul3A_43, %add3A_67 : i32
      "tpu.region"() ({
        %run_scoped3A = tpu.sem_alloc : memref<!tpu.dma_semaphore, #tpu.memory_space<semaphore_mem>>
        %dma_start3A_75 = arith.constant 0 : i32
        %dma_start3A_76 = tpu.memref_slice %arg8[%add3A_68, %dma_start3A_75] : memref<40x128xi32, #tpu.memory_space<vmem>> -> memref<1x128xi32, #tpu.memory_space<vmem>>
        %dma_start3A_77 = tpu.memref_squeeze %dma_start3A_76 : memref<1x128xi32, #tpu.memory_space<vmem>> -> memref<128xi32, #tpu.memory_space<vmem>>
        %dma_start3A_78 = arith.constant 0 : i32
        %dma_start3A_79 = arith.constant 0 : i32
        %dma_start3A_80 = tpu.memref_slice %arg11[%dma_start3A_78, %dma_start3A_79] : memref<10112x128xf32, #tpu.memory_space<vmem_shared>> -> memref<10112x128xf32, #tpu.memory_space<vmem_shared>>
        tpu.enqueue_indirect_dma source(%arg10 : memref<128x128xf32, #tpu.memory_space<vmem>>) target(%dma_start3A_80 : memref<10112x128xf32, #tpu.memory_space<vmem_shared>>) offsets(%dma_start3A_77 : memref<128xi32, #tpu.memory_space<vmem>>) semaphore(%run_scoped3A : memref<!tpu.dma_semaphore, #tpu.memory_space<semaphore_mem>>) {add = true}
        %dma_wait3A_81 = arith.constant 0 : i32
        %dma_wait3A_82 = tpu.memref_slice %arg8[%add3A_68, %dma_wait3A_81] : memref<40x128xi32, #tpu.memory_space<vmem>> -> memref<1x128xi32, #tpu.memory_space<vmem>>
        %dma_wait3A_83 = tpu.memref_squeeze %dma_wait3A_82 : memref<1x128xi32, #tpu.memory_space<vmem>> -> memref<128xi32, #tpu.memory_space<vmem>>
        %dma_wait3A_84 = arith.constant 0 : i32
        %dma_wait3A_85 = arith.constant 0 : i32
        %dma_wait3A_86 = tpu.memref_slice %arg11[%dma_wait3A_84, %dma_wait3A_85] : memref<10112x128xf32, #tpu.memory_space<vmem_shared>> -> memref<10112x128xf32, #tpu.memory_space<vmem_shared>>
        tpu.wait_indirect_dma semaphore(%run_scoped3A : memref<!tpu.dma_semaphore, #tpu.memory_space<semaphore_mem>>) src(%arg10 : memref<128x128xf32, #tpu.memory_space<vmem>>) dst(%dma_wait3A_86 : memref<10112x128xf32, #tpu.memory_space<vmem_shared>>)
        tpu.yield
      }) : () -> ()
      %dma_wait3A_69 = arith.constant 0 : i32
      %dma_wait3A_70 = tpu.memref_slice %arg7[%min3A_60, %dma_wait3A_69] : memref<40x128xi32, #tpu.memory_space<vmem>> -> memref<1x128xi32, #tpu.memory_space<vmem>>
      %dma_wait3A_71 = tpu.memref_squeeze %dma_wait3A_70 : memref<1x128xi32, #tpu.memory_space<vmem>> -> memref<128xi32, #tpu.memory_space<vmem>>
      %dma_wait3A_72 = arith.constant 0 : i32
      %dma_wait3A_73 = arith.constant 0 : i32
      %dma_wait3A_74 = tpu.memref_slice %arg2[%dma_wait3A_72, %dma_wait3A_73] : memref<10008x128xf32, #tpu.memory_space<hbm>> -> memref<10008x128xf32, #tpu.memory_space<hbm>>
      tpu.wait_indirect_dma semaphore(%arg12 : memref<!tpu.dma_semaphore, #tpu.memory_space<semaphore_mem>>) src(%dma_wait3A_74 : memref<10008x128xf32, #tpu.memory_space<hbm>>) dst(%arg9 : memref<128x128xf32, #tpu.memory_space<vmem>>)
    }
    %scan3A_19 = arith.constant 20 : i32
    "tpu.region"() ({
      %run_scoped3A = tpu.sem_alloc : memref<!tpu.dma_semaphore, #tpu.memory_space<semaphore_mem>>
      %dma_start3A_41 = arith.constant 40 : i32
      %dma_start3A_42 = arith.constant 0 : i32
      %dma_start3A_43 = tpu.memref_slice %arg3[%add3A, %dma_start3A_41, %dma_start3A_42] : memref<32x80x128xi32, #tpu.memory_space<hbm>> -> memref<1x40x128xi32, #tpu.memory_space<hbm>>
      %dma_start3A_44 = tpu.memref_squeeze %dma_start3A_43 : memref<1x40x128xi32, #tpu.memory_space<hbm>> -> memref<40x128xi32, #tpu.memory_space<hbm>>
      %dma_start3A_45 = arith.constant 40 : i32
      %dma_start3A_46 = arith.constant 0 : i32
      %dma_start3A_47 = tpu.memref_slice %arg3[%add3A, %dma_start3A_45, %dma_start3A_46] : memref<32x80x128xi32, #tpu.memory_space<hbm>> -> memref<1x40x128xi32, #tpu.memory_space<hbm>>
      %dma_start3A_48 = tpu.memref_squeeze %dma_start3A_47 : memref<1x40x128xi32, #tpu.memory_space<hbm>> -> memref<40x128xi32, #tpu.memory_space<hbm>>
      tpu.enqueue_dma source(%dma_start3A_48 : memref<40x128xi32, #tpu.memory_space<hbm>>) target(%arg7 : memref<40x128xi32, #tpu.memory_space<vmem>>) target_semaphore(%run_scoped3A : memref<!tpu.dma_semaphore, #tpu.memory_space<semaphore_mem>>)
      %dma_wait3A_49 = arith.constant 40 : i32
      %dma_wait3A_50 = arith.constant 0 : i32
      %dma_wait3A_51 = tpu.memref_slice %arg3[%add3A, %dma_wait3A_49, %dma_wait3A_50] : memref<32x80x128xi32, #tpu.memory_space<hbm>> -> memref<1x40x128xi32, #tpu.memory_space<hbm>>
      %dma_wait3A_52 = tpu.memref_squeeze %dma_wait3A_51 : memref<1x40x128xi32, #tpu.memory_space<hbm>> -> memref<40x128xi32, #tpu.memory_space<hbm>>
      %dma_wait3A_53 = arith.constant 40 : i32
      %dma_wait3A_54 = arith.constant 0 : i32
      %dma_wait3A_55 = tpu.memref_slice %arg3[%add3A, %dma_wait3A_53, %dma_wait3A_54] : memref<32x80x128xi32, #tpu.memory_space<hbm>> -> memref<1x40x128xi32, #tpu.memory_space<hbm>>
      %dma_wait3A_56 = tpu.memref_squeeze %dma_wait3A_55 : memref<1x40x128xi32, #tpu.memory_space<hbm>> -> memref<40x128xi32, #tpu.memory_space<hbm>>
      tpu.wait_dma2 semaphore(%run_scoped3A : memref<!tpu.dma_semaphore, #tpu.memory_space<semaphore_mem>>) src(%dma_wait3A_56 : memref<40x128xi32, #tpu.memory_space<hbm>>) dst(%arg7 : memref<40x128xi32, #tpu.memory_space<vmem>>)
      tpu.yield
    }) : () -> ()
    "tpu.region"() ({
      %run_scoped3A = tpu.sem_alloc : memref<!tpu.dma_semaphore, #tpu.memory_space<semaphore_mem>>
      %dma_start3A_41 = arith.constant 40 : i32
      %dma_start3A_42 = arith.constant 0 : i32
      %dma_start3A_43 = tpu.memref_slice %arg4[%add3A, %dma_start3A_41, %dma_start3A_42] : memref<32x80x128xi32, #tpu.memory_space<hbm>> -> memref<1x40x128xi32, #tpu.memory_space<hbm>>
      %dma_start3A_44 = tpu.memref_squeeze %dma_start3A_43 : memref<1x40x128xi32, #tpu.memory_space<hbm>> -> memref<40x128xi32, #tpu.memory_space<hbm>>
      %dma_start3A_45 = arith.constant 40 : i32
      %dma_start3A_46 = arith.constant 0 : i32
      %dma_start3A_47 = tpu.memref_slice %arg4[%add3A, %dma_start3A_45, %dma_start3A_46] : memref<32x80x128xi32, #tpu.memory_space<hbm>> -> memref<1x40x128xi32, #tpu.memory_space<hbm>>
      %dma_start3A_48 = tpu.memref_squeeze %dma_start3A_47 : memref<1x40x128xi32, #tpu.memory_space<hbm>> -> memref<40x128xi32, #tpu.memory_space<hbm>>
      tpu.enqueue_dma source(%dma_start3A_48 : memref<40x128xi32, #tpu.memory_space<hbm>>) target(%arg8 : memref<40x128xi32, #tpu.memory_space<vmem>>) target_semaphore(%run_scoped3A : memref<!tpu.dma_semaphore, #tpu.memory_space<semaphore_mem>>)
      %dma_wait3A_49 = arith.constant 40 : i32
      %dma_wait3A_50 = arith.constant 0 : i32
      %dma_wait3A_51 = tpu.memref_slice %arg4[%add3A, %dma_wait3A_49, %dma_wait3A_50] : memref<32x80x128xi32, #tpu.memory_space<hbm>> -> memref<1x40x128xi32, #tpu.memory_space<hbm>>
      %dma_wait3A_52 = tpu.memref_squeeze %dma_wait3A_51 : memref<1x40x128xi32, #tpu.memory_space<hbm>> -> memref<40x128xi32, #tpu.memory_space<hbm>>
      %dma_wait3A_53 = arith.constant 40 : i32
      %dma_wait3A_54 = arith.constant 0 : i32
      %dma_wait3A_55 = tpu.memref_slice %arg4[%add3A, %dma_wait3A_53, %dma_wait3A_54] : memref<32x80x128xi32, #tpu.memory_space<hbm>> -> memref<1x40x128xi32, #tpu.memory_space<hbm>>
      %dma_wait3A_56 = tpu.memref_squeeze %dma_wait3A_55 : memref<1x40x128xi32, #tpu.memory_space<hbm>> -> memref<40x128xi32, #tpu.memory_space<hbm>>
      tpu.wait_dma2 semaphore(%run_scoped3A : memref<!tpu.dma_semaphore, #tpu.memory_space<semaphore_mem>>) src(%dma_wait3A_56 : memref<40x128xi32, #tpu.memory_space<hbm>>) dst(%arg8 : memref<40x128xi32, #tpu.memory_space<vmem>>)
      tpu.yield
    }) : () -> ()
    %dma_start3A_20 = arith.constant 0 : i32
    %dma_start3A_21 = arith.constant 0 : i32
    %dma_start3A_22 = tpu.memref_slice %arg7[%dma_start3A_20, %dma_start3A_21] : memref<40x128xi32, #tpu.memory_space<vmem>> -> memref<1x128xi32, #tpu.memory_space<vmem>>
    %dma_start3A_23 = tpu.memref_squeeze %dma_start3A_22 : memref<1x128xi32, #tpu.memory_space<vmem>> -> memref<128xi32, #tpu.memory_space<vmem>>
    %dma_start3A_24 = arith.constant 0 : i32
    %dma_start3A_25 = arith.constant 0 : i32
    %dma_start3A_26 = tpu.memref_slice %arg2[%dma_start3A_24, %dma_start3A_25] : memref<10008x128xf32, #tpu.memory_space<hbm>> -> memref<10008x128xf32, #tpu.memory_space<hbm>>
    tpu.enqueue_indirect_dma source(%dma_start3A_26 : memref<10008x128xf32, #tpu.memory_space<hbm>>) target(%arg9 : memref<128x128xf32, #tpu.memory_space<vmem>>) offsets(%dma_start3A_23 : memref<128xi32, #tpu.memory_space<vmem>>) semaphore(%arg12 : memref<!tpu.dma_semaphore, #tpu.memory_space<semaphore_mem>>)
    %dma_wait3A_27 = arith.constant 0 : i32
    %dma_wait3A_28 = arith.constant 0 : i32
    %dma_wait3A_29 = tpu.memref_slice %arg7[%dma_wait3A_27, %dma_wait3A_28] : memref<40x128xi32, #tpu.memory_space<vmem>> -> memref<1x128xi32, #tpu.memory_space<vmem>>
    %dma_wait3A_30 = tpu.memref_squeeze %dma_wait3A_29 : memref<1x128xi32, #tpu.memory_space<vmem>> -> memref<128xi32, #tpu.memory_space<vmem>>
    %dma_wait3A_31 = arith.constant 0 : i32
    %dma_wait3A_32 = arith.constant 0 : i32
    %dma_wait3A_33 = tpu.memref_slice %arg2[%dma_wait3A_31, %dma_wait3A_32] : memref<10008x128xf32, #tpu.memory_space<hbm>> -> memref<10008x128xf32, #tpu.memory_space<hbm>>
    tpu.wait_indirect_dma semaphore(%arg12 : memref<!tpu.dma_semaphore, #tpu.memory_space<semaphore_mem>>) src(%dma_wait3A_33 : memref<10008x128xf32, #tpu.memory_space<hbm>>) dst(%arg9 : memref<128x128xf32, #tpu.memory_space<vmem>>)
    %scan3A_34 = arith.constant 0 : i32
    %scan3A_35 = arith.constant 0 : i32
    %scan3A_36 = arith.constant 20 : i32
    %scan3A_37 = arith.addi %scan3A_35, %scan3A_36 : i32
    %scan3A_38 = arith.constant 1 : i32
    scf.for %scan3A_41 = %scan3A_35 to %scan3A_37 step %scan3A_38  : i32 {
      %mul3A_42 = arith.constant 2 : i32
      %mul3A_43 = arith.muli %mul3A_42, %scan3A_41 : i32
      %add3A_44 = arith.constant 1 : i32
      %add3A_45 = arith.addi %mul3A_43, %add3A_44 : i32
      %dma_start3A_46 = arith.constant 0 : i32
      %dma_start3A_47 = tpu.memref_slice %arg7[%add3A_45, %dma_start3A_46] : memref<40x128xi32, #tpu.memory_space<vmem>> -> memref<1x128xi32, #tpu.memory_space<vmem>>
      %dma_start3A_48 = tpu.memref_squeeze %dma_start3A_47 : memref<1x128xi32, #tpu.memory_space<vmem>> -> memref<128xi32, #tpu.memory_space<vmem>>
      %dma_start3A_49 = arith.constant 0 : i32
      %dma_start3A_50 = arith.constant 0 : i32
      %dma_start3A_51 = tpu.memref_slice %arg2[%dma_start3A_49, %dma_start3A_50] : memref<10008x128xf32, #tpu.memory_space<hbm>> -> memref<10008x128xf32, #tpu.memory_space<hbm>>
      tpu.enqueue_indirect_dma source(%dma_start3A_51 : memref<10008x128xf32, #tpu.memory_space<hbm>>) target(%arg10 : memref<128x128xf32, #tpu.memory_space<vmem>>) offsets(%dma_start3A_48 : memref<128xi32, #tpu.memory_space<vmem>>) semaphore(%arg12 : memref<!tpu.dma_semaphore, #tpu.memory_space<semaphore_mem>>)
      "tpu.region"() ({
        %run_scoped3A = tpu.sem_alloc : memref<!tpu.dma_semaphore, #tpu.memory_space<semaphore_mem>>
        %dma_start3A_75 = arith.constant 0 : i32
        %dma_start3A_76 = tpu.memref_slice %arg8[%mul3A_43, %dma_start3A_75] : memref<40x128xi32, #tpu.memory_space<vmem>> -> memref<1x128xi32, #tpu.memory_space<vmem>>
        %dma_start3A_77 = tpu.memref_squeeze %dma_start3A_76 : memref<1x128xi32, #tpu.memory_space<vmem>> -> memref<128xi32, #tpu.memory_space<vmem>>
        %dma_start3A_78 = arith.constant 0 : i32
        %dma_start3A_79 = arith.constant 0 : i32
        %dma_start3A_80 = tpu.memref_slice %arg11[%dma_start3A_78, %dma_start3A_79] : memref<10112x128xf32, #tpu.memory_space<vmem_shared>> -> memref<10112x128xf32, #tpu.memory_space<vmem_shared>>
        tpu.enqueue_indirect_dma source(%arg9 : memref<128x128xf32, #tpu.memory_space<vmem>>) target(%dma_start3A_80 : memref<10112x128xf32, #tpu.memory_space<vmem_shared>>) offsets(%dma_start3A_77 : memref<128xi32, #tpu.memory_space<vmem>>) semaphore(%run_scoped3A : memref<!tpu.dma_semaphore, #tpu.memory_space<semaphore_mem>>) {add = true}
        %dma_wait3A_81 = arith.constant 0 : i32
        %dma_wait3A_82 = tpu.memref_slice %arg8[%mul3A_43, %dma_wait3A_81] : memref<40x128xi32, #tpu.memory_space<vmem>> -> memref<1x128xi32, #tpu.memory_space<vmem>>
        %dma_wait3A_83 = tpu.memref_squeeze %dma_wait3A_82 : memref<1x128xi32, #tpu.memory_space<vmem>> -> memref<128xi32, #tpu.memory_space<vmem>>
        %dma_wait3A_84 = arith.constant 0 : i32
        %dma_wait3A_85 = arith.constant 0 : i32
        %dma_wait3A_86 = tpu.memref_slice %arg11[%dma_wait3A_84, %dma_wait3A_85] : memref<10112x128xf32, #tpu.memory_space<vmem_shared>> -> memref<10112x128xf32, #tpu.memory_space<vmem_shared>>
        tpu.wait_indirect_dma semaphore(%run_scoped3A : memref<!tpu.dma_semaphore, #tpu.memory_space<semaphore_mem>>) src(%arg9 : memref<128x128xf32, #tpu.memory_space<vmem>>) dst(%dma_wait3A_86 : memref<10112x128xf32, #tpu.memory_space<vmem_shared>>)
        tpu.yield
      }) : () -> ()
      %dma_wait3A_52 = arith.constant 0 : i32
      %dma_wait3A_53 = tpu.memref_slice %arg7[%add3A_45, %dma_wait3A_52] : memref<40x128xi32, #tpu.memory_space<vmem>> -> memref<1x128xi32, #tpu.memory_space<vmem>>
      %dma_wait3A_54 = tpu.memref_squeeze %dma_wait3A_53 : memref<1x128xi32, #tpu.memory_space<vmem>> -> memref<128xi32, #tpu.memory_space<vmem>>
      %dma_wait3A_55 = arith.constant 0 : i32
      %dma_wait3A_56 = arith.constant 0 : i32
      %dma_wait3A_57 = tpu.memref_slice %arg2[%dma_wait3A_55, %dma_wait3A_56] : memref<10008x128xf32, #tpu.memory_space<hbm>> -> memref<10008x128xf32, #tpu.memory_space<hbm>>
      tpu.wait_indirect_dma semaphore(%arg12 : memref<!tpu.dma_semaphore, #tpu.memory_space<semaphore_mem>>) src(%dma_wait3A_57 : memref<10008x128xf32, #tpu.memory_space<hbm>>) dst(%arg10 : memref<128x128xf32, #tpu.memory_space<vmem>>)
      %add3A_58 = arith.constant 2 : i32
      %add3A_59 = arith.addi %mul3A_43, %add3A_58 : i32
      %min3A = arith.constant 39 : i32
      %min3A_60 = arith.minsi %add3A_59, %min3A : i32
      %dma_start3A_61 = arith.constant 0 : i32
      %dma_start3A_62 = tpu.memref_slice %arg7[%min3A_60, %dma_start3A_61] : memref<40x128xi32, #tpu.memory_space<vmem>> -> memref<1x128xi32, #tpu.memory_space<vmem>>
      %dma_start3A_63 = tpu.memref_squeeze %dma_start3A_62 : memref<1x128xi32, #tpu.memory_space<vmem>> -> memref<128xi32, #tpu.memory_space<vmem>>
      %dma_start3A_64 = arith.constant 0 : i32
      %dma_start3A_65 = arith.constant 0 : i32
      %dma_start3A_66 = tpu.memref_slice %arg2[%dma_start3A_64, %dma_start3A_65] : memref<10008x128xf32, #tpu.memory_space<hbm>> -> memref<10008x128xf32, #tpu.memory_space<hbm>>
      tpu.enqueue_indirect_dma source(%dma_start3A_66 : memref<10008x128xf32, #tpu.memory_space<hbm>>) target(%arg9 : memref<128x128xf32, #tpu.memory_space<vmem>>) offsets(%dma_start3A_63 : memref<128xi32, #tpu.memory_space<vmem>>) semaphore(%arg12 : memref<!tpu.dma_semaphore, #tpu.memory_space<semaphore_mem>>)
      %add3A_67 = arith.constant 1 : i32
      %add3A_68 = arith.addi %mul3A_43, %add3A_67 : i32
      "tpu.region"() ({
        %run_scoped3A = tpu.sem_alloc : memref<!tpu.dma_semaphore, #tpu.memory_space<semaphore_mem>>
        %dma_start3A_75 = arith.constant 0 : i32
        %dma_start3A_76 = tpu.memref_slice %arg8[%add3A_68, %dma_start3A_75] : memref<40x128xi32, #tpu.memory_space<vmem>> -> memref<1x128xi32, #tpu.memory_space<vmem>>
        %dma_start3A_77 = tpu.memref_squeeze %dma_start3A_76 : memref<1x128xi32, #tpu.memory_space<vmem>> -> memref<128xi32, #tpu.memory_space<vmem>>
        %dma_start3A_78 = arith.constant 0 : i32
        %dma_start3A_79 = arith.constant 0 : i32
        %dma_start3A_80 = tpu.memref_slice %arg11[%dma_start3A_78, %dma_start3A_79] : memref<10112x128xf32, #tpu.memory_space<vmem_shared>> -> memref<10112x128xf32, #tpu.memory_space<vmem_shared>>
        tpu.enqueue_indirect_dma source(%arg10 : memref<128x128xf32, #tpu.memory_space<vmem>>) target(%dma_start3A_80 : memref<10112x128xf32, #tpu.memory_space<vmem_shared>>) offsets(%dma_start3A_77 : memref<128xi32, #tpu.memory_space<vmem>>) semaphore(%run_scoped3A : memref<!tpu.dma_semaphore, #tpu.memory_space<semaphore_mem>>) {add = true}
        %dma_wait3A_81 = arith.constant 0 : i32
        %dma_wait3A_82 = tpu.memref_slice %arg8[%add3A_68, %dma_wait3A_81] : memref<40x128xi32, #tpu.memory_space<vmem>> -> memref<1x128xi32, #tpu.memory_space<vmem>>
        %dma_wait3A_83 = tpu.memref_squeeze %dma_wait3A_82 : memref<1x128xi32, #tpu.memory_space<vmem>> -> memref<128xi32, #tpu.memory_space<vmem>>
        %dma_wait3A_84 = arith.constant 0 : i32
        %dma_wait3A_85 = arith.constant 0 : i32
        %dma_wait3A_86 = tpu.memref_slice %arg11[%dma_wait3A_84, %dma_wait3A_85] : memref<10112x128xf32, #tpu.memory_space<vmem_shared>> -> memref<10112x128xf32, #tpu.memory_space<vmem_shared>>
        tpu.wait_indirect_dma semaphore(%run_scoped3A : memref<!tpu.dma_semaphore, #tpu.memory_space<semaphore_mem>>) src(%arg10 : memref<128x128xf32, #tpu.memory_space<vmem>>) dst(%dma_wait3A_86 : memref<10112x128xf32, #tpu.memory_space<vmem_shared>>)
        tpu.yield
      }) : () -> ()
      %dma_wait3A_69 = arith.constant 0 : i32
      %dma_wait3A_70 = tpu.memref_slice %arg7[%min3A_60, %dma_wait3A_69] : memref<40x128xi32, #tpu.memory_space<vmem>> -> memref<1x128xi32, #tpu.memory_space<vmem>>
      %dma_wait3A_71 = tpu.memref_squeeze %dma_wait3A_70 : memref<1x128xi32, #tpu.memory_space<vmem>> -> memref<128xi32, #tpu.memory_space<vmem>>
      %dma_wait3A_72 = arith.constant 0 : i32
      %dma_wait3A_73 = arith.constant 0 : i32
      %dma_wait3A_74 = tpu.memref_slice %arg2[%dma_wait3A_72, %dma_wait3A_73] : memref<10008x128xf32, #tpu.memory_space<hbm>> -> memref<10008x128xf32, #tpu.memory_space<hbm>>
      tpu.wait_indirect_dma semaphore(%arg12 : memref<!tpu.dma_semaphore, #tpu.memory_space<semaphore_mem>>) src(%dma_wait3A_74 : memref<10008x128xf32, #tpu.memory_space<hbm>>) dst(%arg9 : memref<128x128xf32, #tpu.memory_space<vmem>>)
    }
    %scan3A_39 = arith.constant 20 : i32
    %barrier3A_40 = arith.constant 0 : index
    tpu.barrier barrier_id(%barrier3A_40)
    "tpu.region"() ({
      %run_scoped3A = tpu.sem_alloc : memref<!tpu.dma_semaphore, #tpu.memory_space<semaphore_mem>>
      %dma_start3A_41 = arith.constant 0 : i32
      %dma_start3A_42 = tpu.memref_slice %arg6[%arg0, %mul3A_2, %dma_start3A_41] : memref<2x10112x128xf32, #tpu.memory_space<hbm>> -> memref<1x632x128xf32, #tpu.memory_space<hbm>>
      %dma_start3A_43 = tpu.memref_squeeze %dma_start3A_42 : memref<1x632x128xf32, #tpu.memory_space<hbm>> -> memref<632x128xf32, #tpu.memory_space<hbm>>
      %dma_start3A_44 = arith.constant 0 : i32
      %dma_start3A_45 = tpu.memref_slice %arg11[%mul3A_2, %dma_start3A_44] : memref<10112x128xf32, #tpu.memory_space<vmem_shared>> -> memref<632x128xf32, #tpu.memory_space<vmem_shared>>
      tpu.enqueue_dma source(%dma_start3A_45 : memref<632x128xf32, #tpu.memory_space<vmem_shared>>) target(%dma_start3A_43 : memref<632x128xf32, #tpu.memory_space<hbm>>) target_semaphore(%run_scoped3A : memref<!tpu.dma_semaphore, #tpu.memory_space<semaphore_mem>>)
      %dma_wait3A_46 = arith.constant 0 : i32
      %dma_wait3A_47 = tpu.memref_slice %arg6[%arg0, %mul3A_2, %dma_wait3A_46] : memref<2x10112x128xf32, #tpu.memory_space<hbm>> -> memref<1x632x128xf32, #tpu.memory_space<hbm>>
      %dma_wait3A_48 = tpu.memref_squeeze %dma_wait3A_47 : memref<1x632x128xf32, #tpu.memory_space<hbm>> -> memref<632x128xf32, #tpu.memory_space<hbm>>
      %dma_wait3A_49 = arith.constant 0 : i32
      %dma_wait3A_50 = tpu.memref_slice %arg11[%mul3A_2, %dma_wait3A_49] : memref<10112x128xf32, #tpu.memory_space<vmem_shared>> -> memref<632x128xf32, #tpu.memory_space<vmem_shared>>
      tpu.wait_dma2 semaphore(%run_scoped3A : memref<!tpu.dma_semaphore, #tpu.memory_space<semaphore_mem>>) src(%dma_wait3A_50 : memref<632x128xf32, #tpu.memory_space<vmem_shared>>) dst(%dma_wait3A_48 : memref<632x128xf32, #tpu.memory_space<hbm>>)
      tpu.yield
    }) : () -> ()
    return
  }
}

#map = affine_map<(d0, d1) -> (0, 0)>
#map1 = affine_map<(d0, d1) -> (0, 0, 0)>
module attributes {stable_mosaic.version = 14 : i64} {
  func.func @agg(%arg0: i32, %arg1: i32, %arg2: memref<10008x128xf32, #tpu.memory_space<hbm>>, %arg3: memref<32x80x128xi32, #tpu.memory_space<hbm>>, %arg4: memref<32x80x128xi32, #tpu.memory_space<hbm>>, %arg5: memref<632x128xf32, #tpu.memory_space<hbm>>, %arg6: memref<2x10112x128xf32, #tpu.memory_space<hbm>>, %arg7: memref<40x128xi32, #tpu.memory_space<vmem>>, %arg8: memref<40x128xi32, #tpu.memory_space<vmem>>, %arg9: memref<128x128xf32, #tpu.memory_space<vmem>>, %arg10: memref<128x128xf32, #tpu.memory_space<vmem>>, %arg11: memref<10112x128xf32, #tpu.memory_space<vmem_shared>>, %arg12: memref<!tpu.dma_semaphore, #tpu.memory_space<semaphore_mem>>) attributes {dimension_semantics = [#tpu.dimension_semantics<core_parallel>, #tpu.dimension_semantics<subcore_parallel>], iteration_bounds = array<i64: 2, 16>, scalar_prefetch = 0 : i64, scratch_operands = 6 : i64, tpu.core_type = #tpu.core_type<sc_vector_subcore>, window_params = [{transform_indices = #map}, {transform_indices = #map1}, {transform_indices = #map1}, {transform_indices = #map}, {transform_indices = #map1}]} {
    %mul3A = arith.constant 2 : i32
    %mul3A_0 = arith.muli %arg1, %mul3A : i32
    %add3A = arith.addi %mul3A_0, %arg0 : i32
    %mul3A_1 = arith.constant 632 : i32
    %mul3A_2 = arith.muli %arg1, %mul3A_1 : i32
    "tpu.region"() ({
      %run_scoped3A = tpu.sem_alloc : memref<!tpu.dma_semaphore, #tpu.memory_space<semaphore_mem>>
      %dma_start3A_41 = arith.constant 0 : i32
      %dma_start3A_42 = tpu.memref_slice %arg11[%mul3A_2, %dma_start3A_41] : memref<10112x128xf32, #tpu.memory_space<vmem_shared>> -> memref<632x128xf32, #tpu.memory_space<vmem_shared>>
      tpu.enqueue_dma source(%arg5 : memref<632x128xf32, #tpu.memory_space<hbm>>) target(%dma_start3A_42 : memref<632x128xf32, #tpu.memory_space<vmem_shared>>) target_semaphore(%run_scoped3A : memref<!tpu.dma_semaphore, #tpu.memory_space<semaphore_mem>>)
      %dma_wait3A_43 = arith.constant 0 : i32
      %dma_wait3A_44 = tpu.memref_slice %arg11[%mul3A_2, %dma_wait3A_43] : memref<10112x128xf32, #tpu.memory_space<vmem_shared>> -> memref<632x128xf32, #tpu.memory_space<vmem_shared>>
      tpu.wait_dma2 semaphore(%run_scoped3A : memref<!tpu.dma_semaphore, #tpu.memory_space<semaphore_mem>>) src(%arg5 : memref<632x128xf32, #tpu.memory_space<hbm>>) dst(%dma_wait3A_44 : memref<632x128xf32, #tpu.memory_space<vmem_shared>>)
      tpu.yield
    }) : () -> ()
    %barrier3A = arith.constant 0 : index
    tpu.barrier barrier_id(%barrier3A)
    "tpu.region"() ({
      %run_scoped3A = tpu.sem_alloc : memref<!tpu.dma_semaphore, #tpu.memory_space<semaphore_mem>>
      %dma_start3A_41 = arith.constant 0 : i32
      %dma_start3A_42 = arith.constant 0 : i32
      %dma_start3A_43 = tpu.memref_slice %arg3[%add3A, %dma_start3A_41, %dma_start3A_42] : memref<32x80x128xi32, #tpu.memory_space<hbm>> -> memref<1x40x128xi32, #tpu.memory_space<hbm>>
      %dma_start3A_44 = tpu.memref_squeeze %dma_start3A_43 : memref<1x40x128xi32, #tpu.memory_space<hbm>> -> memref<40x128xi32, #tpu.memory_space<hbm>>
      %dma_start3A_45 = arith.constant 0 : i32
      %dma_start3A_46 = arith.constant 0 : i32
      %dma_start3A_47 = tpu.memref_slice %arg3[%add3A, %dma_start3A_45, %dma_start3A_46] : memref<32x80x128xi32, #tpu.memory_space<hbm>> -> memref<1x40x128xi32, #tpu.memory_space<hbm>>
      %dma_start3A_48 = tpu.memref_squeeze %dma_start3A_47 : memref<1x40x128xi32, #tpu.memory_space<hbm>> -> memref<40x128xi32, #tpu.memory_space<hbm>>
      tpu.enqueue_dma source(%dma_start3A_48 : memref<40x128xi32, #tpu.memory_space<hbm>>) target(%arg7 : memref<40x128xi32, #tpu.memory_space<vmem>>) target_semaphore(%run_scoped3A : memref<!tpu.dma_semaphore, #tpu.memory_space<semaphore_mem>>)
      %dma_wait3A_49 = arith.constant 0 : i32
      %dma_wait3A_50 = arith.constant 0 : i32
      %dma_wait3A_51 = tpu.memref_slice %arg3[%add3A, %dma_wait3A_49, %dma_wait3A_50] : memref<32x80x128xi32, #tpu.memory_space<hbm>> -> memref<1x40x128xi32, #tpu.memory_space<hbm>>
      %dma_wait3A_52 = tpu.memref_squeeze %dma_wait3A_51 : memref<1x40x128xi32, #tpu.memory_space<hbm>> -> memref<40x128xi32, #tpu.memory_space<hbm>>
      %dma_wait3A_53 = arith.constant 0 : i32
      %dma_wait3A_54 = arith.constant 0 : i32
      %dma_wait3A_55 = tpu.memref_slice %arg3[%add3A, %dma_wait3A_53, %dma_wait3A_54] : memref<32x80x128xi32, #tpu.memory_space<hbm>> -> memref<1x40x128xi32, #tpu.memory_space<hbm>>
      %dma_wait3A_56 = tpu.memref_squeeze %dma_wait3A_55 : memref<1x40x128xi32, #tpu.memory_space<hbm>> -> memref<40x128xi32, #tpu.memory_space<hbm>>
      tpu.wait_dma2 semaphore(%run_scoped3A : memref<!tpu.dma_semaphore, #tpu.memory_space<semaphore_mem>>) src(%dma_wait3A_56 : memref<40x128xi32, #tpu.memory_space<hbm>>) dst(%arg7 : memref<40x128xi32, #tpu.memory_space<vmem>>)
      tpu.yield
    }) : () -> ()
    "tpu.region"() ({
      %run_scoped3A = tpu.sem_alloc : memref<!tpu.dma_semaphore, #tpu.memory_space<semaphore_mem>>
      %dma_start3A_41 = arith.constant 0 : i32
      %dma_start3A_42 = arith.constant 0 : i32
      %dma_start3A_43 = tpu.memref_slice %arg4[%add3A, %dma_start3A_41, %dma_start3A_42] : memref<32x80x128xi32, #tpu.memory_space<hbm>> -> memref<1x40x128xi32, #tpu.memory_space<hbm>>
      %dma_start3A_44 = tpu.memref_squeeze %dma_start3A_43 : memref<1x40x128xi32, #tpu.memory_space<hbm>> -> memref<40x128xi32, #tpu.memory_space<hbm>>
      %dma_start3A_45 = arith.constant 0 : i32
      %dma_start3A_46 = arith.constant 0 : i32
      %dma_start3A_47 = tpu.memref_slice %arg4[%add3A, %dma_start3A_45, %dma_start3A_46] : memref<32x80x128xi32, #tpu.memory_space<hbm>> -> memref<1x40x128xi32, #tpu.memory_space<hbm>>
      %dma_start3A_48 = tpu.memref_squeeze %dma_start3A_47 : memref<1x40x128xi32, #tpu.memory_space<hbm>> -> memref<40x128xi32, #tpu.memory_space<hbm>>
      tpu.enqueue_dma source(%dma_start3A_48 : memref<40x128xi32, #tpu.memory_space<hbm>>) target(%arg8 : memref<40x128xi32, #tpu.memory_space<vmem>>) target_semaphore(%run_scoped3A : memref<!tpu.dma_semaphore, #tpu.memory_space<semaphore_mem>>)
      %dma_wait3A_49 = arith.constant 0 : i32
      %dma_wait3A_50 = arith.constant 0 : i32
      %dma_wait3A_51 = tpu.memref_slice %arg4[%add3A, %dma_wait3A_49, %dma_wait3A_50] : memref<32x80x128xi32, #tpu.memory_space<hbm>> -> memref<1x40x128xi32, #tpu.memory_space<hbm>>
      %dma_wait3A_52 = tpu.memref_squeeze %dma_wait3A_51 : memref<1x40x128xi32, #tpu.memory_space<hbm>> -> memref<40x128xi32, #tpu.memory_space<hbm>>
      %dma_wait3A_53 = arith.constant 0 : i32
      %dma_wait3A_54 = arith.constant 0 : i32
      %dma_wait3A_55 = tpu.memref_slice %arg4[%add3A, %dma_wait3A_53, %dma_wait3A_54] : memref<32x80x128xi32, #tpu.memory_space<hbm>> -> memref<1x40x128xi32, #tpu.memory_space<hbm>>
      %dma_wait3A_56 = tpu.memref_squeeze %dma_wait3A_55 : memref<1x40x128xi32, #tpu.memory_space<hbm>> -> memref<40x128xi32, #tpu.memory_space<hbm>>
      tpu.wait_dma2 semaphore(%run_scoped3A : memref<!tpu.dma_semaphore, #tpu.memory_space<semaphore_mem>>) src(%dma_wait3A_56 : memref<40x128xi32, #tpu.memory_space<hbm>>) dst(%arg8 : memref<40x128xi32, #tpu.memory_space<vmem>>)
      tpu.yield
    }) : () -> ()
    %dma_start3A = arith.constant 0 : i32
    %dma_start3A_3 = arith.constant 0 : i32
    %dma_start3A_4 = tpu.memref_slice %arg7[%dma_start3A, %dma_start3A_3] : memref<40x128xi32, #tpu.memory_space<vmem>> -> memref<1x128xi32, #tpu.memory_space<vmem>>
    %dma_start3A_5 = tpu.memref_squeeze %dma_start3A_4 : memref<1x128xi32, #tpu.memory_space<vmem>> -> memref<128xi32, #tpu.memory_space<vmem>>
    %dma_start3A_6 = arith.constant 0 : i32
    %dma_start3A_7 = arith.constant 0 : i32
    %dma_start3A_8 = tpu.memref_slice %arg2[%dma_start3A_6, %dma_start3A_7] : memref<10008x128xf32, #tpu.memory_space<hbm>> -> memref<10008x128xf32, #tpu.memory_space<hbm>>
    tpu.enqueue_indirect_dma source(%dma_start3A_8 : memref<10008x128xf32, #tpu.memory_space<hbm>>) target(%arg9 : memref<128x128xf32, #tpu.memory_space<vmem>>) offsets(%dma_start3A_5 : memref<128xi32, #tpu.memory_space<vmem>>) semaphore(%arg12 : memref<!tpu.dma_semaphore, #tpu.memory_space<semaphore_mem>>)
    %dma_wait3A = arith.constant 0 : i32
    %dma_wait3A_9 = arith.constant 0 : i32
    %dma_wait3A_10 = tpu.memref_slice %arg7[%dma_wait3A, %dma_wait3A_9] : memref<40x128xi32, #tpu.memory_space<vmem>> -> memref<1x128xi32, #tpu.memory_space<vmem>>
    %dma_wait3A_11 = tpu.memref_squeeze %dma_wait3A_10 : memref<1x128xi32, #tpu.memory_space<vmem>> -> memref<128xi32, #tpu.memory_space<vmem>>
    %dma_wait3A_12 = arith.constant 0 : i32
    %dma_wait3A_13 = arith.constant 0 : i32
    %dma_wait3A_14 = tpu.memref_slice %arg2[%dma_wait3A_12, %dma_wait3A_13] : memref<10008x128xf32, #tpu.memory_space<hbm>> -> memref<10008x128xf32, #tpu.memory_space<hbm>>
    tpu.wait_indirect_dma semaphore(%arg12 : memref<!tpu.dma_semaphore, #tpu.memory_space<semaphore_mem>>) src(%dma_wait3A_14 : memref<10008x128xf32, #tpu.memory_space<hbm>>) dst(%arg9 : memref<128x128xf32, #tpu.memory_space<vmem>>)
    %scan3A = arith.constant 0 : i32
    %scan3A_15 = arith.constant 0 : i32
    %scan3A_16 = arith.constant 20 : i32
    %scan3A_17 = arith.addi %scan3A_15, %scan3A_16 : i32
    %scan3A_18 = arith.constant 1 : i32
    scf.for %scan3A_41 = %scan3A_15 to %scan3A_17 step %scan3A_18  : i32 {
      %mul3A_42 = arith.constant 2 : i32
      %mul3A_43 = arith.muli %mul3A_42, %scan3A_41 : i32
      %add3A_44 = arith.constant 1 : i32
      %add3A_45 = arith.addi %mul3A_43, %add3A_44 : i32
      %dma_start3A_46 = arith.constant 0 : i32
      %dma_start3A_47 = tpu.memref_slice %arg7[%add3A_45, %dma_start3A_46] : memref<40x128xi32, #tpu.memory_space<vmem>> -> memref<1x128xi32, #tpu.memory_space<vmem>>
      %dma_start3A_48 = tpu.memref_squeeze %dma_start3A_47 : memref<1x128xi32, #tpu.memory_space<vmem>> -> memref<128xi32, #tpu.memory_space<vmem>>
      %dma_start3A_49 = arith.constant 0 : i32
      %dma_start3A_50 = arith.constant 0 : i32
      %dma_start3A_51 = tpu.memref_slice %arg2[%dma_start3A_49, %dma_start3A_50] : memref<10008x128xf32, #tpu.memory_space<hbm>> -> memref<10008x128xf32, #tpu.memory_space<hbm>>
      tpu.enqueue_indirect_dma source(%dma_start3A_51 : memref<10008x128xf32, #tpu.memory_space<hbm>>) target(%arg10 : memref<128x128xf32, #tpu.memory_space<vmem>>) offsets(%dma_start3A_48 : memref<128xi32, #tpu.memory_space<vmem>>) semaphore(%arg12 : memref<!tpu.dma_semaphore, #tpu.memory_space<semaphore_mem>>)
      "tpu.region"() ({
        %run_scoped3A = tpu.sem_alloc : memref<!tpu.dma_semaphore, #tpu.memory_space<semaphore_mem>>
        %dma_start3A_75 = arith.constant 0 : i32
        %dma_start3A_76 = tpu.memref_slice %arg8[%mul3A_43, %dma_start3A_75] : memref<40x128xi32, #tpu.memory_space<vmem>> -> memref<1x128xi32, #tpu.memory_space<vmem>>
        %dma_start3A_77 = tpu.memref_squeeze %dma_start3A_76 : memref<1x128xi32, #tpu.memory_space<vmem>> -> memref<128xi32, #tpu.memory_space<vmem>>
        %dma_start3A_78 = arith.constant 0 : i32
        %dma_start3A_79 = arith.constant 0 : i32
        %dma_start3A_80 = tpu.memref_slice %arg11[%dma_start3A_78, %dma_start3A_79] : memref<10112x128xf32, #tpu.memory_space<vmem_shared>> -> memref<10112x128xf32, #tpu.memory_space<vmem_shared>>
        tpu.enqueue_indirect_dma source(%arg9 : memref<128x128xf32, #tpu.memory_space<vmem>>) target(%dma_start3A_80 : memref<10112x128xf32, #tpu.memory_space<vmem_shared>>) offsets(%dma_start3A_77 : memref<128xi32, #tpu.memory_space<vmem>>) semaphore(%run_scoped3A : memref<!tpu.dma_semaphore, #tpu.memory_space<semaphore_mem>>) {add = true}
        %dma_wait3A_81 = arith.constant 0 : i32
        %dma_wait3A_82 = tpu.memref_slice %arg8[%mul3A_43, %dma_wait3A_81] : memref<40x128xi32, #tpu.memory_space<vmem>> -> memref<1x128xi32, #tpu.memory_space<vmem>>
        %dma_wait3A_83 = tpu.memref_squeeze %dma_wait3A_82 : memref<1x128xi32, #tpu.memory_space<vmem>> -> memref<128xi32, #tpu.memory_space<vmem>>
        %dma_wait3A_84 = arith.constant 0 : i32
        %dma_wait3A_85 = arith.constant 0 : i32
        %dma_wait3A_86 = tpu.memref_slice %arg11[%dma_wait3A_84, %dma_wait3A_85] : memref<10112x128xf32, #tpu.memory_space<vmem_shared>> -> memref<10112x128xf32, #tpu.memory_space<vmem_shared>>
        tpu.wait_indirect_dma semaphore(%run_scoped3A : memref<!tpu.dma_semaphore, #tpu.memory_space<semaphore_mem>>) src(%arg9 : memref<128x128xf32, #tpu.memory_space<vmem>>) dst(%dma_wait3A_86 : memref<10112x128xf32, #tpu.memory_space<vmem_shared>>)
        tpu.yield
      }) : () -> ()
      %dma_wait3A_52 = arith.constant 0 : i32
      %dma_wait3A_53 = tpu.memref_slice %arg7[%add3A_45, %dma_wait3A_52] : memref<40x128xi32, #tpu.memory_space<vmem>> -> memref<1x128xi32, #tpu.memory_space<vmem>>
      %dma_wait3A_54 = tpu.memref_squeeze %dma_wait3A_53 : memref<1x128xi32, #tpu.memory_space<vmem>> -> memref<128xi32, #tpu.memory_space<vmem>>
      %dma_wait3A_55 = arith.constant 0 : i32
      %dma_wait3A_56 = arith.constant 0 : i32
      %dma_wait3A_57 = tpu.memref_slice %arg2[%dma_wait3A_55, %dma_wait3A_56] : memref<10008x128xf32, #tpu.memory_space<hbm>> -> memref<10008x128xf32, #tpu.memory_space<hbm>>
      tpu.wait_indirect_dma semaphore(%arg12 : memref<!tpu.dma_semaphore, #tpu.memory_space<semaphore_mem>>) src(%dma_wait3A_57 : memref<10008x128xf32, #tpu.memory_space<hbm>>) dst(%arg10 : memref<128x128xf32, #tpu.memory_space<vmem>>)
      %add3A_58 = arith.constant 2 : i32
      %add3A_59 = arith.addi %mul3A_43, %add3A_58 : i32
      %min3A = arith.constant 39 : i32
      %min3A_60 = arith.minsi %add3A_59, %min3A : i32
      %dma_start3A_61 = arith.constant 0 : i32
      %dma_start3A_62 = tpu.memref_slice %arg7[%min3A_60, %dma_start3A_61] : memref<40x128xi32, #tpu.memory_space<vmem>> -> memref<1x128xi32, #tpu.memory_space<vmem>>
      %dma_start3A_63 = tpu.memref_squeeze %dma_start3A_62 : memref<1x128xi32, #tpu.memory_space<vmem>> -> memref<128xi32, #tpu.memory_space<vmem>>
      %dma_start3A_64 = arith.constant 0 : i32
      %dma_start3A_65 = arith.constant 0 : i32
      %dma_start3A_66 = tpu.memref_slice %arg2[%dma_start3A_64, %dma_start3A_65] : memref<10008x128xf32, #tpu.memory_space<hbm>> -> memref<10008x128xf32, #tpu.memory_space<hbm>>
      tpu.enqueue_indirect_dma source(%dma_start3A_66 : memref<10008x128xf32, #tpu.memory_space<hbm>>) target(%arg9 : memref<128x128xf32, #tpu.memory_space<vmem>>) offsets(%dma_start3A_63 : memref<128xi32, #tpu.memory_space<vmem>>) semaphore(%arg12 : memref<!tpu.dma_semaphore, #tpu.memory_space<semaphore_mem>>)
      %add3A_67 = arith.constant 1 : i32
      %add3A_68 = arith.addi %mul3A_43, %add3A_67 : i32
      "tpu.region"() ({
        %run_scoped3A = tpu.sem_alloc : memref<!tpu.dma_semaphore, #tpu.memory_space<semaphore_mem>>
        %dma_start3A_75 = arith.constant 0 : i32
        %dma_start3A_76 = tpu.memref_slice %arg8[%add3A_68, %dma_start3A_75] : memref<40x128xi32, #tpu.memory_space<vmem>> -> memref<1x128xi32, #tpu.memory_space<vmem>>
        %dma_start3A_77 = tpu.memref_squeeze %dma_start3A_76 : memref<1x128xi32, #tpu.memory_space<vmem>> -> memref<128xi32, #tpu.memory_space<vmem>>
        %dma_start3A_78 = arith.constant 0 : i32
        %dma_start3A_79 = arith.constant 0 : i32
        %dma_start3A_80 = tpu.memref_slice %arg11[%dma_start3A_78, %dma_start3A_79] : memref<10112x128xf32, #tpu.memory_space<vmem_shared>> -> memref<10112x128xf32, #tpu.memory_space<vmem_shared>>
        tpu.enqueue_indirect_dma source(%arg10 : memref<128x128xf32, #tpu.memory_space<vmem>>) target(%dma_start3A_80 : memref<10112x128xf32, #tpu.memory_space<vmem_shared>>) offsets(%dma_start3A_77 : memref<128xi32, #tpu.memory_space<vmem>>) semaphore(%run_scoped3A : memref<!tpu.dma_semaphore, #tpu.memory_space<semaphore_mem>>) {add = true}
        %dma_wait3A_81 = arith.constant 0 : i32
        %dma_wait3A_82 = tpu.memref_slice %arg8[%add3A_68, %dma_wait3A_81] : memref<40x128xi32, #tpu.memory_space<vmem>> -> memref<1x128xi32, #tpu.memory_space<vmem>>
        %dma_wait3A_83 = tpu.memref_squeeze %dma_wait3A_82 : memref<1x128xi32, #tpu.memory_space<vmem>> -> memref<128xi32, #tpu.memory_space<vmem>>
        %dma_wait3A_84 = arith.constant 0 : i32
        %dma_wait3A_85 = arith.constant 0 : i32
        %dma_wait3A_86 = tpu.memref_slice %arg11[%dma_wait3A_84, %dma_wait3A_85] : memref<10112x128xf32, #tpu.memory_space<vmem_shared>> -> memref<10112x128xf32, #tpu.memory_space<vmem_shared>>
        tpu.wait_indirect_dma semaphore(%run_scoped3A : memref<!tpu.dma_semaphore, #tpu.memory_space<semaphore_mem>>) src(%arg10 : memref<128x128xf32, #tpu.memory_space<vmem>>) dst(%dma_wait3A_86 : memref<10112x128xf32, #tpu.memory_space<vmem_shared>>)
        tpu.yield
      }) : () -> ()
      %dma_wait3A_69 = arith.constant 0 : i32
      %dma_wait3A_70 = tpu.memref_slice %arg7[%min3A_60, %dma_wait3A_69] : memref<40x128xi32, #tpu.memory_space<vmem>> -> memref<1x128xi32, #tpu.memory_space<vmem>>
      %dma_wait3A_71 = tpu.memref_squeeze %dma_wait3A_70 : memref<1x128xi32, #tpu.memory_space<vmem>> -> memref<128xi32, #tpu.memory_space<vmem>>
      %dma_wait3A_72 = arith.constant 0 : i32
      %dma_wait3A_73 = arith.constant 0 : i32
      %dma_wait3A_74 = tpu.memref_slice %arg2[%dma_wait3A_72, %dma_wait3A_73] : memref<10008x128xf32, #tpu.memory_space<hbm>> -> memref<10008x128xf32, #tpu.memory_space<hbm>>
      tpu.wait_indirect_dma semaphore(%arg12 : memref<!tpu.dma_semaphore, #tpu.memory_space<semaphore_mem>>) src(%dma_wait3A_74 : memref<10008x128xf32, #tpu.memory_space<hbm>>) dst(%arg9 : memref<128x128xf32, #tpu.memory_space<vmem>>)
    }
    %scan3A_19 = arith.constant 20 : i32
    "tpu.region"() ({
      %run_scoped3A = tpu.sem_alloc : memref<!tpu.dma_semaphore, #tpu.memory_space<semaphore_mem>>
      %dma_start3A_41 = arith.constant 40 : i32
      %dma_start3A_42 = arith.constant 0 : i32
      %dma_start3A_43 = tpu.memref_slice %arg3[%add3A, %dma_start3A_41, %dma_start3A_42] : memref<32x80x128xi32, #tpu.memory_space<hbm>> -> memref<1x40x128xi32, #tpu.memory_space<hbm>>
      %dma_start3A_44 = tpu.memref_squeeze %dma_start3A_43 : memref<1x40x128xi32, #tpu.memory_space<hbm>> -> memref<40x128xi32, #tpu.memory_space<hbm>>
      %dma_start3A_45 = arith.constant 40 : i32
      %dma_start3A_46 = arith.constant 0 : i32
      %dma_start3A_47 = tpu.memref_slice %arg3[%add3A, %dma_start3A_45, %dma_start3A_46] : memref<32x80x128xi32, #tpu.memory_space<hbm>> -> memref<1x40x128xi32, #tpu.memory_space<hbm>>
      %dma_start3A_48 = tpu.memref_squeeze %dma_start3A_47 : memref<1x40x128xi32, #tpu.memory_space<hbm>> -> memref<40x128xi32, #tpu.memory_space<hbm>>
      tpu.enqueue_dma source(%dma_start3A_48 : memref<40x128xi32, #tpu.memory_space<hbm>>) target(%arg7 : memref<40x128xi32, #tpu.memory_space<vmem>>) target_semaphore(%run_scoped3A : memref<!tpu.dma_semaphore, #tpu.memory_space<semaphore_mem>>)
      %dma_wait3A_49 = arith.constant 40 : i32
      %dma_wait3A_50 = arith.constant 0 : i32
      %dma_wait3A_51 = tpu.memref_slice %arg3[%add3A, %dma_wait3A_49, %dma_wait3A_50] : memref<32x80x128xi32, #tpu.memory_space<hbm>> -> memref<1x40x128xi32, #tpu.memory_space<hbm>>
      %dma_wait3A_52 = tpu.memref_squeeze %dma_wait3A_51 : memref<1x40x128xi32, #tpu.memory_space<hbm>> -> memref<40x128xi32, #tpu.memory_space<hbm>>
      %dma_wait3A_53 = arith.constant 40 : i32
      %dma_wait3A_54 = arith.constant 0 : i32
      %dma_wait3A_55 = tpu.memref_slice %arg3[%add3A, %dma_wait3A_53, %dma_wait3A_54] : memref<32x80x128xi32, #tpu.memory_space<hbm>> -> memref<1x40x128xi32, #tpu.memory_space<hbm>>
      %dma_wait3A_56 = tpu.memref_squeeze %dma_wait3A_55 : memref<1x40x128xi32, #tpu.memory_space<hbm>> -> memref<40x128xi32, #tpu.memory_space<hbm>>
      tpu.wait_dma2 semaphore(%run_scoped3A : memref<!tpu.dma_semaphore, #tpu.memory_space<semaphore_mem>>) src(%dma_wait3A_56 : memref<40x128xi32, #tpu.memory_space<hbm>>) dst(%arg7 : memref<40x128xi32, #tpu.memory_space<vmem>>)
      tpu.yield
    }) : () -> ()
    "tpu.region"() ({
      %run_scoped3A = tpu.sem_alloc : memref<!tpu.dma_semaphore, #tpu.memory_space<semaphore_mem>>
      %dma_start3A_41 = arith.constant 40 : i32
      %dma_start3A_42 = arith.constant 0 : i32
      %dma_start3A_43 = tpu.memref_slice %arg4[%add3A, %dma_start3A_41, %dma_start3A_42] : memref<32x80x128xi32, #tpu.memory_space<hbm>> -> memref<1x40x128xi32, #tpu.memory_space<hbm>>
      %dma_start3A_44 = tpu.memref_squeeze %dma_start3A_43 : memref<1x40x128xi32, #tpu.memory_space<hbm>> -> memref<40x128xi32, #tpu.memory_space<hbm>>
      %dma_start3A_45 = arith.constant 40 : i32
      %dma_start3A_46 = arith.constant 0 : i32
      %dma_start3A_47 = tpu.memref_slice %arg4[%add3A, %dma_start3A_45, %dma_start3A_46] : memref<32x80x128xi32, #tpu.memory_space<hbm>> -> memref<1x40x128xi32, #tpu.memory_space<hbm>>
      %dma_start3A_48 = tpu.memref_squeeze %dma_start3A_47 : memref<1x40x128xi32, #tpu.memory_space<hbm>> -> memref<40x128xi32, #tpu.memory_space<hbm>>
      tpu.enqueue_dma source(%dma_start3A_48 : memref<40x128xi32, #tpu.memory_space<hbm>>) target(%arg8 : memref<40x128xi32, #tpu.memory_space<vmem>>) target_semaphore(%run_scoped3A : memref<!tpu.dma_semaphore, #tpu.memory_space<semaphore_mem>>)
      %dma_wait3A_49 = arith.constant 40 : i32
      %dma_wait3A_50 = arith.constant 0 : i32
      %dma_wait3A_51 = tpu.memref_slice %arg4[%add3A, %dma_wait3A_49, %dma_wait3A_50] : memref<32x80x128xi32, #tpu.memory_space<hbm>> -> memref<1x40x128xi32, #tpu.memory_space<hbm>>
      %dma_wait3A_52 = tpu.memref_squeeze %dma_wait3A_51 : memref<1x40x128xi32, #tpu.memory_space<hbm>> -> memref<40x128xi32, #tpu.memory_space<hbm>>
      %dma_wait3A_53 = arith.constant 40 : i32
      %dma_wait3A_54 = arith.constant 0 : i32
      %dma_wait3A_55 = tpu.memref_slice %arg4[%add3A, %dma_wait3A_53, %dma_wait3A_54] : memref<32x80x128xi32, #tpu.memory_space<hbm>> -> memref<1x40x128xi32, #tpu.memory_space<hbm>>
      %dma_wait3A_56 = tpu.memref_squeeze %dma_wait3A_55 : memref<1x40x128xi32, #tpu.memory_space<hbm>> -> memref<40x128xi32, #tpu.memory_space<hbm>>
      tpu.wait_dma2 semaphore(%run_scoped3A : memref<!tpu.dma_semaphore, #tpu.memory_space<semaphore_mem>>) src(%dma_wait3A_56 : memref<40x128xi32, #tpu.memory_space<hbm>>) dst(%arg8 : memref<40x128xi32, #tpu.memory_space<vmem>>)
      tpu.yield
    }) : () -> ()
    %dma_start3A_20 = arith.constant 0 : i32
    %dma_start3A_21 = arith.constant 0 : i32
    %dma_start3A_22 = tpu.memref_slice %arg7[%dma_start3A_20, %dma_start3A_21] : memref<40x128xi32, #tpu.memory_space<vmem>> -> memref<1x128xi32, #tpu.memory_space<vmem>>
    %dma_start3A_23 = tpu.memref_squeeze %dma_start3A_22 : memref<1x128xi32, #tpu.memory_space<vmem>> -> memref<128xi32, #tpu.memory_space<vmem>>
    %dma_start3A_24 = arith.constant 0 : i32
    %dma_start3A_25 = arith.constant 0 : i32
    %dma_start3A_26 = tpu.memref_slice %arg2[%dma_start3A_24, %dma_start3A_25] : memref<10008x128xf32, #tpu.memory_space<hbm>> -> memref<10008x128xf32, #tpu.memory_space<hbm>>
    tpu.enqueue_indirect_dma source(%dma_start3A_26 : memref<10008x128xf32, #tpu.memory_space<hbm>>) target(%arg9 : memref<128x128xf32, #tpu.memory_space<vmem>>) offsets(%dma_start3A_23 : memref<128xi32, #tpu.memory_space<vmem>>) semaphore(%arg12 : memref<!tpu.dma_semaphore, #tpu.memory_space<semaphore_mem>>)
    %dma_wait3A_27 = arith.constant 0 : i32
    %dma_wait3A_28 = arith.constant 0 : i32
    %dma_wait3A_29 = tpu.memref_slice %arg7[%dma_wait3A_27, %dma_wait3A_28] : memref<40x128xi32, #tpu.memory_space<vmem>> -> memref<1x128xi32, #tpu.memory_space<vmem>>
    %dma_wait3A_30 = tpu.memref_squeeze %dma_wait3A_29 : memref<1x128xi32, #tpu.memory_space<vmem>> -> memref<128xi32, #tpu.memory_space<vmem>>
    %dma_wait3A_31 = arith.constant 0 : i32
    %dma_wait3A_32 = arith.constant 0 : i32
    %dma_wait3A_33 = tpu.memref_slice %arg2[%dma_wait3A_31, %dma_wait3A_32] : memref<10008x128xf32, #tpu.memory_space<hbm>> -> memref<10008x128xf32, #tpu.memory_space<hbm>>
    tpu.wait_indirect_dma semaphore(%arg12 : memref<!tpu.dma_semaphore, #tpu.memory_space<semaphore_mem>>) src(%dma_wait3A_33 : memref<10008x128xf32, #tpu.memory_space<hbm>>) dst(%arg9 : memref<128x128xf32, #tpu.memory_space<vmem>>)
    %scan3A_34 = arith.constant 0 : i32
    %scan3A_35 = arith.constant 0 : i32
    %scan3A_36 = arith.constant 20 : i32
    %scan3A_37 = arith.addi %scan3A_35, %scan3A_36 : i32
    %scan3A_38 = arith.constant 1 : i32
    scf.for %scan3A_41 = %scan3A_35 to %scan3A_37 step %scan3A_38  : i32 {
      %mul3A_42 = arith.constant 2 : i32
      %mul3A_43 = arith.muli %mul3A_42, %scan3A_41 : i32
      %add3A_44 = arith.constant 1 : i32
      %add3A_45 = arith.addi %mul3A_43, %add3A_44 : i32
      %dma_start3A_46 = arith.constant 0 : i32
      %dma_start3A_47 = tpu.memref_slice %arg7[%add3A_45, %dma_start3A_46] : memref<40x128xi32, #tpu.memory_space<vmem>> -> memref<1x128xi32, #tpu.memory_space<vmem>>
      %dma_start3A_48 = tpu.memref_squeeze %dma_start3A_47 : memref<1x128xi32, #tpu.memory_space<vmem>> -> memref<128xi32, #tpu.memory_space<vmem>>
      %dma_start3A_49 = arith.constant 0 : i32
      %dma_start3A_50 = arith.constant 0 : i32
      %dma_start3A_51 = tpu.memref_slice %arg2[%dma_start3A_49, %dma_start3A_50] : memref<10008x128xf32, #tpu.memory_space<hbm>> -> memref<10008x128xf32, #tpu.memory_space<hbm>>
      tpu.enqueue_indirect_dma source(%dma_start3A_51 : memref<10008x128xf32, #tpu.memory_space<hbm>>) target(%arg10 : memref<128x128xf32, #tpu.memory_space<vmem>>) offsets(%dma_start3A_48 : memref<128xi32, #tpu.memory_space<vmem>>) semaphore(%arg12 : memref<!tpu.dma_semaphore, #tpu.memory_space<semaphore_mem>>)
      "tpu.region"() ({
        %run_scoped3A = tpu.sem_alloc : memref<!tpu.dma_semaphore, #tpu.memory_space<semaphore_mem>>
        %dma_start3A_75 = arith.constant 0 : i32
        %dma_start3A_76 = tpu.memref_slice %arg8[%mul3A_43, %dma_start3A_75] : memref<40x128xi32, #tpu.memory_space<vmem>> -> memref<1x128xi32, #tpu.memory_space<vmem>>
        %dma_start3A_77 = tpu.memref_squeeze %dma_start3A_76 : memref<1x128xi32, #tpu.memory_space<vmem>> -> memref<128xi32, #tpu.memory_space<vmem>>
        %dma_start3A_78 = arith.constant 0 : i32
        %dma_start3A_79 = arith.constant 0 : i32
        %dma_start3A_80 = tpu.memref_slice %arg11[%dma_start3A_78, %dma_start3A_79] : memref<10112x128xf32, #tpu.memory_space<vmem_shared>> -> memref<10112x128xf32, #tpu.memory_space<vmem_shared>>
        tpu.enqueue_indirect_dma source(%arg9 : memref<128x128xf32, #tpu.memory_space<vmem>>) target(%dma_start3A_80 : memref<10112x128xf32, #tpu.memory_space<vmem_shared>>) offsets(%dma_start3A_77 : memref<128xi32, #tpu.memory_space<vmem>>) semaphore(%run_scoped3A : memref<!tpu.dma_semaphore, #tpu.memory_space<semaphore_mem>>) {add = true}
        %dma_wait3A_81 = arith.constant 0 : i32
        %dma_wait3A_82 = tpu.memref_slice %arg8[%mul3A_43, %dma_wait3A_81] : memref<40x128xi32, #tpu.memory_space<vmem>> -> memref<1x128xi32, #tpu.memory_space<vmem>>
        %dma_wait3A_83 = tpu.memref_squeeze %dma_wait3A_82 : memref<1x128xi32, #tpu.memory_space<vmem>> -> memref<128xi32, #tpu.memory_space<vmem>>
        %dma_wait3A_84 = arith.constant 0 : i32
        %dma_wait3A_85 = arith.constant 0 : i32
        %dma_wait3A_86 = tpu.memref_slice %arg11[%dma_wait3A_84, %dma_wait3A_85] : memref<10112x128xf32, #tpu.memory_space<vmem_shared>> -> memref<10112x128xf32, #tpu.memory_space<vmem_shared>>
        tpu.wait_indirect_dma semaphore(%run_scoped3A : memref<!tpu.dma_semaphore, #tpu.memory_space<semaphore_mem>>) src(%arg9 : memref<128x128xf32, #tpu.memory_space<vmem>>) dst(%dma_wait3A_86 : memref<10112x128xf32, #tpu.memory_space<vmem_shared>>)
        tpu.yield
      }) : () -> ()
      %dma_wait3A_52 = arith.constant 0 : i32
      %dma_wait3A_53 = tpu.memref_slice %arg7[%add3A_45, %dma_wait3A_52] : memref<40x128xi32, #tpu.memory_space<vmem>> -> memref<1x128xi32, #tpu.memory_space<vmem>>
      %dma_wait3A_54 = tpu.memref_squeeze %dma_wait3A_53 : memref<1x128xi32, #tpu.memory_space<vmem>> -> memref<128xi32, #tpu.memory_space<vmem>>
      %dma_wait3A_55 = arith.constant 0 : i32
      %dma_wait3A_56 = arith.constant 0 : i32
      %dma_wait3A_57 = tpu.memref_slice %arg2[%dma_wait3A_55, %dma_wait3A_56] : memref<10008x128xf32, #tpu.memory_space<hbm>> -> memref<10008x128xf32, #tpu.memory_space<hbm>>
      tpu.wait_indirect_dma semaphore(%arg12 : memref<!tpu.dma_semaphore, #tpu.memory_space<semaphore_mem>>) src(%dma_wait3A_57 : memref<10008x128xf32, #tpu.memory_space<hbm>>) dst(%arg10 : memref<128x128xf32, #tpu.memory_space<vmem>>)
      %add3A_58 = arith.constant 2 : i32
      %add3A_59 = arith.addi %mul3A_43, %add3A_58 : i32
      %min3A = arith.constant 39 : i32
      %min3A_60 = arith.minsi %add3A_59, %min3A : i32
      %dma_start3A_61 = arith.constant 0 : i32
      %dma_start3A_62 = tpu.memref_slice %arg7[%min3A_60, %dma_start3A_61] : memref<40x128xi32, #tpu.memory_space<vmem>> -> memref<1x128xi32, #tpu.memory_space<vmem>>
      %dma_start3A_63 = tpu.memref_squeeze %dma_start3A_62 : memref<1x128xi32, #tpu.memory_space<vmem>> -> memref<128xi32, #tpu.memory_space<vmem>>
      %dma_start3A_64 = arith.constant 0 : i32
      %dma_start3A_65 = arith.constant 0 : i32
      %dma_start3A_66 = tpu.memref_slice %arg2[%dma_start3A_64, %dma_start3A_65] : memref<10008x128xf32, #tpu.memory_space<hbm>> -> memref<10008x128xf32, #tpu.memory_space<hbm>>
      tpu.enqueue_indirect_dma source(%dma_start3A_66 : memref<10008x128xf32, #tpu.memory_space<hbm>>) target(%arg9 : memref<128x128xf32, #tpu.memory_space<vmem>>) offsets(%dma_start3A_63 : memref<128xi32, #tpu.memory_space<vmem>>) semaphore(%arg12 : memref<!tpu.dma_semaphore, #tpu.memory_space<semaphore_mem>>)
      %add3A_67 = arith.constant 1 : i32
      %add3A_68 = arith.addi %mul3A_43, %add3A_67 : i32
      "tpu.region"() ({
        %run_scoped3A = tpu.sem_alloc : memref<!tpu.dma_semaphore, #tpu.memory_space<semaphore_mem>>
        %dma_start3A_75 = arith.constant 0 : i32
        %dma_start3A_76 = tpu.memref_slice %arg8[%add3A_68, %dma_start3A_75] : memref<40x128xi32, #tpu.memory_space<vmem>> -> memref<1x128xi32, #tpu.memory_space<vmem>>
        %dma_start3A_77 = tpu.memref_squeeze %dma_start3A_76 : memref<1x128xi32, #tpu.memory_space<vmem>> -> memref<128xi32, #tpu.memory_space<vmem>>
        %dma_start3A_78 = arith.constant 0 : i32
        %dma_start3A_79 = arith.constant 0 : i32
        %dma_start3A_80 = tpu.memref_slice %arg11[%dma_start3A_78, %dma_start3A_79] : memref<10112x128xf32, #tpu.memory_space<vmem_shared>> -> memref<10112x128xf32, #tpu.memory_space<vmem_shared>>
        tpu.enqueue_indirect_dma source(%arg10 : memref<128x128xf32, #tpu.memory_space<vmem>>) target(%dma_start3A_80 : memref<10112x128xf32, #tpu.memory_space<vmem_shared>>) offsets(%dma_start3A_77 : memref<128xi32, #tpu.memory_space<vmem>>) semaphore(%run_scoped3A : memref<!tpu.dma_semaphore, #tpu.memory_space<semaphore_mem>>) {add = true}
        %dma_wait3A_81 = arith.constant 0 : i32
        %dma_wait3A_82 = tpu.memref_slice %arg8[%add3A_68, %dma_wait3A_81] : memref<40x128xi32, #tpu.memory_space<vmem>> -> memref<1x128xi32, #tpu.memory_space<vmem>>
        %dma_wait3A_83 = tpu.memref_squeeze %dma_wait3A_82 : memref<1x128xi32, #tpu.memory_space<vmem>> -> memref<128xi32, #tpu.memory_space<vmem>>
        %dma_wait3A_84 = arith.constant 0 : i32
        %dma_wait3A_85 = arith.constant 0 : i32
        %dma_wait3A_86 = tpu.memref_slice %arg11[%dma_wait3A_84, %dma_wait3A_85] : memref<10112x128xf32, #tpu.memory_space<vmem_shared>> -> memref<10112x128xf32, #tpu.memory_space<vmem_shared>>
        tpu.wait_indirect_dma semaphore(%run_scoped3A : memref<!tpu.dma_semaphore, #tpu.memory_space<semaphore_mem>>) src(%arg10 : memref<128x128xf32, #tpu.memory_space<vmem>>) dst(%dma_wait3A_86 : memref<10112x128xf32, #tpu.memory_space<vmem_shared>>)
        tpu.yield
      }) : () -> ()
      %dma_wait3A_69 = arith.constant 0 : i32
      %dma_wait3A_70 = tpu.memref_slice %arg7[%min3A_60, %dma_wait3A_69] : memref<40x128xi32, #tpu.memory_space<vmem>> -> memref<1x128xi32, #tpu.memory_space<vmem>>
      %dma_wait3A_71 = tpu.memref_squeeze %dma_wait3A_70 : memref<1x128xi32, #tpu.memory_space<vmem>> -> memref<128xi32, #tpu.memory_space<vmem>>
      %dma_wait3A_72 = arith.constant 0 : i32
      %dma_wait3A_73 = arith.constant 0 : i32
      %dma_wait3A_74 = tpu.memref_slice %arg2[%dma_wait3A_72, %dma_wait3A_73] : memref<10008x128xf32, #tpu.memory_space<hbm>> -> memref<10008x128xf32, #tpu.memory_space<hbm>>
      tpu.wait_indirect_dma semaphore(%arg12 : memref<!tpu.dma_semaphore, #tpu.memory_space<semaphore_mem>>) src(%dma_wait3A_74 : memref<10008x128xf32, #tpu.memory_space<hbm>>) dst(%arg9 : memref<128x128xf32, #tpu.memory_space<vmem>>)
    }
    %scan3A_39 = arith.constant 20 : i32
    %barrier3A_40 = arith.constant 0 : index
    tpu.barrier barrier_id(%barrier3A_40)
    "tpu.region"() ({
      %run_scoped3A = tpu.sem_alloc : memref<!tpu.dma_semaphore, #tpu.memory_space<semaphore_mem>>
      %dma_start3A_41 = arith.constant 0 : i32
      %dma_start3A_42 = tpu.memref_slice %arg6[%arg0, %mul3A_2, %dma_start3A_41] : memref<2x10112x128xf32, #tpu.memory_space<hbm>> -> memref<1x632x128xf32, #tpu.memory_space<hbm>>
      %dma_start3A_43 = tpu.memref_squeeze %dma_start3A_42 : memref<1x632x128xf32, #tpu.memory_space<hbm>> -> memref<632x128xf32, #tpu.memory_space<hbm>>
      %dma_start3A_44 = arith.constant 0 : i32
      %dma_start3A_45 = tpu.memref_slice %arg11[%mul3A_2, %dma_start3A_44] : memref<10112x128xf32, #tpu.memory_space<vmem_shared>> -> memref<632x128xf32, #tpu.memory_space<vmem_shared>>
      tpu.enqueue_dma source(%dma_start3A_45 : memref<632x128xf32, #tpu.memory_space<vmem_shared>>) target(%dma_start3A_43 : memref<632x128xf32, #tpu.memory_space<hbm>>) target_semaphore(%run_scoped3A : memref<!tpu.dma_semaphore, #tpu.memory_space<semaphore_mem>>)
      %dma_wait3A_46 = arith.constant 0 : i32
      %dma_wait3A_47 = tpu.memref_slice %arg6[%arg0, %mul3A_2, %dma_wait3A_46] : memref<2x10112x128xf32, #tpu.memory_space<hbm>> -> memref<1x632x128xf32, #tpu.memory_space<hbm>>
      %dma_wait3A_48 = tpu.memref_squeeze %dma_wait3A_47 : memref<1x632x128xf32, #tpu.memory_space<hbm>> -> memref<632x128xf32, #tpu.memory_space<hbm>>
      %dma_wait3A_49 = arith.constant 0 : i32
      %dma_wait3A_50 = tpu.memref_slice %arg11[%mul3A_2, %dma_wait3A_49] : memref<10112x128xf32, #tpu.memory_space<vmem_shared>> -> memref<632x128xf32, #tpu.memory_space<vmem_shared>>
      tpu.wait_dma2 semaphore(%run_scoped3A : memref<!tpu.dma_semaphore, #tpu.memory_space<semaphore_mem>>) src(%dma_wait3A_50 : memref<632x128xf32, #tpu.memory_space<vmem_shared>>) dst(%dma_wait3A_48 : memref<632x128xf32, #tpu.memory_space<hbm>>)
      tpu.yield
    }) : () -> ()
    return
  }
}

#map = affine_map<(d0, d1) -> (0, 0)>
#map1 = affine_map<(d0, d1) -> (0, 0, 0)>
module attributes {stable_mosaic.version = 14 : i64} {
  func.func @agg(%arg0: i32, %arg1: i32, %arg2: memref<10008x128xf32, #tpu.memory_space<hbm>>, %arg3: memref<32x80x128xi32, #tpu.memory_space<hbm>>, %arg4: memref<32x80x128xi32, #tpu.memory_space<hbm>>, %arg5: memref<632x128xf32, #tpu.memory_space<hbm>>, %arg6: memref<2x10112x128xf32, #tpu.memory_space<hbm>>, %arg7: memref<40x128xi32, #tpu.memory_space<vmem>>, %arg8: memref<40x128xi32, #tpu.memory_space<vmem>>, %arg9: memref<128x128xf32, #tpu.memory_space<vmem>>, %arg10: memref<128x128xf32, #tpu.memory_space<vmem>>, %arg11: memref<10112x128xf32, #tpu.memory_space<vmem_shared>>, %arg12: memref<!tpu.dma_semaphore, #tpu.memory_space<semaphore_mem>>) attributes {dimension_semantics = [#tpu.dimension_semantics<core_parallel>, #tpu.dimension_semantics<subcore_parallel>], iteration_bounds = array<i64: 2, 16>, scalar_prefetch = 0 : i64, scratch_operands = 6 : i64, tpu.core_type = #tpu.core_type<sc_vector_subcore>, window_params = [{transform_indices = #map}, {transform_indices = #map1}, {transform_indices = #map1}, {transform_indices = #map}, {transform_indices = #map1}]} {
    %mul3A = arith.constant 2 : i32
    %mul3A_0 = arith.muli %arg1, %mul3A : i32
    %add3A = arith.addi %mul3A_0, %arg0 : i32
    %mul3A_1 = arith.constant 632 : i32
    %mul3A_2 = arith.muli %arg1, %mul3A_1 : i32
    "tpu.region"() ({
      %run_scoped3A = tpu.sem_alloc : memref<!tpu.dma_semaphore, #tpu.memory_space<semaphore_mem>>
      %dma_start3A_41 = arith.constant 0 : i32
      %dma_start3A_42 = tpu.memref_slice %arg11[%mul3A_2, %dma_start3A_41] : memref<10112x128xf32, #tpu.memory_space<vmem_shared>> -> memref<632x128xf32, #tpu.memory_space<vmem_shared>>
      tpu.enqueue_dma source(%arg5 : memref<632x128xf32, #tpu.memory_space<hbm>>) target(%dma_start3A_42 : memref<632x128xf32, #tpu.memory_space<vmem_shared>>) target_semaphore(%run_scoped3A : memref<!tpu.dma_semaphore, #tpu.memory_space<semaphore_mem>>)
      %dma_wait3A_43 = arith.constant 0 : i32
      %dma_wait3A_44 = tpu.memref_slice %arg11[%mul3A_2, %dma_wait3A_43] : memref<10112x128xf32, #tpu.memory_space<vmem_shared>> -> memref<632x128xf32, #tpu.memory_space<vmem_shared>>
      tpu.wait_dma2 semaphore(%run_scoped3A : memref<!tpu.dma_semaphore, #tpu.memory_space<semaphore_mem>>) src(%arg5 : memref<632x128xf32, #tpu.memory_space<hbm>>) dst(%dma_wait3A_44 : memref<632x128xf32, #tpu.memory_space<vmem_shared>>)
      tpu.yield
    }) : () -> ()
    %barrier3A = arith.constant 0 : index
    tpu.barrier barrier_id(%barrier3A)
    "tpu.region"() ({
      %run_scoped3A = tpu.sem_alloc : memref<!tpu.dma_semaphore, #tpu.memory_space<semaphore_mem>>
      %dma_start3A_41 = arith.constant 0 : i32
      %dma_start3A_42 = arith.constant 0 : i32
      %dma_start3A_43 = tpu.memref_slice %arg3[%add3A, %dma_start3A_41, %dma_start3A_42] : memref<32x80x128xi32, #tpu.memory_space<hbm>> -> memref<1x40x128xi32, #tpu.memory_space<hbm>>
      %dma_start3A_44 = tpu.memref_squeeze %dma_start3A_43 : memref<1x40x128xi32, #tpu.memory_space<hbm>> -> memref<40x128xi32, #tpu.memory_space<hbm>>
      %dma_start3A_45 = arith.constant 0 : i32
      %dma_start3A_46 = arith.constant 0 : i32
      %dma_start3A_47 = tpu.memref_slice %arg3[%add3A, %dma_start3A_45, %dma_start3A_46] : memref<32x80x128xi32, #tpu.memory_space<hbm>> -> memref<1x40x128xi32, #tpu.memory_space<hbm>>
      %dma_start3A_48 = tpu.memref_squeeze %dma_start3A_47 : memref<1x40x128xi32, #tpu.memory_space<hbm>> -> memref<40x128xi32, #tpu.memory_space<hbm>>
      tpu.enqueue_dma source(%dma_start3A_48 : memref<40x128xi32, #tpu.memory_space<hbm>>) target(%arg7 : memref<40x128xi32, #tpu.memory_space<vmem>>) target_semaphore(%run_scoped3A : memref<!tpu.dma_semaphore, #tpu.memory_space<semaphore_mem>>)
      %dma_wait3A_49 = arith.constant 0 : i32
      %dma_wait3A_50 = arith.constant 0 : i32
      %dma_wait3A_51 = tpu.memref_slice %arg3[%add3A, %dma_wait3A_49, %dma_wait3A_50] : memref<32x80x128xi32, #tpu.memory_space<hbm>> -> memref<1x40x128xi32, #tpu.memory_space<hbm>>
      %dma_wait3A_52 = tpu.memref_squeeze %dma_wait3A_51 : memref<1x40x128xi32, #tpu.memory_space<hbm>> -> memref<40x128xi32, #tpu.memory_space<hbm>>
      %dma_wait3A_53 = arith.constant 0 : i32
      %dma_wait3A_54 = arith.constant 0 : i32
      %dma_wait3A_55 = tpu.memref_slice %arg3[%add3A, %dma_wait3A_53, %dma_wait3A_54] : memref<32x80x128xi32, #tpu.memory_space<hbm>> -> memref<1x40x128xi32, #tpu.memory_space<hbm>>
      %dma_wait3A_56 = tpu.memref_squeeze %dma_wait3A_55 : memref<1x40x128xi32, #tpu.memory_space<hbm>> -> memref<40x128xi32, #tpu.memory_space<hbm>>
      tpu.wait_dma2 semaphore(%run_scoped3A : memref<!tpu.dma_semaphore, #tpu.memory_space<semaphore_mem>>) src(%dma_wait3A_56 : memref<40x128xi32, #tpu.memory_space<hbm>>) dst(%arg7 : memref<40x128xi32, #tpu.memory_space<vmem>>)
      tpu.yield
    }) : () -> ()
    "tpu.region"() ({
      %run_scoped3A = tpu.sem_alloc : memref<!tpu.dma_semaphore, #tpu.memory_space<semaphore_mem>>
      %dma_start3A_41 = arith.constant 0 : i32
      %dma_start3A_42 = arith.constant 0 : i32
      %dma_start3A_43 = tpu.memref_slice %arg4[%add3A, %dma_start3A_41, %dma_start3A_42] : memref<32x80x128xi32, #tpu.memory_space<hbm>> -> memref<1x40x128xi32, #tpu.memory_space<hbm>>
      %dma_start3A_44 = tpu.memref_squeeze %dma_start3A_43 : memref<1x40x128xi32, #tpu.memory_space<hbm>> -> memref<40x128xi32, #tpu.memory_space<hbm>>
      %dma_start3A_45 = arith.constant 0 : i32
      %dma_start3A_46 = arith.constant 0 : i32
      %dma_start3A_47 = tpu.memref_slice %arg4[%add3A, %dma_start3A_45, %dma_start3A_46] : memref<32x80x128xi32, #tpu.memory_space<hbm>> -> memref<1x40x128xi32, #tpu.memory_space<hbm>>
      %dma_start3A_48 = tpu.memref_squeeze %dma_start3A_47 : memref<1x40x128xi32, #tpu.memory_space<hbm>> -> memref<40x128xi32, #tpu.memory_space<hbm>>
      tpu.enqueue_dma source(%dma_start3A_48 : memref<40x128xi32, #tpu.memory_space<hbm>>) target(%arg8 : memref<40x128xi32, #tpu.memory_space<vmem>>) target_semaphore(%run_scoped3A : memref<!tpu.dma_semaphore, #tpu.memory_space<semaphore_mem>>)
      %dma_wait3A_49 = arith.constant 0 : i32
      %dma_wait3A_50 = arith.constant 0 : i32
      %dma_wait3A_51 = tpu.memref_slice %arg4[%add3A, %dma_wait3A_49, %dma_wait3A_50] : memref<32x80x128xi32, #tpu.memory_space<hbm>> -> memref<1x40x128xi32, #tpu.memory_space<hbm>>
      %dma_wait3A_52 = tpu.memref_squeeze %dma_wait3A_51 : memref<1x40x128xi32, #tpu.memory_space<hbm>> -> memref<40x128xi32, #tpu.memory_space<hbm>>
      %dma_wait3A_53 = arith.constant 0 : i32
      %dma_wait3A_54 = arith.constant 0 : i32
      %dma_wait3A_55 = tpu.memref_slice %arg4[%add3A, %dma_wait3A_53, %dma_wait3A_54] : memref<32x80x128xi32, #tpu.memory_space<hbm>> -> memref<1x40x128xi32, #tpu.memory_space<hbm>>
      %dma_wait3A_56 = tpu.memref_squeeze %dma_wait3A_55 : memref<1x40x128xi32, #tpu.memory_space<hbm>> -> memref<40x128xi32, #tpu.memory_space<hbm>>
      tpu.wait_dma2 semaphore(%run_scoped3A : memref<!tpu.dma_semaphore, #tpu.memory_space<semaphore_mem>>) src(%dma_wait3A_56 : memref<40x128xi32, #tpu.memory_space<hbm>>) dst(%arg8 : memref<40x128xi32, #tpu.memory_space<vmem>>)
      tpu.yield
    }) : () -> ()
    %dma_start3A = arith.constant 0 : i32
    %dma_start3A_3 = arith.constant 0 : i32
    %dma_start3A_4 = tpu.memref_slice %arg7[%dma_start3A, %dma_start3A_3] : memref<40x128xi32, #tpu.memory_space<vmem>> -> memref<1x128xi32, #tpu.memory_space<vmem>>
    %dma_start3A_5 = tpu.memref_squeeze %dma_start3A_4 : memref<1x128xi32, #tpu.memory_space<vmem>> -> memref<128xi32, #tpu.memory_space<vmem>>
    %dma_start3A_6 = arith.constant 0 : i32
    %dma_start3A_7 = arith.constant 0 : i32
    %dma_start3A_8 = tpu.memref_slice %arg2[%dma_start3A_6, %dma_start3A_7] : memref<10008x128xf32, #tpu.memory_space<hbm>> -> memref<10008x128xf32, #tpu.memory_space<hbm>>
    tpu.enqueue_indirect_dma source(%dma_start3A_8 : memref<10008x128xf32, #tpu.memory_space<hbm>>) target(%arg9 : memref<128x128xf32, #tpu.memory_space<vmem>>) offsets(%dma_start3A_5 : memref<128xi32, #tpu.memory_space<vmem>>) semaphore(%arg12 : memref<!tpu.dma_semaphore, #tpu.memory_space<semaphore_mem>>)
    %dma_wait3A = arith.constant 0 : i32
    %dma_wait3A_9 = arith.constant 0 : i32
    %dma_wait3A_10 = tpu.memref_slice %arg7[%dma_wait3A, %dma_wait3A_9] : memref<40x128xi32, #tpu.memory_space<vmem>> -> memref<1x128xi32, #tpu.memory_space<vmem>>
    %dma_wait3A_11 = tpu.memref_squeeze %dma_wait3A_10 : memref<1x128xi32, #tpu.memory_space<vmem>> -> memref<128xi32, #tpu.memory_space<vmem>>
    %dma_wait3A_12 = arith.constant 0 : i32
    %dma_wait3A_13 = arith.constant 0 : i32
    %dma_wait3A_14 = tpu.memref_slice %arg2[%dma_wait3A_12, %dma_wait3A_13] : memref<10008x128xf32, #tpu.memory_space<hbm>> -> memref<10008x128xf32, #tpu.memory_space<hbm>>
    tpu.wait_indirect_dma semaphore(%arg12 : memref<!tpu.dma_semaphore, #tpu.memory_space<semaphore_mem>>) src(%dma_wait3A_14 : memref<10008x128xf32, #tpu.memory_space<hbm>>) dst(%arg9 : memref<128x128xf32, #tpu.memory_space<vmem>>)
    %scan3A = arith.constant 0 : i32
    %scan3A_15 = arith.constant 0 : i32
    %scan3A_16 = arith.constant 20 : i32
    %scan3A_17 = arith.addi %scan3A_15, %scan3A_16 : i32
    %scan3A_18 = arith.constant 1 : i32
    scf.for %scan3A_41 = %scan3A_15 to %scan3A_17 step %scan3A_18  : i32 {
      %mul3A_42 = arith.constant 2 : i32
      %mul3A_43 = arith.muli %mul3A_42, %scan3A_41 : i32
      %add3A_44 = arith.constant 1 : i32
      %add3A_45 = arith.addi %mul3A_43, %add3A_44 : i32
      %dma_start3A_46 = arith.constant 0 : i32
      %dma_start3A_47 = tpu.memref_slice %arg7[%add3A_45, %dma_start3A_46] : memref<40x128xi32, #tpu.memory_space<vmem>> -> memref<1x128xi32, #tpu.memory_space<vmem>>
      %dma_start3A_48 = tpu.memref_squeeze %dma_start3A_47 : memref<1x128xi32, #tpu.memory_space<vmem>> -> memref<128xi32, #tpu.memory_space<vmem>>
      %dma_start3A_49 = arith.constant 0 : i32
      %dma_start3A_50 = arith.constant 0 : i32
      %dma_start3A_51 = tpu.memref_slice %arg2[%dma_start3A_49, %dma_start3A_50] : memref<10008x128xf32, #tpu.memory_space<hbm>> -> memref<10008x128xf32, #tpu.memory_space<hbm>>
      tpu.enqueue_indirect_dma source(%dma_start3A_51 : memref<10008x128xf32, #tpu.memory_space<hbm>>) target(%arg10 : memref<128x128xf32, #tpu.memory_space<vmem>>) offsets(%dma_start3A_48 : memref<128xi32, #tpu.memory_space<vmem>>) semaphore(%arg12 : memref<!tpu.dma_semaphore, #tpu.memory_space<semaphore_mem>>)
      "tpu.region"() ({
        %run_scoped3A = tpu.sem_alloc : memref<!tpu.dma_semaphore, #tpu.memory_space<semaphore_mem>>
        %dma_start3A_75 = arith.constant 0 : i32
        %dma_start3A_76 = tpu.memref_slice %arg8[%mul3A_43, %dma_start3A_75] : memref<40x128xi32, #tpu.memory_space<vmem>> -> memref<1x128xi32, #tpu.memory_space<vmem>>
        %dma_start3A_77 = tpu.memref_squeeze %dma_start3A_76 : memref<1x128xi32, #tpu.memory_space<vmem>> -> memref<128xi32, #tpu.memory_space<vmem>>
        %dma_start3A_78 = arith.constant 0 : i32
        %dma_start3A_79 = arith.constant 0 : i32
        %dma_start3A_80 = tpu.memref_slice %arg11[%dma_start3A_78, %dma_start3A_79] : memref<10112x128xf32, #tpu.memory_space<vmem_shared>> -> memref<10112x128xf32, #tpu.memory_space<vmem_shared>>
        tpu.enqueue_indirect_dma source(%arg9 : memref<128x128xf32, #tpu.memory_space<vmem>>) target(%dma_start3A_80 : memref<10112x128xf32, #tpu.memory_space<vmem_shared>>) offsets(%dma_start3A_77 : memref<128xi32, #tpu.memory_space<vmem>>) semaphore(%run_scoped3A : memref<!tpu.dma_semaphore, #tpu.memory_space<semaphore_mem>>) {add = true}
        %dma_wait3A_81 = arith.constant 0 : i32
        %dma_wait3A_82 = tpu.memref_slice %arg8[%mul3A_43, %dma_wait3A_81] : memref<40x128xi32, #tpu.memory_space<vmem>> -> memref<1x128xi32, #tpu.memory_space<vmem>>
        %dma_wait3A_83 = tpu.memref_squeeze %dma_wait3A_82 : memref<1x128xi32, #tpu.memory_space<vmem>> -> memref<128xi32, #tpu.memory_space<vmem>>
        %dma_wait3A_84 = arith.constant 0 : i32
        %dma_wait3A_85 = arith.constant 0 : i32
        %dma_wait3A_86 = tpu.memref_slice %arg11[%dma_wait3A_84, %dma_wait3A_85] : memref<10112x128xf32, #tpu.memory_space<vmem_shared>> -> memref<10112x128xf32, #tpu.memory_space<vmem_shared>>
        tpu.wait_indirect_dma semaphore(%run_scoped3A : memref<!tpu.dma_semaphore, #tpu.memory_space<semaphore_mem>>) src(%arg9 : memref<128x128xf32, #tpu.memory_space<vmem>>) dst(%dma_wait3A_86 : memref<10112x128xf32, #tpu.memory_space<vmem_shared>>)
        tpu.yield
      }) : () -> ()
      %dma_wait3A_52 = arith.constant 0 : i32
      %dma_wait3A_53 = tpu.memref_slice %arg7[%add3A_45, %dma_wait3A_52] : memref<40x128xi32, #tpu.memory_space<vmem>> -> memref<1x128xi32, #tpu.memory_space<vmem>>
      %dma_wait3A_54 = tpu.memref_squeeze %dma_wait3A_53 : memref<1x128xi32, #tpu.memory_space<vmem>> -> memref<128xi32, #tpu.memory_space<vmem>>
      %dma_wait3A_55 = arith.constant 0 : i32
      %dma_wait3A_56 = arith.constant 0 : i32
      %dma_wait3A_57 = tpu.memref_slice %arg2[%dma_wait3A_55, %dma_wait3A_56] : memref<10008x128xf32, #tpu.memory_space<hbm>> -> memref<10008x128xf32, #tpu.memory_space<hbm>>
      tpu.wait_indirect_dma semaphore(%arg12 : memref<!tpu.dma_semaphore, #tpu.memory_space<semaphore_mem>>) src(%dma_wait3A_57 : memref<10008x128xf32, #tpu.memory_space<hbm>>) dst(%arg10 : memref<128x128xf32, #tpu.memory_space<vmem>>)
      %add3A_58 = arith.constant 2 : i32
      %add3A_59 = arith.addi %mul3A_43, %add3A_58 : i32
      %min3A = arith.constant 39 : i32
      %min3A_60 = arith.minsi %add3A_59, %min3A : i32
      %dma_start3A_61 = arith.constant 0 : i32
      %dma_start3A_62 = tpu.memref_slice %arg7[%min3A_60, %dma_start3A_61] : memref<40x128xi32, #tpu.memory_space<vmem>> -> memref<1x128xi32, #tpu.memory_space<vmem>>
      %dma_start3A_63 = tpu.memref_squeeze %dma_start3A_62 : memref<1x128xi32, #tpu.memory_space<vmem>> -> memref<128xi32, #tpu.memory_space<vmem>>
      %dma_start3A_64 = arith.constant 0 : i32
      %dma_start3A_65 = arith.constant 0 : i32
      %dma_start3A_66 = tpu.memref_slice %arg2[%dma_start3A_64, %dma_start3A_65] : memref<10008x128xf32, #tpu.memory_space<hbm>> -> memref<10008x128xf32, #tpu.memory_space<hbm>>
      tpu.enqueue_indirect_dma source(%dma_start3A_66 : memref<10008x128xf32, #tpu.memory_space<hbm>>) target(%arg9 : memref<128x128xf32, #tpu.memory_space<vmem>>) offsets(%dma_start3A_63 : memref<128xi32, #tpu.memory_space<vmem>>) semaphore(%arg12 : memref<!tpu.dma_semaphore, #tpu.memory_space<semaphore_mem>>)
      %add3A_67 = arith.constant 1 : i32
      %add3A_68 = arith.addi %mul3A_43, %add3A_67 : i32
      "tpu.region"() ({
        %run_scoped3A = tpu.sem_alloc : memref<!tpu.dma_semaphore, #tpu.memory_space<semaphore_mem>>
        %dma_start3A_75 = arith.constant 0 : i32
        %dma_start3A_76 = tpu.memref_slice %arg8[%add3A_68, %dma_start3A_75] : memref<40x128xi32, #tpu.memory_space<vmem>> -> memref<1x128xi32, #tpu.memory_space<vmem>>
        %dma_start3A_77 = tpu.memref_squeeze %dma_start3A_76 : memref<1x128xi32, #tpu.memory_space<vmem>> -> memref<128xi32, #tpu.memory_space<vmem>>
        %dma_start3A_78 = arith.constant 0 : i32
        %dma_start3A_79 = arith.constant 0 : i32
        %dma_start3A_80 = tpu.memref_slice %arg11[%dma_start3A_78, %dma_start3A_79] : memref<10112x128xf32, #tpu.memory_space<vmem_shared>> -> memref<10112x128xf32, #tpu.memory_space<vmem_shared>>
        tpu.enqueue_indirect_dma source(%arg10 : memref<128x128xf32, #tpu.memory_space<vmem>>) target(%dma_start3A_80 : memref<10112x128xf32, #tpu.memory_space<vmem_shared>>) offsets(%dma_start3A_77 : memref<128xi32, #tpu.memory_space<vmem>>) semaphore(%run_scoped3A : memref<!tpu.dma_semaphore, #tpu.memory_space<semaphore_mem>>) {add = true}
        %dma_wait3A_81 = arith.constant 0 : i32
        %dma_wait3A_82 = tpu.memref_slice %arg8[%add3A_68, %dma_wait3A_81] : memref<40x128xi32, #tpu.memory_space<vmem>> -> memref<1x128xi32, #tpu.memory_space<vmem>>
        %dma_wait3A_83 = tpu.memref_squeeze %dma_wait3A_82 : memref<1x128xi32, #tpu.memory_space<vmem>> -> memref<128xi32, #tpu.memory_space<vmem>>
        %dma_wait3A_84 = arith.constant 0 : i32
        %dma_wait3A_85 = arith.constant 0 : i32
        %dma_wait3A_86 = tpu.memref_slice %arg11[%dma_wait3A_84, %dma_wait3A_85] : memref<10112x128xf32, #tpu.memory_space<vmem_shared>> -> memref<10112x128xf32, #tpu.memory_space<vmem_shared>>
        tpu.wait_indirect_dma semaphore(%run_scoped3A : memref<!tpu.dma_semaphore, #tpu.memory_space<semaphore_mem>>) src(%arg10 : memref<128x128xf32, #tpu.memory_space<vmem>>) dst(%dma_wait3A_86 : memref<10112x128xf32, #tpu.memory_space<vmem_shared>>)
        tpu.yield
      }) : () -> ()
      %dma_wait3A_69 = arith.constant 0 : i32
      %dma_wait3A_70 = tpu.memref_slice %arg7[%min3A_60, %dma_wait3A_69] : memref<40x128xi32, #tpu.memory_space<vmem>> -> memref<1x128xi32, #tpu.memory_space<vmem>>
      %dma_wait3A_71 = tpu.memref_squeeze %dma_wait3A_70 : memref<1x128xi32, #tpu.memory_space<vmem>> -> memref<128xi32, #tpu.memory_space<vmem>>
      %dma_wait3A_72 = arith.constant 0 : i32
      %dma_wait3A_73 = arith.constant 0 : i32
      %dma_wait3A_74 = tpu.memref_slice %arg2[%dma_wait3A_72, %dma_wait3A_73] : memref<10008x128xf32, #tpu.memory_space<hbm>> -> memref<10008x128xf32, #tpu.memory_space<hbm>>
      tpu.wait_indirect_dma semaphore(%arg12 : memref<!tpu.dma_semaphore, #tpu.memory_space<semaphore_mem>>) src(%dma_wait3A_74 : memref<10008x128xf32, #tpu.memory_space<hbm>>) dst(%arg9 : memref<128x128xf32, #tpu.memory_space<vmem>>)
    }
    %scan3A_19 = arith.constant 20 : i32
    "tpu.region"() ({
      %run_scoped3A = tpu.sem_alloc : memref<!tpu.dma_semaphore, #tpu.memory_space<semaphore_mem>>
      %dma_start3A_41 = arith.constant 40 : i32
      %dma_start3A_42 = arith.constant 0 : i32
      %dma_start3A_43 = tpu.memref_slice %arg3[%add3A, %dma_start3A_41, %dma_start3A_42] : memref<32x80x128xi32, #tpu.memory_space<hbm>> -> memref<1x40x128xi32, #tpu.memory_space<hbm>>
      %dma_start3A_44 = tpu.memref_squeeze %dma_start3A_43 : memref<1x40x128xi32, #tpu.memory_space<hbm>> -> memref<40x128xi32, #tpu.memory_space<hbm>>
      %dma_start3A_45 = arith.constant 40 : i32
      %dma_start3A_46 = arith.constant 0 : i32
      %dma_start3A_47 = tpu.memref_slice %arg3[%add3A, %dma_start3A_45, %dma_start3A_46] : memref<32x80x128xi32, #tpu.memory_space<hbm>> -> memref<1x40x128xi32, #tpu.memory_space<hbm>>
      %dma_start3A_48 = tpu.memref_squeeze %dma_start3A_47 : memref<1x40x128xi32, #tpu.memory_space<hbm>> -> memref<40x128xi32, #tpu.memory_space<hbm>>
      tpu.enqueue_dma source(%dma_start3A_48 : memref<40x128xi32, #tpu.memory_space<hbm>>) target(%arg7 : memref<40x128xi32, #tpu.memory_space<vmem>>) target_semaphore(%run_scoped3A : memref<!tpu.dma_semaphore, #tpu.memory_space<semaphore_mem>>)
      %dma_wait3A_49 = arith.constant 40 : i32
      %dma_wait3A_50 = arith.constant 0 : i32
      %dma_wait3A_51 = tpu.memref_slice %arg3[%add3A, %dma_wait3A_49, %dma_wait3A_50] : memref<32x80x128xi32, #tpu.memory_space<hbm>> -> memref<1x40x128xi32, #tpu.memory_space<hbm>>
      %dma_wait3A_52 = tpu.memref_squeeze %dma_wait3A_51 : memref<1x40x128xi32, #tpu.memory_space<hbm>> -> memref<40x128xi32, #tpu.memory_space<hbm>>
      %dma_wait3A_53 = arith.constant 40 : i32
      %dma_wait3A_54 = arith.constant 0 : i32
      %dma_wait3A_55 = tpu.memref_slice %arg3[%add3A, %dma_wait3A_53, %dma_wait3A_54] : memref<32x80x128xi32, #tpu.memory_space<hbm>> -> memref<1x40x128xi32, #tpu.memory_space<hbm>>
      %dma_wait3A_56 = tpu.memref_squeeze %dma_wait3A_55 : memref<1x40x128xi32, #tpu.memory_space<hbm>> -> memref<40x128xi32, #tpu.memory_space<hbm>>
      tpu.wait_dma2 semaphore(%run_scoped3A : memref<!tpu.dma_semaphore, #tpu.memory_space<semaphore_mem>>) src(%dma_wait3A_56 : memref<40x128xi32, #tpu.memory_space<hbm>>) dst(%arg7 : memref<40x128xi32, #tpu.memory_space<vmem>>)
      tpu.yield
    }) : () -> ()
    "tpu.region"() ({
      %run_scoped3A = tpu.sem_alloc : memref<!tpu.dma_semaphore, #tpu.memory_space<semaphore_mem>>
      %dma_start3A_41 = arith.constant 40 : i32
      %dma_start3A_42 = arith.constant 0 : i32
      %dma_start3A_43 = tpu.memref_slice %arg4[%add3A, %dma_start3A_41, %dma_start3A_42] : memref<32x80x128xi32, #tpu.memory_space<hbm>> -> memref<1x40x128xi32, #tpu.memory_space<hbm>>
      %dma_start3A_44 = tpu.memref_squeeze %dma_start3A_43 : memref<1x40x128xi32, #tpu.memory_space<hbm>> -> memref<40x128xi32, #tpu.memory_space<hbm>>
      %dma_start3A_45 = arith.constant 40 : i32
      %dma_start3A_46 = arith.constant 0 : i32
      %dma_start3A_47 = tpu.memref_slice %arg4[%add3A, %dma_start3A_45, %dma_start3A_46] : memref<32x80x128xi32, #tpu.memory_space<hbm>> -> memref<1x40x128xi32, #tpu.memory_space<hbm>>
      %dma_start3A_48 = tpu.memref_squeeze %dma_start3A_47 : memref<1x40x128xi32, #tpu.memory_space<hbm>> -> memref<40x128xi32, #tpu.memory_space<hbm>>
      tpu.enqueue_dma source(%dma_start3A_48 : memref<40x128xi32, #tpu.memory_space<hbm>>) target(%arg8 : memref<40x128xi32, #tpu.memory_space<vmem>>) target_semaphore(%run_scoped3A : memref<!tpu.dma_semaphore, #tpu.memory_space<semaphore_mem>>)
      %dma_wait3A_49 = arith.constant 40 : i32
      %dma_wait3A_50 = arith.constant 0 : i32
      %dma_wait3A_51 = tpu.memref_slice %arg4[%add3A, %dma_wait3A_49, %dma_wait3A_50] : memref<32x80x128xi32, #tpu.memory_space<hbm>> -> memref<1x40x128xi32, #tpu.memory_space<hbm>>
      %dma_wait3A_52 = tpu.memref_squeeze %dma_wait3A_51 : memref<1x40x128xi32, #tpu.memory_space<hbm>> -> memref<40x128xi32, #tpu.memory_space<hbm>>
      %dma_wait3A_53 = arith.constant 40 : i32
      %dma_wait3A_54 = arith.constant 0 : i32
      %dma_wait3A_55 = tpu.memref_slice %arg4[%add3A, %dma_wait3A_53, %dma_wait3A_54] : memref<32x80x128xi32, #tpu.memory_space<hbm>> -> memref<1x40x128xi32, #tpu.memory_space<hbm>>
      %dma_wait3A_56 = tpu.memref_squeeze %dma_wait3A_55 : memref<1x40x128xi32, #tpu.memory_space<hbm>> -> memref<40x128xi32, #tpu.memory_space<hbm>>
      tpu.wait_dma2 semaphore(%run_scoped3A : memref<!tpu.dma_semaphore, #tpu.memory_space<semaphore_mem>>) src(%dma_wait3A_56 : memref<40x128xi32, #tpu.memory_space<hbm>>) dst(%arg8 : memref<40x128xi32, #tpu.memory_space<vmem>>)
      tpu.yield
    }) : () -> ()
    %dma_start3A_20 = arith.constant 0 : i32
    %dma_start3A_21 = arith.constant 0 : i32
    %dma_start3A_22 = tpu.memref_slice %arg7[%dma_start3A_20, %dma_start3A_21] : memref<40x128xi32, #tpu.memory_space<vmem>> -> memref<1x128xi32, #tpu.memory_space<vmem>>
    %dma_start3A_23 = tpu.memref_squeeze %dma_start3A_22 : memref<1x128xi32, #tpu.memory_space<vmem>> -> memref<128xi32, #tpu.memory_space<vmem>>
    %dma_start3A_24 = arith.constant 0 : i32
    %dma_start3A_25 = arith.constant 0 : i32
    %dma_start3A_26 = tpu.memref_slice %arg2[%dma_start3A_24, %dma_start3A_25] : memref<10008x128xf32, #tpu.memory_space<hbm>> -> memref<10008x128xf32, #tpu.memory_space<hbm>>
    tpu.enqueue_indirect_dma source(%dma_start3A_26 : memref<10008x128xf32, #tpu.memory_space<hbm>>) target(%arg9 : memref<128x128xf32, #tpu.memory_space<vmem>>) offsets(%dma_start3A_23 : memref<128xi32, #tpu.memory_space<vmem>>) semaphore(%arg12 : memref<!tpu.dma_semaphore, #tpu.memory_space<semaphore_mem>>)
    %dma_wait3A_27 = arith.constant 0 : i32
    %dma_wait3A_28 = arith.constant 0 : i32
    %dma_wait3A_29 = tpu.memref_slice %arg7[%dma_wait3A_27, %dma_wait3A_28] : memref<40x128xi32, #tpu.memory_space<vmem>> -> memref<1x128xi32, #tpu.memory_space<vmem>>
    %dma_wait3A_30 = tpu.memref_squeeze %dma_wait3A_29 : memref<1x128xi32, #tpu.memory_space<vmem>> -> memref<128xi32, #tpu.memory_space<vmem>>
    %dma_wait3A_31 = arith.constant 0 : i32
    %dma_wait3A_32 = arith.constant 0 : i32
    %dma_wait3A_33 = tpu.memref_slice %arg2[%dma_wait3A_31, %dma_wait3A_32] : memref<10008x128xf32, #tpu.memory_space<hbm>> -> memref<10008x128xf32, #tpu.memory_space<hbm>>
    tpu.wait_indirect_dma semaphore(%arg12 : memref<!tpu.dma_semaphore, #tpu.memory_space<semaphore_mem>>) src(%dma_wait3A_33 : memref<10008x128xf32, #tpu.memory_space<hbm>>) dst(%arg9 : memref<128x128xf32, #tpu.memory_space<vmem>>)
    %scan3A_34 = arith.constant 0 : i32
    %scan3A_35 = arith.constant 0 : i32
    %scan3A_36 = arith.constant 20 : i32
    %scan3A_37 = arith.addi %scan3A_35, %scan3A_36 : i32
    %scan3A_38 = arith.constant 1 : i32
    scf.for %scan3A_41 = %scan3A_35 to %scan3A_37 step %scan3A_38  : i32 {
      %mul3A_42 = arith.constant 2 : i32
      %mul3A_43 = arith.muli %mul3A_42, %scan3A_41 : i32
      %add3A_44 = arith.constant 1 : i32
      %add3A_45 = arith.addi %mul3A_43, %add3A_44 : i32
      %dma_start3A_46 = arith.constant 0 : i32
      %dma_start3A_47 = tpu.memref_slice %arg7[%add3A_45, %dma_start3A_46] : memref<40x128xi32, #tpu.memory_space<vmem>> -> memref<1x128xi32, #tpu.memory_space<vmem>>
      %dma_start3A_48 = tpu.memref_squeeze %dma_start3A_47 : memref<1x128xi32, #tpu.memory_space<vmem>> -> memref<128xi32, #tpu.memory_space<vmem>>
      %dma_start3A_49 = arith.constant 0 : i32
      %dma_start3A_50 = arith.constant 0 : i32
      %dma_start3A_51 = tpu.memref_slice %arg2[%dma_start3A_49, %dma_start3A_50] : memref<10008x128xf32, #tpu.memory_space<hbm>> -> memref<10008x128xf32, #tpu.memory_space<hbm>>
      tpu.enqueue_indirect_dma source(%dma_start3A_51 : memref<10008x128xf32, #tpu.memory_space<hbm>>) target(%arg10 : memref<128x128xf32, #tpu.memory_space<vmem>>) offsets(%dma_start3A_48 : memref<128xi32, #tpu.memory_space<vmem>>) semaphore(%arg12 : memref<!tpu.dma_semaphore, #tpu.memory_space<semaphore_mem>>)
      "tpu.region"() ({
        %run_scoped3A = tpu.sem_alloc : memref<!tpu.dma_semaphore, #tpu.memory_space<semaphore_mem>>
        %dma_start3A_75 = arith.constant 0 : i32
        %dma_start3A_76 = tpu.memref_slice %arg8[%mul3A_43, %dma_start3A_75] : memref<40x128xi32, #tpu.memory_space<vmem>> -> memref<1x128xi32, #tpu.memory_space<vmem>>
        %dma_start3A_77 = tpu.memref_squeeze %dma_start3A_76 : memref<1x128xi32, #tpu.memory_space<vmem>> -> memref<128xi32, #tpu.memory_space<vmem>>
        %dma_start3A_78 = arith.constant 0 : i32
        %dma_start3A_79 = arith.constant 0 : i32
        %dma_start3A_80 = tpu.memref_slice %arg11[%dma_start3A_78, %dma_start3A_79] : memref<10112x128xf32, #tpu.memory_space<vmem_shared>> -> memref<10112x128xf32, #tpu.memory_space<vmem_shared>>
        tpu.enqueue_indirect_dma source(%arg9 : memref<128x128xf32, #tpu.memory_space<vmem>>) target(%dma_start3A_80 : memref<10112x128xf32, #tpu.memory_space<vmem_shared>>) offsets(%dma_start3A_77 : memref<128xi32, #tpu.memory_space<vmem>>) semaphore(%run_scoped3A : memref<!tpu.dma_semaphore, #tpu.memory_space<semaphore_mem>>) {add = true}
        %dma_wait3A_81 = arith.constant 0 : i32
        %dma_wait3A_82 = tpu.memref_slice %arg8[%mul3A_43, %dma_wait3A_81] : memref<40x128xi32, #tpu.memory_space<vmem>> -> memref<1x128xi32, #tpu.memory_space<vmem>>
        %dma_wait3A_83 = tpu.memref_squeeze %dma_wait3A_82 : memref<1x128xi32, #tpu.memory_space<vmem>> -> memref<128xi32, #tpu.memory_space<vmem>>
        %dma_wait3A_84 = arith.constant 0 : i32
        %dma_wait3A_85 = arith.constant 0 : i32
        %dma_wait3A_86 = tpu.memref_slice %arg11[%dma_wait3A_84, %dma_wait3A_85] : memref<10112x128xf32, #tpu.memory_space<vmem_shared>> -> memref<10112x128xf32, #tpu.memory_space<vmem_shared>>
        tpu.wait_indirect_dma semaphore(%run_scoped3A : memref<!tpu.dma_semaphore, #tpu.memory_space<semaphore_mem>>) src(%arg9 : memref<128x128xf32, #tpu.memory_space<vmem>>) dst(%dma_wait3A_86 : memref<10112x128xf32, #tpu.memory_space<vmem_shared>>)
        tpu.yield
      }) : () -> ()
      %dma_wait3A_52 = arith.constant 0 : i32
      %dma_wait3A_53 = tpu.memref_slice %arg7[%add3A_45, %dma_wait3A_52] : memref<40x128xi32, #tpu.memory_space<vmem>> -> memref<1x128xi32, #tpu.memory_space<vmem>>
      %dma_wait3A_54 = tpu.memref_squeeze %dma_wait3A_53 : memref<1x128xi32, #tpu.memory_space<vmem>> -> memref<128xi32, #tpu.memory_space<vmem>>
      %dma_wait3A_55 = arith.constant 0 : i32
      %dma_wait3A_56 = arith.constant 0 : i32
      %dma_wait3A_57 = tpu.memref_slice %arg2[%dma_wait3A_55, %dma_wait3A_56] : memref<10008x128xf32, #tpu.memory_space<hbm>> -> memref<10008x128xf32, #tpu.memory_space<hbm>>
      tpu.wait_indirect_dma semaphore(%arg12 : memref<!tpu.dma_semaphore, #tpu.memory_space<semaphore_mem>>) src(%dma_wait3A_57 : memref<10008x128xf32, #tpu.memory_space<hbm>>) dst(%arg10 : memref<128x128xf32, #tpu.memory_space<vmem>>)
      %add3A_58 = arith.constant 2 : i32
      %add3A_59 = arith.addi %mul3A_43, %add3A_58 : i32
      %min3A = arith.constant 39 : i32
      %min3A_60 = arith.minsi %add3A_59, %min3A : i32
      %dma_start3A_61 = arith.constant 0 : i32
      %dma_start3A_62 = tpu.memref_slice %arg7[%min3A_60, %dma_start3A_61] : memref<40x128xi32, #tpu.memory_space<vmem>> -> memref<1x128xi32, #tpu.memory_space<vmem>>
      %dma_start3A_63 = tpu.memref_squeeze %dma_start3A_62 : memref<1x128xi32, #tpu.memory_space<vmem>> -> memref<128xi32, #tpu.memory_space<vmem>>
      %dma_start3A_64 = arith.constant 0 : i32
      %dma_start3A_65 = arith.constant 0 : i32
      %dma_start3A_66 = tpu.memref_slice %arg2[%dma_start3A_64, %dma_start3A_65] : memref<10008x128xf32, #tpu.memory_space<hbm>> -> memref<10008x128xf32, #tpu.memory_space<hbm>>
      tpu.enqueue_indirect_dma source(%dma_start3A_66 : memref<10008x128xf32, #tpu.memory_space<hbm>>) target(%arg9 : memref<128x128xf32, #tpu.memory_space<vmem>>) offsets(%dma_start3A_63 : memref<128xi32, #tpu.memory_space<vmem>>) semaphore(%arg12 : memref<!tpu.dma_semaphore, #tpu.memory_space<semaphore_mem>>)
      %add3A_67 = arith.constant 1 : i32
      %add3A_68 = arith.addi %mul3A_43, %add3A_67 : i32
      "tpu.region"() ({
        %run_scoped3A = tpu.sem_alloc : memref<!tpu.dma_semaphore, #tpu.memory_space<semaphore_mem>>
        %dma_start3A_75 = arith.constant 0 : i32
        %dma_start3A_76 = tpu.memref_slice %arg8[%add3A_68, %dma_start3A_75] : memref<40x128xi32, #tpu.memory_space<vmem>> -> memref<1x128xi32, #tpu.memory_space<vmem>>
        %dma_start3A_77 = tpu.memref_squeeze %dma_start3A_76 : memref<1x128xi32, #tpu.memory_space<vmem>> -> memref<128xi32, #tpu.memory_space<vmem>>
        %dma_start3A_78 = arith.constant 0 : i32
        %dma_start3A_79 = arith.constant 0 : i32
        %dma_start3A_80 = tpu.memref_slice %arg11[%dma_start3A_78, %dma_start3A_79] : memref<10112x128xf32, #tpu.memory_space<vmem_shared>> -> memref<10112x128xf32, #tpu.memory_space<vmem_shared>>
        tpu.enqueue_indirect_dma source(%arg10 : memref<128x128xf32, #tpu.memory_space<vmem>>) target(%dma_start3A_80 : memref<10112x128xf32, #tpu.memory_space<vmem_shared>>) offsets(%dma_start3A_77 : memref<128xi32, #tpu.memory_space<vmem>>) semaphore(%run_scoped3A : memref<!tpu.dma_semaphore, #tpu.memory_space<semaphore_mem>>) {add = true}
        %dma_wait3A_81 = arith.constant 0 : i32
        %dma_wait3A_82 = tpu.memref_slice %arg8[%add3A_68, %dma_wait3A_81] : memref<40x128xi32, #tpu.memory_space<vmem>> -> memref<1x128xi32, #tpu.memory_space<vmem>>
        %dma_wait3A_83 = tpu.memref_squeeze %dma_wait3A_82 : memref<1x128xi32, #tpu.memory_space<vmem>> -> memref<128xi32, #tpu.memory_space<vmem>>
        %dma_wait3A_84 = arith.constant 0 : i32
        %dma_wait3A_85 = arith.constant 0 : i32
        %dma_wait3A_86 = tpu.memref_slice %arg11[%dma_wait3A_84, %dma_wait3A_85] : memref<10112x128xf32, #tpu.memory_space<vmem_shared>> -> memref<10112x128xf32, #tpu.memory_space<vmem_shared>>
        tpu.wait_indirect_dma semaphore(%run_scoped3A : memref<!tpu.dma_semaphore, #tpu.memory_space<semaphore_mem>>) src(%arg10 : memref<128x128xf32, #tpu.memory_space<vmem>>) dst(%dma_wait3A_86 : memref<10112x128xf32, #tpu.memory_space<vmem_shared>>)
        tpu.yield
      }) : () -> ()
      %dma_wait3A_69 = arith.constant 0 : i32
      %dma_wait3A_70 = tpu.memref_slice %arg7[%min3A_60, %dma_wait3A_69] : memref<40x128xi32, #tpu.memory_space<vmem>> -> memref<1x128xi32, #tpu.memory_space<vmem>>
      %dma_wait3A_71 = tpu.memref_squeeze %dma_wait3A_70 : memref<1x128xi32, #tpu.memory_space<vmem>> -> memref<128xi32, #tpu.memory_space<vmem>>
      %dma_wait3A_72 = arith.constant 0 : i32
      %dma_wait3A_73 = arith.constant 0 : i32
      %dma_wait3A_74 = tpu.memref_slice %arg2[%dma_wait3A_72, %dma_wait3A_73] : memref<10008x128xf32, #tpu.memory_space<hbm>> -> memref<10008x128xf32, #tpu.memory_space<hbm>>
      tpu.wait_indirect_dma semaphore(%arg12 : memref<!tpu.dma_semaphore, #tpu.memory_space<semaphore_mem>>) src(%dma_wait3A_74 : memref<10008x128xf32, #tpu.memory_space<hbm>>) dst(%arg9 : memref<128x128xf32, #tpu.memory_space<vmem>>)
    }
    %scan3A_39 = arith.constant 20 : i32
    %barrier3A_40 = arith.constant 0 : index
    tpu.barrier barrier_id(%barrier3A_40)
    "tpu.region"() ({
      %run_scoped3A = tpu.sem_alloc : memref<!tpu.dma_semaphore, #tpu.memory_space<semaphore_mem>>
      %dma_start3A_41 = arith.constant 0 : i32
      %dma_start3A_42 = tpu.memref_slice %arg6[%arg0, %mul3A_2, %dma_start3A_41] : memref<2x10112x128xf32, #tpu.memory_space<hbm>> -> memref<1x632x128xf32, #tpu.memory_space<hbm>>
      %dma_start3A_43 = tpu.memref_squeeze %dma_start3A_42 : memref<1x632x128xf32, #tpu.memory_space<hbm>> -> memref<632x128xf32, #tpu.memory_space<hbm>>
      %dma_start3A_44 = arith.constant 0 : i32
      %dma_start3A_45 = tpu.memref_slice %arg11[%mul3A_2, %dma_start3A_44] : memref<10112x128xf32, #tpu.memory_space<vmem_shared>> -> memref<632x128xf32, #tpu.memory_space<vmem_shared>>
      tpu.enqueue_dma source(%dma_start3A_45 : memref<632x128xf32, #tpu.memory_space<vmem_shared>>) target(%dma_start3A_43 : memref<632x128xf32, #tpu.memory_space<hbm>>) target_semaphore(%run_scoped3A : memref<!tpu.dma_semaphore, #tpu.memory_space<semaphore_mem>>)
      %dma_wait3A_46 = arith.constant 0 : i32
      %dma_wait3A_47 = tpu.memref_slice %arg6[%arg0, %mul3A_2, %dma_wait3A_46] : memref<2x10112x128xf32, #tpu.memory_space<hbm>> -> memref<1x632x128xf32, #tpu.memory_space<hbm>>
      %dma_wait3A_48 = tpu.memref_squeeze %dma_wait3A_47 : memref<1x632x128xf32, #tpu.memory_space<hbm>> -> memref<632x128xf32, #tpu.memory_space<hbm>>
      %dma_wait3A_49 = arith.constant 0 : i32
      %dma_wait3A_50 = tpu.memref_slice %arg11[%mul3A_2, %dma_wait3A_49] : memref<10112x128xf32, #tpu.memory_space<vmem_shared>> -> memref<632x128xf32, #tpu.memory_space<vmem_shared>>
      tpu.wait_dma2 semaphore(%run_scoped3A : memref<!tpu.dma_semaphore, #tpu.memory_space<semaphore_mem>>) src(%dma_wait3A_50 : memref<632x128xf32, #tpu.memory_space<vmem_shared>>) dst(%dma_wait3A_48 : memref<632x128xf32, #tpu.memory_space<hbm>>)
      tpu.yield
    }) : () -> ()
    return
  }
}

module attributes {stable_mosaic.version = 14 : i64} {
  func.func @body(%arg0: memref<10000x128xf32, #tpu.memory_space<vmem>>, %arg1: memref<128x128xf32, #tpu.memory_space<vmem>>, %arg2: memref<1x128xf32, #tpu.memory_space<vmem>>, %arg3: memref<10000x128xf32, #tpu.memory_space<vmem>>) attributes {dimension_semantics = [], scalar_prefetch = 0 : i64, scratch_operands = 0 : i64, tpu.core_type = #tpu.core_type<tc>} {
    %get3A = arith.constant 0 : index
    %get3A_0 = arith.constant 0 : index
    %get3A_1 = vector.load %arg0[%get3A, %get3A_0] : memref<10000x128xf32, #tpu.memory_space<vmem>>, vector<10000x128xf32>
    %get3A_2 = arith.constant 0 : index
    %get3A_3 = arith.constant 0 : index
    %get3A_4 = vector.load %arg1[%get3A_2, %get3A_3] : memref<128x128xf32, #tpu.memory_space<vmem>>, vector<128x128xf32>
    %dot_general3A = arith.constant dense<0.000000e+00> : vector<10000x128xf32>
    %dot_general3A_5 = tpu.matmul %get3A_1, %get3A_4, %dot_general3A {dimension_numbers = #tpu.dot_dimension_numbers<[1], [0], [0], [1], [0, 0, 1, 1], [], []>, transpose_lhs_hint = false} : vector<10000x128xf32>, vector<128x128xf32>, vector<10000x128xf32> -> vector<10000x128xf32>
    %get3A_6 = arith.constant 0 : index
    %get3A_7 = arith.constant 0 : index
    %get3A_8 = vector.load %arg2[%get3A_6, %get3A_7] : memref<1x128xf32, #tpu.memory_space<vmem>>, vector<1x128xf32>
    %add3A = vector.broadcast %get3A_8 : vector<1x128xf32> to vector<10000x128xf32>
    %add3A_9 = arith.addf %dot_general3A_5, %add3A : vector<10000x128xf32>
    %swap3A = arith.constant 0 : index
    %swap3A_10 = arith.constant 0 : index
    %swap3A_11 = vector.load %arg3[%swap3A, %swap3A_10] : memref<10000x128xf32, #tpu.memory_space<vmem>>, vector<10000x128xf32>
    tpu.vector_store %arg3[%swap3A, %swap3A_10], %add3A_9 {strides = array<i32>} : memref<10000x128xf32, #tpu.memory_space<vmem>>, vector<10000x128xf32>,
    return
  }
}

module attributes {stable_mosaic.version = 14 : i64} {
  func.func @body(%arg0: memref<10000x128xf32, #tpu.memory_space<vmem>>, %arg1: memref<2x10112x128xf32, #tpu.memory_space<vmem>>, %arg2: memref<128x128xf32, #tpu.memory_space<vmem>>, %arg3: memref<1x128xf32, #tpu.memory_space<vmem>>, %arg4: memref<1x1xf32, #tpu.memory_space<vmem>>, %arg5: memref<1x128xf32, #tpu.memory_space<vmem>>, %arg6: memref<1x128xf32, #tpu.memory_space<vmem>>, %arg7: memref<128x128xf32, #tpu.memory_space<vmem>>, %arg8: memref<1x128xf32, #tpu.memory_space<vmem>>, %arg9: memref<1x1xf32, #tpu.memory_space<vmem>>, %arg10: memref<1x128xf32, #tpu.memory_space<vmem>>, %arg11: memref<1x128xf32, #tpu.memory_space<vmem>>, %arg12: memref<10000x128xf32, #tpu.memory_space<vmem>>) attributes {dimension_semantics = [], scalar_prefetch = 0 : i64, scratch_operands = 0 : i64, tpu.core_type = #tpu.core_type<tc>} {
    %get3A = arith.constant 0 : index
    %get3A_0 = arith.constant 0 : index
    %get3A_1 = vector.load %arg0[%get3A, %get3A_0] : memref<10000x128xf32, #tpu.memory_space<vmem>>, vector<10000x128xf32>
    %get3A_2 = arith.constant 0 : index
    %get3A_3 = arith.constant 0 : index
    %get3A_4 = arith.constant 0 : index
    %get3A_5 = vector.load %arg1[%get3A_2, %get3A_3, %get3A_4] : memref<2x10112x128xf32, #tpu.memory_space<vmem>>, vector<1x10000x128xf32>
    %get3A_6 = vector.shape_cast %get3A_5 : vector<1x10000x128xf32> to vector<10000x128xf32>
    %add3A = arith.addf %get3A_1, %get3A_6 : vector<10000x128xf32>
    %get3A_7 = arith.constant 1 : index
    %get3A_8 = arith.constant 0 : index
    %get3A_9 = arith.constant 0 : index
    %get3A_10 = vector.load %arg1[%get3A_7, %get3A_8, %get3A_9] : memref<2x10112x128xf32, #tpu.memory_space<vmem>>, vector<1x10000x128xf32>
    %get3A_11 = vector.shape_cast %get3A_10 : vector<1x10000x128xf32> to vector<10000x128xf32>
    %add3A_12 = arith.addf %add3A, %get3A_11 : vector<10000x128xf32>
    %get3A_13 = arith.constant 0 : index
    %get3A_14 = arith.constant 0 : index
    %get3A_15 = vector.load %arg2[%get3A_13, %get3A_14] : memref<128x128xf32, #tpu.memory_space<vmem>>, vector<128x128xf32>
    %dot_general3A = arith.constant dense<0.000000e+00> : vector<10000x128xf32>
    %dot_general3A_16 = tpu.matmul %add3A_12, %get3A_15, %dot_general3A {dimension_numbers = #tpu.dot_dimension_numbers<[1], [0], [0], [1], [0, 0, 1, 1], [], []>, transpose_lhs_hint = false} : vector<10000x128xf32>, vector<128x128xf32>, vector<10000x128xf32> -> vector<10000x128xf32>
    %get3A_17 = arith.constant 0 : index
    %get3A_18 = arith.constant 0 : index
    %get3A_19 = vector.load %arg3[%get3A_17, %get3A_18] : memref<1x128xf32, #tpu.memory_space<vmem>>, vector<1x128xf32>
    %add3A_20 = vector.broadcast %get3A_19 : vector<1x128xf32> to vector<10000x128xf32>
    %add3A_21 = arith.addf %dot_general3A_16, %add3A_20 : vector<10000x128xf32>
    %ge3A = arith.constant 0.000000e+00 : f32
    %ge3A_22 = vector.broadcast %ge3A : f32 to vector<10000x128xf32>
    %ge3A_23 = arith.cmpf oge, %add3A_21, %ge3A_22 : vector<10000x128xf32>
    %get3A_24 = arith.constant 0 : index
    %get3A_25 = arith.constant 0 : index
    %get3A_26 = vector.load %arg4[%get3A_24, %get3A_25] : memref<1x1xf32, #tpu.memory_space<vmem>>, vector<1x1xf32>
    %get3A_27 = vector.extract %get3A_26[0, 0] : f32 from vector<1x1xf32>
    %mul3A = vector.broadcast %get3A_27 : f32 to vector<10000x128xf32>
    %mul3A_28 = arith.mulf %mul3A, %add3A_21 : vector<10000x128xf32>
    %select_n3A = arith.select %ge3A_23, %add3A_21, %mul3A_28 : vector<10000x128xi1>, vector<10000x128xf32>
    %reduce_sum3A = arith.constant dense<0.000000e+00> : vector<128xf32>
    %reduce_sum3A_29 = vector.multi_reduction <add>, %select_n3A, %reduce_sum3A [0] : vector<10000x128xf32> to vector<128xf32>
    %broadcast_in_dim3A = vector.shape_cast %reduce_sum3A_29 : vector<128xf32> to vector<1x128xf32>
    %div3A = arith.constant 1.000000e+04 : f32
    %div3A_30 = vector.broadcast %div3A : f32 to vector<1x128xf32>
    %div3A_31 = arith.divf %broadcast_in_dim3A, %div3A_30 : vector<1x128xf32>
    %sub3A = vector.broadcast %div3A_31 : vector<1x128xf32> to vector<10000x128xf32>
    %sub3A_32 = arith.subf %select_n3A, %sub3A : vector<10000x128xf32>
    %integer_pow3A = arith.mulf %sub3A_32, %sub3A_32 : vector<10000x128xf32>
    %reduce_sum3A_33 = arith.constant dense<0.000000e+00> : vector<128xf32>
    %reduce_sum3A_34 = vector.multi_reduction <add>, %integer_pow3A, %reduce_sum3A_33 [0] : vector<10000x128xf32> to vector<128xf32>
    %broadcast_in_dim3A_35 = vector.shape_cast %reduce_sum3A_34 : vector<128xf32> to vector<1x128xf32>
    %div3A_36 = arith.constant 1.000000e+04 : f32
    %div3A_37 = vector.broadcast %div3A_36 : f32 to vector<1x128xf32>
    %div3A_38 = arith.divf %broadcast_in_dim3A_35, %div3A_37 : vector<1x128xf32>
    %get3A_39 = arith.constant 0 : index
    %get3A_40 = arith.constant 0 : index
    %get3A_41 = vector.load %arg5[%get3A_39, %get3A_40] : memref<1x128xf32, #tpu.memory_space<vmem>>, vector<1x128xf32>
    %sub3A_42 = vector.broadcast %div3A_31 : vector<1x128xf32> to vector<10000x128xf32>
    %sub3A_43 = arith.subf %select_n3A, %sub3A_42 : vector<10000x128xf32>
    %mul3A_44 = vector.broadcast %get3A_41 : vector<1x128xf32> to vector<10000x128xf32>
    %mul3A_45 = arith.mulf %mul3A_44, %sub3A_43 : vector<10000x128xf32>
    %add3A_46 = arith.constant 9.99999974E-6 : f32
    %add3A_47 = vector.broadcast %add3A_46 : f32 to vector<1x128xf32>
    %add3A_48 = arith.addf %div3A_38, %add3A_47 : vector<1x128xf32>
    %sqrt3A = math.sqrt %add3A_48 : vector<1x128xf32>
    %div3A_49 = vector.broadcast %sqrt3A : vector<1x128xf32> to vector<10000x128xf32>
    %div3A_50 = arith.divf %mul3A_45, %div3A_49 : vector<10000x128xf32>
    %get3A_51 = arith.constant 0 : index
    %get3A_52 = arith.constant 0 : index
    %get3A_53 = vector.load %arg6[%get3A_51, %get3A_52] : memref<1x128xf32, #tpu.memory_space<vmem>>, vector<1x128xf32>
    %add3A_54 = vector.broadcast %get3A_53 : vector<1x128xf32> to vector<10000x128xf32>
    %add3A_55 = arith.addf %div3A_50, %add3A_54 : vector<10000x128xf32>
    %get3A_56 = arith.constant 0 : index
    %get3A_57 = arith.constant 0 : index
    %get3A_58 = vector.load %arg7[%get3A_56, %get3A_57] : memref<128x128xf32, #tpu.memory_space<vmem>>, vector<128x128xf32>
    %dot_general3A_59 = arith.constant dense<0.000000e+00> : vector<10000x128xf32>
    %dot_general3A_60 = tpu.matmul %add3A_55, %get3A_58, %dot_general3A_59 {dimension_numbers = #tpu.dot_dimension_numbers<[1], [0], [0], [1], [0, 0, 1, 1], [], []>, transpose_lhs_hint = false} : vector<10000x128xf32>, vector<128x128xf32>, vector<10000x128xf32> -> vector<10000x128xf32>
    %get3A_61 = arith.constant 0 : index
    %get3A_62 = arith.constant 0 : index
    %get3A_63 = vector.load %arg8[%get3A_61, %get3A_62] : memref<1x128xf32, #tpu.memory_space<vmem>>, vector<1x128xf32>
    %add3A_64 = vector.broadcast %get3A_63 : vector<1x128xf32> to vector<10000x128xf32>
    %add3A_65 = arith.addf %dot_general3A_60, %add3A_64 : vector<10000x128xf32>
    %ge3A_66 = arith.constant 0.000000e+00 : f32
    %ge3A_67 = vector.broadcast %ge3A_66 : f32 to vector<10000x128xf32>
    %ge3A_68 = arith.cmpf oge, %add3A_65, %ge3A_67 : vector<10000x128xf32>
    %get3A_69 = arith.constant 0 : index
    %get3A_70 = arith.constant 0 : index
    %get3A_71 = vector.load %arg9[%get3A_69, %get3A_70] : memref<1x1xf32, #tpu.memory_space<vmem>>, vector<1x1xf32>
    %get3A_72 = vector.extract %get3A_71[0, 0] : f32 from vector<1x1xf32>
    %mul3A_73 = vector.broadcast %get3A_72 : f32 to vector<10000x128xf32>
    %mul3A_74 = arith.mulf %mul3A_73, %add3A_65 : vector<10000x128xf32>
    %select_n3A_75 = arith.select %ge3A_68, %add3A_65, %mul3A_74 : vector<10000x128xi1>, vector<10000x128xf32>
    %reduce_sum3A_76 = arith.constant dense<0.000000e+00> : vector<128xf32>
    %reduce_sum3A_77 = vector.multi_reduction <add>, %select_n3A_75, %reduce_sum3A_76 [0] : vector<10000x128xf32> to vector<128xf32>
    %broadcast_in_dim3A_78 = vector.shape_cast %reduce_sum3A_77 : vector<128xf32> to vector<1x128xf32>
    %div3A_79 = arith.constant 1.000000e+04 : f32
    %div3A_80 = vector.broadcast %div3A_79 : f32 to vector<1x128xf32>
    %div3A_81 = arith.divf %broadcast_in_dim3A_78, %div3A_80 : vector<1x128xf32>
    %sub3A_82 = vector.broadcast %div3A_81 : vector<1x128xf32> to vector<10000x128xf32>
    %sub3A_83 = arith.subf %select_n3A_75, %sub3A_82 : vector<10000x128xf32>
    %integer_pow3A_84 = arith.mulf %sub3A_83, %sub3A_83 : vector<10000x128xf32>
    %reduce_sum3A_85 = arith.constant dense<0.000000e+00> : vector<128xf32>
    %reduce_sum3A_86 = vector.multi_reduction <add>, %integer_pow3A_84, %reduce_sum3A_85 [0] : vector<10000x128xf32> to vector<128xf32>
    %broadcast_in_dim3A_87 = vector.shape_cast %reduce_sum3A_86 : vector<128xf32> to vector<1x128xf32>
    %div3A_88 = arith.constant 1.000000e+04 : f32
    %div3A_89 = vector.broadcast %div3A_88 : f32 to vector<1x128xf32>
    %div3A_90 = arith.divf %broadcast_in_dim3A_87, %div3A_89 : vector<1x128xf32>
    %get3A_91 = arith.constant 0 : index
    %get3A_92 = arith.constant 0 : index
    %get3A_93 = vector.load %arg10[%get3A_91, %get3A_92] : memref<1x128xf32, #tpu.memory_space<vmem>>, vector<1x128xf32>
    %sub3A_94 = vector.broadcast %div3A_81 : vector<1x128xf32> to vector<10000x128xf32>
    %sub3A_95 = arith.subf %select_n3A_75, %sub3A_94 : vector<10000x128xf32>
    %mul3A_96 = vector.broadcast %get3A_93 : vector<1x128xf32> to vector<10000x128xf32>
    %mul3A_97 = arith.mulf %mul3A_96, %sub3A_95 : vector<10000x128xf32>
    %add3A_98 = arith.constant 9.99999974E-6 : f32
    %add3A_99 = vector.broadcast %add3A_98 : f32 to vector<1x128xf32>
    %add3A_100 = arith.addf %div3A_90, %add3A_99 : vector<1x128xf32>
    %sqrt3A_101 = math.sqrt %add3A_100 : vector<1x128xf32>
    %div3A_102 = vector.broadcast %sqrt3A_101 : vector<1x128xf32> to vector<10000x128xf32>
    %div3A_103 = arith.divf %mul3A_97, %div3A_102 : vector<10000x128xf32>
    %get3A_104 = arith.constant 0 : index
    %get3A_105 = arith.constant 0 : index
    %get3A_106 = vector.load %arg11[%get3A_104, %get3A_105] : memref<1x128xf32, #tpu.memory_space<vmem>>, vector<1x128xf32>
    %add3A_107 = vector.broadcast %get3A_106 : vector<1x128xf32> to vector<10000x128xf32>
    %add3A_108 = arith.addf %div3A_103, %add3A_107 : vector<10000x128xf32>
    %swap3A = arith.constant 0 : index
    %swap3A_109 = arith.constant 0 : index
    %swap3A_110 = vector.load %arg12[%swap3A, %swap3A_109] : memref<10000x128xf32, #tpu.memory_space<vmem>>, vector<10000x128xf32>
    tpu.vector_store %arg12[%swap3A, %swap3A_109], %add3A_108 {strides = array<i32>} : memref<10000x128xf32, #tpu.memory_space<vmem>>, vector<10000x128xf32>,
    return
  }
}

module attributes {stable_mosaic.version = 14 : i64} {
  func.func @body(%arg0: memref<10000x128xf32, #tpu.memory_space<vmem>>, %arg1: memref<2x10112x128xf32, #tpu.memory_space<vmem>>, %arg2: memref<128x128xf32, #tpu.memory_space<vmem>>, %arg3: memref<1x128xf32, #tpu.memory_space<vmem>>, %arg4: memref<1x1xf32, #tpu.memory_space<vmem>>, %arg5: memref<1x128xf32, #tpu.memory_space<vmem>>, %arg6: memref<1x128xf32, #tpu.memory_space<vmem>>, %arg7: memref<128x128xf32, #tpu.memory_space<vmem>>, %arg8: memref<1x128xf32, #tpu.memory_space<vmem>>, %arg9: memref<1x1xf32, #tpu.memory_space<vmem>>, %arg10: memref<1x128xf32, #tpu.memory_space<vmem>>, %arg11: memref<1x128xf32, #tpu.memory_space<vmem>>, %arg12: memref<1x10000xi32, #tpu.memory_space<vmem>>, %arg13: memref<1x128xf32, #tpu.memory_space<vmem>>, %arg14: memref<1x128xf32, #tpu.memory_space<vmem>>, %arg15: memref<128x128xf32, #tpu.memory_space<vmem>>, %arg16: memref<1x128xf32, #tpu.memory_space<vmem>>, %arg17: memref<64x128xf32, #tpu.memory_space<vmem>>) attributes {dimension_semantics = [], scalar_prefetch = 0 : i64, scratch_operands = 0 : i64, tpu.core_type = #tpu.core_type<tc>} {
    %get3A = arith.constant 0 : index
    %get3A_0 = arith.constant 0 : index
    %get3A_1 = vector.load %arg0[%get3A, %get3A_0] : memref<10000x128xf32, #tpu.memory_space<vmem>>, vector<10000x128xf32>
    %get3A_2 = arith.constant 0 : index
    %get3A_3 = arith.constant 0 : index
    %get3A_4 = arith.constant 0 : index
    %get3A_5 = vector.load %arg1[%get3A_2, %get3A_3, %get3A_4] : memref<2x10112x128xf32, #tpu.memory_space<vmem>>, vector<1x10000x128xf32>
    %get3A_6 = vector.shape_cast %get3A_5 : vector<1x10000x128xf32> to vector<10000x128xf32>
    %add3A = arith.addf %get3A_1, %get3A_6 : vector<10000x128xf32>
    %get3A_7 = arith.constant 1 : index
    %get3A_8 = arith.constant 0 : index
    %get3A_9 = arith.constant 0 : index
    %get3A_10 = vector.load %arg1[%get3A_7, %get3A_8, %get3A_9] : memref<2x10112x128xf32, #tpu.memory_space<vmem>>, vector<1x10000x128xf32>
    %get3A_11 = vector.shape_cast %get3A_10 : vector<1x10000x128xf32> to vector<10000x128xf32>
    %add3A_12 = arith.addf %add3A, %get3A_11 : vector<10000x128xf32>
    %get3A_13 = arith.constant 0 : index
    %get3A_14 = arith.constant 0 : index
    %get3A_15 = vector.load %arg2[%get3A_13, %get3A_14] : memref<128x128xf32, #tpu.memory_space<vmem>>, vector<128x128xf32>
    %dot_general3A = arith.constant dense<0.000000e+00> : vector<10000x128xf32>
    %dot_general3A_16 = tpu.matmul %add3A_12, %get3A_15, %dot_general3A {dimension_numbers = #tpu.dot_dimension_numbers<[1], [0], [0], [1], [0, 0, 1, 1], [], []>, transpose_lhs_hint = false} : vector<10000x128xf32>, vector<128x128xf32>, vector<10000x128xf32> -> vector<10000x128xf32>
    %get3A_17 = arith.constant 0 : index
    %get3A_18 = arith.constant 0 : index
    %get3A_19 = vector.load %arg3[%get3A_17, %get3A_18] : memref<1x128xf32, #tpu.memory_space<vmem>>, vector<1x128xf32>
    %add3A_20 = vector.broadcast %get3A_19 : vector<1x128xf32> to vector<10000x128xf32>
    %add3A_21 = arith.addf %dot_general3A_16, %add3A_20 : vector<10000x128xf32>
    %ge3A = arith.constant 0.000000e+00 : f32
    %ge3A_22 = vector.broadcast %ge3A : f32 to vector<10000x128xf32>
    %ge3A_23 = arith.cmpf oge, %add3A_21, %ge3A_22 : vector<10000x128xf32>
    %get3A_24 = arith.constant 0 : index
    %get3A_25 = arith.constant 0 : index
    %get3A_26 = vector.load %arg4[%get3A_24, %get3A_25] : memref<1x1xf32, #tpu.memory_space<vmem>>, vector<1x1xf32>
    %get3A_27 = vector.extract %get3A_26[0, 0] : f32 from vector<1x1xf32>
    %mul3A = vector.broadcast %get3A_27 : f32 to vector<10000x128xf32>
    %mul3A_28 = arith.mulf %mul3A, %add3A_21 : vector<10000x128xf32>
    %select_n3A = arith.select %ge3A_23, %add3A_21, %mul3A_28 : vector<10000x128xi1>, vector<10000x128xf32>
    %reduce_sum3A = arith.constant dense<0.000000e+00> : vector<128xf32>
    %reduce_sum3A_29 = vector.multi_reduction <add>, %select_n3A, %reduce_sum3A [0] : vector<10000x128xf32> to vector<128xf32>
    %broadcast_in_dim3A = vector.shape_cast %reduce_sum3A_29 : vector<128xf32> to vector<1x128xf32>
    %div3A = arith.constant 1.000000e+04 : f32
    %div3A_30 = vector.broadcast %div3A : f32 to vector<1x128xf32>
    %div3A_31 = arith.divf %broadcast_in_dim3A, %div3A_30 : vector<1x128xf32>
    %sub3A = vector.broadcast %div3A_31 : vector<1x128xf32> to vector<10000x128xf32>
    %sub3A_32 = arith.subf %select_n3A, %sub3A : vector<10000x128xf32>
    %integer_pow3A = arith.mulf %sub3A_32, %sub3A_32 : vector<10000x128xf32>
    %reduce_sum3A_33 = arith.constant dense<0.000000e+00> : vector<128xf32>
    %reduce_sum3A_34 = vector.multi_reduction <add>, %integer_pow3A, %reduce_sum3A_33 [0] : vector<10000x128xf32> to vector<128xf32>
    %broadcast_in_dim3A_35 = vector.shape_cast %reduce_sum3A_34 : vector<128xf32> to vector<1x128xf32>
    %div3A_36 = arith.constant 1.000000e+04 : f32
    %div3A_37 = vector.broadcast %div3A_36 : f32 to vector<1x128xf32>
    %div3A_38 = arith.divf %broadcast_in_dim3A_35, %div3A_37 : vector<1x128xf32>
    %get3A_39 = arith.constant 0 : index
    %get3A_40 = arith.constant 0 : index
    %get3A_41 = vector.load %arg5[%get3A_39, %get3A_40] : memref<1x128xf32, #tpu.memory_space<vmem>>, vector<1x128xf32>
    %sub3A_42 = vector.broadcast %div3A_31 : vector<1x128xf32> to vector<10000x128xf32>
    %sub3A_43 = arith.subf %select_n3A, %sub3A_42 : vector<10000x128xf32>
    %mul3A_44 = vector.broadcast %get3A_41 : vector<1x128xf32> to vector<10000x128xf32>
    %mul3A_45 = arith.mulf %mul3A_44, %sub3A_43 : vector<10000x128xf32>
    %add3A_46 = arith.constant 9.99999974E-6 : f32
    %add3A_47 = vector.broadcast %add3A_46 : f32 to vector<1x128xf32>
    %add3A_48 = arith.addf %div3A_38, %add3A_47 : vector<1x128xf32>
    %sqrt3A = math.sqrt %add3A_48 : vector<1x128xf32>
    %div3A_49 = vector.broadcast %sqrt3A : vector<1x128xf32> to vector<10000x128xf32>
    %div3A_50 = arith.divf %mul3A_45, %div3A_49 : vector<10000x128xf32>
    %get3A_51 = arith.constant 0 : index
    %get3A_52 = arith.constant 0 : index
    %get3A_53 = vector.load %arg6[%get3A_51, %get3A_52] : memref<1x128xf32, #tpu.memory_space<vmem>>, vector<1x128xf32>
    %add3A_54 = vector.broadcast %get3A_53 : vector<1x128xf32> to vector<10000x128xf32>
    %add3A_55 = arith.addf %div3A_50, %add3A_54 : vector<10000x128xf32>
    %get3A_56 = arith.constant 0 : index
    %get3A_57 = arith.constant 0 : index
    %get3A_58 = vector.load %arg7[%get3A_56, %get3A_57] : memref<128x128xf32, #tpu.memory_space<vmem>>, vector<128x128xf32>
    %dot_general3A_59 = arith.constant dense<0.000000e+00> : vector<10000x128xf32>
    %dot_general3A_60 = tpu.matmul %add3A_55, %get3A_58, %dot_general3A_59 {dimension_numbers = #tpu.dot_dimension_numbers<[1], [0], [0], [1], [0, 0, 1, 1], [], []>, transpose_lhs_hint = false} : vector<10000x128xf32>, vector<128x128xf32>, vector<10000x128xf32> -> vector<10000x128xf32>
    %get3A_61 = arith.constant 0 : index
    %get3A_62 = arith.constant 0 : index
    %get3A_63 = vector.load %arg8[%get3A_61, %get3A_62] : memref<1x128xf32, #tpu.memory_space<vmem>>, vector<1x128xf32>
    %add3A_64 = vector.broadcast %get3A_63 : vector<1x128xf32> to vector<10000x128xf32>
    %add3A_65 = arith.addf %dot_general3A_60, %add3A_64 : vector<10000x128xf32>
    %ge3A_66 = arith.constant 0.000000e+00 : f32
    %ge3A_67 = vector.broadcast %ge3A_66 : f32 to vector<10000x128xf32>
    %ge3A_68 = arith.cmpf oge, %add3A_65, %ge3A_67 : vector<10000x128xf32>
    %get3A_69 = arith.constant 0 : index
    %get3A_70 = arith.constant 0 : index
    %get3A_71 = vector.load %arg9[%get3A_69, %get3A_70] : memref<1x1xf32, #tpu.memory_space<vmem>>, vector<1x1xf32>
    %get3A_72 = vector.extract %get3A_71[0, 0] : f32 from vector<1x1xf32>
    %mul3A_73 = vector.broadcast %get3A_72 : f32 to vector<10000x128xf32>
    %mul3A_74 = arith.mulf %mul3A_73, %add3A_65 : vector<10000x128xf32>
    %select_n3A_75 = arith.select %ge3A_68, %add3A_65, %mul3A_74 : vector<10000x128xi1>, vector<10000x128xf32>
    %reduce_sum3A_76 = arith.constant dense<0.000000e+00> : vector<128xf32>
    %reduce_sum3A_77 = vector.multi_reduction <add>, %select_n3A_75, %reduce_sum3A_76 [0] : vector<10000x128xf32> to vector<128xf32>
    %broadcast_in_dim3A_78 = vector.shape_cast %reduce_sum3A_77 : vector<128xf32> to vector<1x128xf32>
    %div3A_79 = arith.constant 1.000000e+04 : f32
    %div3A_80 = vector.broadcast %div3A_79 : f32 to vector<1x128xf32>
    %div3A_81 = arith.divf %broadcast_in_dim3A_78, %div3A_80 : vector<1x128xf32>
    %sub3A_82 = vector.broadcast %div3A_81 : vector<1x128xf32> to vector<10000x128xf32>
    %sub3A_83 = arith.subf %select_n3A_75, %sub3A_82 : vector<10000x128xf32>
    %integer_pow3A_84 = arith.mulf %sub3A_83, %sub3A_83 : vector<10000x128xf32>
    %reduce_sum3A_85 = arith.constant dense<0.000000e+00> : vector<128xf32>
    %reduce_sum3A_86 = vector.multi_reduction <add>, %integer_pow3A_84, %reduce_sum3A_85 [0] : vector<10000x128xf32> to vector<128xf32>
    %broadcast_in_dim3A_87 = vector.shape_cast %reduce_sum3A_86 : vector<128xf32> to vector<1x128xf32>
    %div3A_88 = arith.constant 1.000000e+04 : f32
    %div3A_89 = vector.broadcast %div3A_88 : f32 to vector<1x128xf32>
    %div3A_90 = arith.divf %broadcast_in_dim3A_87, %div3A_89 : vector<1x128xf32>
    %get3A_91 = arith.constant 0 : index
    %get3A_92 = arith.constant 0 : index
    %get3A_93 = vector.load %arg10[%get3A_91, %get3A_92] : memref<1x128xf32, #tpu.memory_space<vmem>>, vector<1x128xf32>
    %sub3A_94 = vector.broadcast %div3A_81 : vector<1x128xf32> to vector<10000x128xf32>
    %sub3A_95 = arith.subf %select_n3A_75, %sub3A_94 : vector<10000x128xf32>
    %mul3A_96 = vector.broadcast %get3A_93 : vector<1x128xf32> to vector<10000x128xf32>
    %mul3A_97 = arith.mulf %mul3A_96, %sub3A_95 : vector<10000x128xf32>
    %add3A_98 = arith.constant 9.99999974E-6 : f32
    %add3A_99 = vector.broadcast %add3A_98 : f32 to vector<1x128xf32>
    %add3A_100 = arith.addf %div3A_90, %add3A_99 : vector<1x128xf32>
    %sqrt3A_101 = math.sqrt %add3A_100 : vector<1x128xf32>
    %div3A_102 = vector.broadcast %sqrt3A_101 : vector<1x128xf32> to vector<10000x128xf32>
    %div3A_103 = arith.divf %mul3A_97, %div3A_102 : vector<10000x128xf32>
    %get3A_104 = arith.constant 0 : index
    %get3A_105 = arith.constant 0 : index
    %get3A_106 = vector.load %arg11[%get3A_104, %get3A_105] : memref<1x128xf32, #tpu.memory_space<vmem>>, vector<1x128xf32>
    %add3A_107 = vector.broadcast %get3A_106 : vector<1x128xf32> to vector<10000x128xf32>
    %add3A_108 = arith.addf %div3A_103, %add3A_107 : vector<10000x128xf32>
    %iota3A = tpu.iota {dimensions = array<i32: 0>} : vector<64x10000xi32>
    %get3A_109 = arith.constant 0 : index
    %get3A_110 = arith.constant 0 : index
    %get3A_111 = vector.load %arg12[%get3A_109, %get3A_110] : memref<1x10000xi32, #tpu.memory_space<vmem>>, vector<1x10000xi32>
    %eq3A = vector.broadcast %get3A_111 : vector<1x10000xi32> to vector<64x10000xi32>
    %eq3A_112 = arith.cmpi eq, %eq3A, %iota3A : vector<64x10000xi32>
    %convert_element_type3A = arith.extui %eq3A_112 : vector<64x10000xi1> to vector<64x10000xi32>
    %convert_element_type3A_113 = arith.sitofp %convert_element_type3A : vector<64x10000xi32> to vector<64x10000xf32>
    %dot_general3A_114 = arith.constant dense<0.000000e+00> : vector<64x128xf32>
    %dot_general3A_115 = tpu.matmul %convert_element_type3A_113, %add3A_108, %dot_general3A_114 {dimension_numbers = #tpu.dot_dimension_numbers<[1], [0], [0], [1], [0, 0, 1, 1], [], []>, transpose_lhs_hint = false} : vector<64x10000xf32>, vector<10000x128xf32>, vector<64x128xf32> -> vector<64x128xf32>
    %reduce_sum3A_116 = arith.constant dense<0.000000e+00> : vector<128xf32>
    %reduce_sum3A_117 = vector.multi_reduction <add>, %dot_general3A_115, %reduce_sum3A_116 [0] : vector<64x128xf32> to vector<128xf32>
    %broadcast_in_dim3A_118 = vector.shape_cast %reduce_sum3A_117 : vector<128xf32> to vector<1x128xf32>
    %div3A_119 = arith.constant 6.400000e+01 : f32
    %div3A_120 = vector.broadcast %div3A_119 : f32 to vector<1x128xf32>
    %div3A_121 = arith.divf %broadcast_in_dim3A_118, %div3A_120 : vector<1x128xf32>
    %sub3A_122 = vector.broadcast %div3A_121 : vector<1x128xf32> to vector<64x128xf32>
    %sub3A_123 = arith.subf %dot_general3A_115, %sub3A_122 : vector<64x128xf32>
    %integer_pow3A_124 = arith.mulf %sub3A_123, %sub3A_123 : vector<64x128xf32>
    %reduce_sum3A_125 = arith.constant dense<0.000000e+00> : vector<128xf32>
    %reduce_sum3A_126 = vector.multi_reduction <add>, %integer_pow3A_124, %reduce_sum3A_125 [0] : vector<64x128xf32> to vector<128xf32>
    %broadcast_in_dim3A_127 = vector.shape_cast %reduce_sum3A_126 : vector<128xf32> to vector<1x128xf32>
    %div3A_128 = arith.constant 6.400000e+01 : f32
    %div3A_129 = vector.broadcast %div3A_128 : f32 to vector<1x128xf32>
    %div3A_130 = arith.divf %broadcast_in_dim3A_127, %div3A_129 : vector<1x128xf32>
    %get3A_131 = arith.constant 0 : index
    %get3A_132 = arith.constant 0 : index
    %get3A_133 = vector.load %arg13[%get3A_131, %get3A_132] : memref<1x128xf32, #tpu.memory_space<vmem>>, vector<1x128xf32>
    %sub3A_134 = vector.broadcast %div3A_121 : vector<1x128xf32> to vector<64x128xf32>
    %sub3A_135 = arith.subf %dot_general3A_115, %sub3A_134 : vector<64x128xf32>
    %mul3A_136 = vector.broadcast %get3A_133 : vector<1x128xf32> to vector<64x128xf32>
    %mul3A_137 = arith.mulf %mul3A_136, %sub3A_135 : vector<64x128xf32>
    %add3A_138 = arith.constant 9.99999974E-6 : f32
    %add3A_139 = vector.broadcast %add3A_138 : f32 to vector<1x128xf32>
    %add3A_140 = arith.addf %div3A_130, %add3A_139 : vector<1x128xf32>
    %sqrt3A_141 = math.sqrt %add3A_140 : vector<1x128xf32>
    %div3A_142 = vector.broadcast %sqrt3A_141 : vector<1x128xf32> to vector<64x128xf32>
    %div3A_143 = arith.divf %mul3A_137, %div3A_142 : vector<64x128xf32>
    %get3A_144 = arith.constant 0 : index
    %get3A_145 = arith.constant 0 : index
    %get3A_146 = vector.load %arg14[%get3A_144, %get3A_145] : memref<1x128xf32, #tpu.memory_space<vmem>>, vector<1x128xf32>
    %add3A_147 = vector.broadcast %get3A_146 : vector<1x128xf32> to vector<64x128xf32>
    %add3A_148 = arith.addf %div3A_143, %add3A_147 : vector<64x128xf32>
    %get3A_149 = arith.constant 0 : index
    %get3A_150 = arith.constant 0 : index
    %get3A_151 = vector.load %arg15[%get3A_149, %get3A_150] : memref<128x128xf32, #tpu.memory_space<vmem>>, vector<128x128xf32>
    %dot_general3A_152 = arith.constant dense<0.000000e+00> : vector<64x128xf32>
    %dot_general3A_153 = tpu.matmul %add3A_148, %get3A_151, %dot_general3A_152 {dimension_numbers = #tpu.dot_dimension_numbers<[1], [0], [0], [1], [0, 0, 1, 1], [], []>, transpose_lhs_hint = false} : vector<64x128xf32>, vector<128x128xf32>, vector<64x128xf32> -> vector<64x128xf32>
    %get3A_154 = arith.constant 0 : index
    %get3A_155 = arith.constant 0 : index
    %get3A_156 = vector.load %arg16[%get3A_154, %get3A_155] : memref<1x128xf32, #tpu.memory_space<vmem>>, vector<1x128xf32>
    %add3A_157 = vector.broadcast %get3A_156 : vector<1x128xf32> to vector<64x128xf32>
    %add3A_158 = arith.addf %dot_general3A_153, %add3A_157 : vector<64x128xf32>
    %swap3A = arith.constant 0 : index
    %swap3A_159 = arith.constant 0 : index
    %swap3A_160 = vector.load %arg17[%swap3A, %swap3A_159] : memref<64x128xf32, #tpu.memory_space<vmem>>, vector<64x128xf32>
    tpu.vector_store %arg17[%swap3A, %swap3A_159], %add3A_158 {strides = array<i32>} : memref<64x128xf32, #tpu.memory_space<vmem>>, vector<64x128xf32>,
    return
  }
}

</mosaic_0001>

<sc_bundles>
// kernel: kernel.12.cloned.1.call-start
scs
__scs_entry_jumppad:
0x0: {  	(pc) =	sbr.rel $0x88, $3  }
0x1: {  	(tag) =	ssettag $0x0;
	lr =	simm.s32 $0x1  }
0x2: {  	[smem:$0x3F8E] =	sst lr;
	_ =	strace $0xD0000000  }
0x3: {  	_ = 	snop  }
0x4: {  	_ = 	snop  }
0x5: {  	_ = 	snop  }
0x6: {  	_ = 	snop  }
0x7: {  	_ = 	snop  }
__scs_overlays_trampoline_lowered:
0x8: {  	[smem:$0x3F9D] =	sst s0  }
0x9: {  	[smem:$0x3F9E] =	sst s1  }
0xa: {  	[smem:$0x3F9F] =	sst s2  }
0xb: {  	[smem:$0x3FA0] =	sst s3  }
0xc: {  	[smem:$0x3FA1] =	sst s4  }
0xd: {  	[smem:$0x3FA2] =	sst s5  }
0xe: {  	[smem:$0x3FA3] =	sst s6  }
0xf: {  	[smem:$0x3FA4] =	sst s7  }
0x10: {  	[smem:$0x3FA5] =	sst s8  }
0x11: {  	[smem:$0x3FA6] =	sst s9;
	s0 =	simm.s32 @!p0 $0x0  }
0x12: {  	s1 =	sld [smem:$0x3F8C];
	s0 =	simm.s32 @p0 $0x1  }
0x13: {  	[smem:$0x3FA7] =	sst s0;
	s0 =	simm.s32 @!p1 $0x0  }
0x14: {  	s2 =	sld [smem:$0x3F8B];
	s0 =	simm.s32 @p1 $0x1  }
0x15: {  	[smem:$0x3FA8] =	sst s0;
	s0 =	simm.s32 @!p2 $0x0  }
0x16: {  	s3 =	sld [smem:$0x3FDB];
	s0 =	simm.s32 @p2 $0x1  }
0x17: {  	s4 =	simm.s32 $0x1BF5;
	[smem:$0x3FAA] =	sst s0  }
0x18: {  	s0 =	sld [smem:$0x3F8D];
	_ =	swait.ge [sflag:s4], $0x0  }
0x19: {  	s7 =	sld [smem:$0x3F8E]  }
0x1a: {  	s8 =	sadd.s32 $0xFFFFE003, lr  }
0x1b: {  	s9 =	sadd.s32 $0xFFFFFEF7, lr;
	s5 =	simm.s32 $0xFFFFFFFF;
	p2 =	slt.u32 s8, $0xFFFFF086  }
0x1c: {  	p1 =	slt.u32 s9, $0xF7A;
	s5 =	simm.s32 @!p2 $0x0  }
0x1d: {  	s5 =	simm.s32 @p1 $0x1;
	p0 =	seq.s32 s7, s2  }
0x1e: {  	s7 =	smul.u32 @!p0 $0xF7A, s2;
	p2 =	seq.s32 @!p0 s5, $0x0  }
0x1f: {  	s9 =	smul.u32 $0xF7A, s1;
	s8 =	simm.s32 @!p0 $0x1BF5;
	p2 =	por !p2, p0  }
0x20: {  	[sflag:s8] =	ssyncset.s32 @!p0 $0xFFFFF086;
	s6 =	sadd.s32 @!p0 s3, s7;
	s7 =	simm.s32 @!p0 $0x108  }
0x21: {  	s3 =	sadd.s32 s3, s9;
	s6 =	sadd.s32 @!p0 $0x88, s6;
	s7 =	simm.s32 @p2 $0x1082  }
0x22: {  	[simem:s7], [sflag:s8] =	dma.local @!p0 [hbm:s6], $0xF7A  }
0x23: {  	s9 =	sor.u32 $0xD0000000, s2;
	s6 =	simm.s32 $0x108;
	_ =	swait.ge @!p0 [sflag:s8], $0x0  }
0x24: {  	s3 =	sadd.s32 $0x88, s3;
	s6 =	simm.s32 @!p1 $0x1082;
	[sflag:s4] =	ssyncset.s32 $0xFFFFF086  }
0x25: {  	[simem:s6], [sflag:s4] =	dma.local [hbm:s3], $0xF7A  }
0x26: {  	[smem:$0x3F8E] =	sst s1;
	(tag) =	ssettag s2;
	_ =	strace s9  }
0x27: {  	s1 =	sld [smem:$0x3F9E]  }
0x28: {  	s2 =	sld [smem:$0x3F9F]  }
0x29: {  	s4 =	sld [smem:$0x3FA1]  }
0x2a: {  	p0 =	seq.s32 s5, $0x0;
	s5 =	sld [smem:$0x3FA2]  }
0x2b: {  	s6 =	sld [smem:$0x3FA3]  }
0x2c: {  	s7 =	sld [smem:$0x3FA4]  }
0x2d: {  	s3 =	simm.s32 $0x108;
	s8 =	sld [smem:$0x3FA5]  }
0x2e: {  	s3 =	simm.s32 @!p0 $0x1082;
	s9 =	sld [smem:$0x3FA6]  }
0x2f: {  	lr =	sadd.s32 s0, s3;
	s0 =	sld [smem:$0x3F9D]  }
0x30: {  	s3 =	sld [smem:$0x3FA0]  }
0x31: {  	[smem:$0x3FA9] =	sst s10  }
0x32: {  	s10 =	sld [smem:$0x3FA7];
	_ =	sdelay $0x3  }
0x33: {  	p0 =	seq.s32 s10, $0x1;
	s10 =	sld [smem:$0x3FA9];
	_ =	sdelay $0x3  }
0x34: {  	[smem:$0x3FA9] =	sst s10  }
0x35: {  	s10 =	sld [smem:$0x3FA8];
	_ =	sdelay $0x3  }
0x36: {  	p1 =	seq.s32 s10, $0x1;
	s10 =	sld [smem:$0x3FA9];
	_ =	sdelay $0x3  }
0x37: {  	[smem:$0x3FA9] =	sst s10  }
0x38: {  	s10 =	sld [smem:$0x3FAA]  }
0x39: {  	_ = 	snop;
	(pc) =	sbr.ind lr, $3  }
0x3a: {  	_ = 	snop  }
0x3b: {  	_ = 	snop  }
0x3c: {  	p2 =	seq.s32 s10, $0x1;
	s10 =	sld [smem:$0x3FA9]  }
0x3d: {  	_ =	shalt  }
0x3e: {  	_ =	shalt  }
0x3f: {  	_ =	shalt  }
0x40: {  	_ =	shalt  }
0x41: {  	_ =	shalt  }
0x42: {  	_ =	shalt  }
0x43: {  	_ =	shalt  }
0x44: {  	_ =	shalt  }
0x45: {  	_ =	shalt  }
0x46: {  	_ =	shalt  }
0x47: {  	_ =	shalt  }
0x48: {  	_ =	shalt  }
0x49: {  	_ =	shalt  }
0x4a: {  	_ =	shalt  }
0x4b: {  	_ =	shalt  }
0x4c: {  	_ =	shalt  }
0x4d: {  	_ =	shalt  }
0x4e: {  	_ =	shalt  }
0x4f: {  	_ =	shalt  }
0x50: {  	_ =	shalt  }
0x51: {  	_ =	shalt  }
0x52: {  	_ =	shalt  }
0x53: {  	_ =	shalt  }
0x54: {  	_ =	shalt  }
0x55: {  	_ =	shalt  }
0x56: {  	_ =	shalt  }
0x57: {  	_ =	shalt  }
0x58: {  	_ =	shalt  }
0x59: {  	_ =	shalt  }
0x5a: {  	_ =	shalt  }
0x5b: {  	_ =	shalt  }
0x5c: {  	_ =	shalt  }
0x5d: {  	_ =	shalt  }
0x5e: {  	_ =	shalt  }
0x5f: {  	_ =	shalt  }
0x60: {  	_ =	shalt  }
0x61: {  	_ =	shalt  }
0x62: {  	_ =	shalt  }
0x63: {  	_ =	shalt  }
0x64: {  	_ =	shalt  }
0x65: {  	_ =	shalt  }
0x66: {  	_ =	shalt  }
0x67: {  	_ =	shalt  }
0x68: {  	_ =	shalt  }
0x69: {  	_ =	shalt  }
0x6a: {  	_ =	shalt  }
0x6b: {  	_ =	shalt  }
0x6c: {  	_ =	shalt  }
0x6d: {  	_ =	shalt  }
0x6e: {  	_ =	shalt  }
0x6f: {  	_ =	shalt  }
0x70: {  	_ =	shalt  }
0x71: {  	_ =	shalt  }
0x72: {  	_ =	shalt  }
0x73: {  	_ =	shalt  }
0x74: {  	_ =	shalt  }
0x75: {  	_ =	shalt  }
0x76: {  	_ =	shalt  }
0x77: {  	_ =	shalt  }
0x78: {  	_ =	shalt  }
0x79: {  	_ =	shalt  }
0x7a: {  	_ =	shalt  }
0x7b: {  	_ =	shalt  }
0x7c: {  	_ =	shalt  }
0x7d: {  	_ =	shalt  }
0x7e: {  	_ =	shalt  }
0x7f: {  	_ =	shalt  }
0x80: {  	_ =	shalt  }
0x81: {  	_ =	shalt  }
0x82: {  	_ =	shalt  }
0x83: {  	_ =	shalt  }
0x84: {  	_ =	shalt  }
0x85: {  	_ =	shalt  }
0x86: {  	_ =	shalt  }
0x87: {  	_ =	shalt  }
.Lfunc_end0:
.L_simem_size_0:
called_computation.1_lowered:
.L_overlay_start_0:
0x88: {  	s2 =	sld [smem:$0x3FD9]  }
0x89: {  	s3 =	sld [smem:$0x3FFE];
	_ =	sdelay $0x1  }
0x8a: {  	s1 =	srdreg.scid  }
0x8b: {  	s0 =	sand.u32 $0x1, s1  }
0x8c: {  	s16 =	sshll.u32 s0, $0xA;
	s2 =	sadd.s32 s3, s2  }
0x8d: {  	s2 =	sadd.s32 s2, s16  }
0x8e: {  	[smem:$0x3FB5] =	sst s2  }
0x8f: {  	_ = 	snop  }
0x90: {  	(tm) =	ssettm $0x1  }
0x91: {  	s17 =	sld [smem:$0x3FFB];
	_ =	sdelay $0x3  }
0x92: {  	_ =	strace s17  }
0x93: {  	s2 =	sld [smem:$0x3FFC];
	_ =	sdelay $0x3  }
0x94: {  	_ =	strace s2  }
0x95: {  	s2 =	sld [smem:$0x3FFD];
	_ =	sdelay $0x3  }
0x96: {  	_ =	strace s2  }
0x97: {  	_ =	strace $0x8FFFFFFF  }
0x98: {  	s18 =	sld [smem:$0x3FDB];
	_ =	sdelay $0x1  }
0x99: {  	s19 =	simm.s32 $_scs_section_size  }
0x9a: {  	s4 =	simm.s32 $_size__tile_overlayer_lowered;
	s5 =	simm.s32 $_tile_overlayer_lowered  }
0x9b: {  	s22 =	simm.s32 $0x1BFF;
	s21 =	sshll.u32 s5, $0x1;
	s2 =	sadd.s32 s19, s18  }
0x9c: {  	s6 =	simm.s32 $0x0;
	s20 =	sshll.u32 s4, $0x1;
	s4 =	sadd.s32 s21, s2  }
0x9d: {  	[timem:s6], [sflag:s22] =	dma.local [hbm:s4], s20  }
0x9e: {  	_ =	swait.ge [sflag:s22], s20  }
0x9f: {  	s3 =	ssub.s32 $0x0, s20;
	[sflag:s22] =	ssyncset.done $0x0  }
0xa0: {  	[sflag:s22] =	ssyncadd.s32 s3;
	_ =	sdelay $0x1  }
0xa1: {  	s23 =	simm.s32 $0x1B8B  }
0xa2: {  	_ =	swait.ge [sflag:s23], $0x1  }
0xa3: {  	[sflag:s23] =	ssyncset.done $0x0  }
0xa4: {  	s25 =	simm.s32 $0x1B8E;
	s24 =	sld [smem:$0x3FFE];
	[sflag:s23] =	ssyncadd.s32 $0xFFFFFFFF  }
0xa5: {  	s26 =	simm.s32 $execute0_lowered;
	[smem:$0x3FD2] =	sst s25  }
0xa6: {  	s4 =	sshll.u32 s26, $0x1;
	_ =	strace $0x80000049;
	[dreg:$0x1] =	wrdreg $0xFFFFFFFF  }
0xa7: {  	s28 =	simm.s32 $_size_execute0_lowered;
	s2 =	sadd.s32 s2, s4;
	[dreg:$0x0] =	wrdreg $0x0  }
0xa8: {  	s4 =	sshll.u32 s28, $0x1;
	[dreg:$0x2] =	wrdreg s2  }
0xa9: {  	[dreg:$0x3] =	wrdreg s4  }
0xaa: {  	[dreg:$0x4] =	wrdreg $0xC0  }
0xab: {  	_ =	task [dreg:s6], $0x5FFFF  }
0xac: {  	[dreg:$0x1] =	wrdreg $0xFFFFFFFF  }
0xad: {  	[dreg:$0x0] =	wrdreg $0x60  }
0xae: {  	[dreg:$0x2] =	wrdreg s24  }
0xaf: {  	[dreg:$0x3] =	wrdreg $0xA8000  }
0xb0: {  	[dreg:$0x4] =	wrdreg $0x9  }
0xb1: {  	_ =	task.clear_ibuf [dreg:s6], $0x5FFFF;
	_ =	strace $0x90000049  }
0xb2: {  	s29 =	simm.s32 $0x9;
	_ =	strace $0x8000004B  }
0xb3: {  	_ =	swait.ge [sflag:s29], $0x1  }
0xb4: {  	[sflag:s29] =	ssyncadd.s32 $0xFFFFFFFF  }
0xb5: {  	_ =	strace $0x9000004B  }
0xb6: {  	_ =	sfence  }
0xb7: {  	s30 =	sld [smem:$0x0];
	_ =	sdelay $0x2  }
0xb8: {  	s31 =	sshll.u32 s1, $0xD;
	s1 =	sshrl.u32 s1, $0x2  }
0xb9: {  	s3 =	sand.u32 $0x4000, s31;
	s1 =	sadd.s32 s1, s30  }
0xba: {  	s0 =	sor.u32 s3, s0;
	s1 =	sshll.u32 s1, $0x11  }
0xbb: {  	s0 =	sor.u32 s1, s0  }
0xbc: {  	s0 =	sadd.s32 $0x8F2B, s0  }
0xbd: {  	[sflag:s0] =	ssyncadd.remote.s32 $0x1  }
0xbe: {  	_ =	sfence.sel $0xFFFF  }
0xbf: {  	[dreg:$0x0] =	wrdreg $0xFFFFFFFF;
	(pc) =	sbr.abs _section_cstart, $3  }
0xc0: {  	[dreg:$0x1] =	wrdreg $0xFFFFFFFF  }
0xc1: {  	_ =	task.clear_ibuf [dreg:s6], $0x2FFFF;
	_ =	strace $0x9FFFFFFF  }
0xc2: {  	(tm) =	ssettm $0x7FFFFFFF  }
0xc3: {  	_ =	shalt  }
tec
execute0_lowered:
.L_overlay_start_1:
0x0: {  	(tag) =	ssettag $0x1  }
0x1: {  	s6 =	rddreg [dreg:$0x0]  }
0x2: {  	s1 =	rddreg [dreg:$0x1];
	s2 =	srdreg.scid  }
0x3: {  	s0 =	rddreg [dreg:$0x2];
	s3 =	simm.s32 $0x0;
	s15 =	simm.s32 $0x1400  }
0x4: {  	s16 =	simm.s32 $0x80;
	s17 =	simm.s32 $0x2800;
	s18 =	simm.s32 $0x1  }
0x5: {  	s19 =	simm.s32 $0x6800;
	s20 =	simm.s32 $0x1380;
	s21 =	simm.s32 $0x2700  }
0x6: {  	s22 =	simm.s32 $0x2780;
	s23 =	simm.s32 $0x0;
	s7 =	sand.u32 $0x1, s2  }
0x7: {  	s2 =	stileid.u32;
	[smem:$0x7FF] =	sst s3;
	s4 =	sadd.s32 $0x17A00, s6  }
0x8: {  	s9 =	sadd.s32 $0x3A00, s6;
	s10 =	sadd.s32 $0xDA00, s6;
	s5 =	smul.u32 $0x13C000, s7  }
0x9: {  	s8 =	smul.u32 $0x13C00, s2;
	_ =	strace $0x8000004A;
	s11 =	sshll.u32 s2, $0x1  }
0xa: {  	s12 =	ssub.s32 $0x2, s7;
	s26 =	smul.u32 $0x4F000, s2;
	s30 =	sshll.u32 s2, $0x6  }
0xb: {  	s7 =	sor.u32 s7, s11;
	s28 =	sshrl.u32 s12, $0x1;
	s8 =	sadd.s32 s8, s5  }
0xc: {  	s5 =	sadd.s32 $0x3EC00, s6;
	s7 =	smul.u32 $0x2800, s7;
	s29 =	sshrl.u32 s26, $0x2  }
0xd: {  	s12 =	ssub.s32 s12, s28;
	s8 =	sshrl.u32 s8, $0x3;
	s14 =	sadd.s32 s29, s1  }
0xe: {  	s12 =	smax.u32 s12, $0x1;
	s13 =	sadd.s32 s8, s6;
	s31 =	sshrl.u32 s7, $0x3  }
0xf: {  	s6 =	sor.u32 $0x1C02, s30;
	s7 =	sadd.s32 s9, s31;
	s11 =	sadd.s32 $0x280, s31  }
0x10: {  	s8 =	sadd.s32 s10, s31;
	s9 =	sadd.s32 s9, s11;
	s10 =	sadd.s32 s10, s11  }
0x11: {  	s11 =	sadd.s32 $0x41400, s13;
	s13 =	sshrl.u32 s14, $0x3;
	s14 =	simm.s32 $0x2  }
.LBB2_1:
0x12: {  	[spmem:s13], [sflag:s6] =	dma.local [hbm:s5], $0x2780  }
0x13: {  	_ =	swait.ge [sflag:s14], $0x2780  }
0x14: {  	[sflag:s14] =	ssyncset.done $0x0  }
0x15: {  	[sflag:s14] =	ssyncadd.s32 $0xFFFFD880  }
0x16: {  	[bflag:$0x0] =	sbarrier.arrive $0xFFFF  }
0x17: {  	[tilespmem:s3], [sflag:$0x2] =	stream.linear.gather [hbm4b:s7+s3], $0x1400, $0x38;
	[tilespmem:$0x1E400] =	vst v63  }
0x18: {  	_ =	swait.ge [sflag:s14], $0x1400  }
0x19: {  	[sflag:s14] =	ssyncset.done $0x0  }
0x1a: {  	[sflag:s14] =	ssyncadd.s32 $0xFFFFEC00  }
0x1b: {  	[tilespmem:s15], [sflag:$0x2] =	stream.linear.gather [hbm4b:s8+s3], $0x1400, $0x38;
	[tilespmem:$0x1E400] =	vst v63  }
0x1c: {  	_ =	swait.ge [sflag:s14], $0x1400  }
0x1d: {  	[sflag:s14] =	ssyncset.done $0x0  }
0x1e: {  	[sflag:s14] =	ssyncadd.s32 $0xFFFFEC00  }
0x1f: {  	[tilespmem:s17], [sflag:$0x1] =	stream.indirect.gather [hbm4b:s4+s16], $0x80, s3, s16, $0xb8;
	[tilespmem:$0x1E400] =	vst v63  }
0x20: {  	_ =	swait.ge [sflag:s18], $0x4000  }
0x21: {  	[sflag:s18] =	ssyncset.done $0x0  }
0x22: {  	s24 =	simm.s32 $0x80;
	[sflag:s18] =	ssyncadd.s32 $0xFFFFC000  }
0x23: {  	[tilespmem:s19], [sflag:$0x1] =	stream.indirect.gather [hbm4b:s4+s16], $0x80, s24, s16, $0xb8;
	[tilespmem:$0x1E400] =	vst v63  }
0x24: {  	s29 =	simm.s32 $0x1400  }
0x25: {  	[spmem:s1] =	stream.indirect.scatter.add.f32 [tilespmem:s17], [sflag:$0x2], $0x80, s29, s16, $0xb8;
	[tilespmem:$0x1E400] =	vst v63  }
0x26: {  	_ =	swait.ge [sflag:s14], $0x4000  }
0x27: {  	[sflag:s14] =	ssyncset.done $0x0  }
0x28: {  	[sflag:s14] =	ssyncadd.s32 $0xFFFFC000  }
0x29: {  	_ =	swait.ge [sflag:s18], $0x4000  }
0x2a: {  	[sflag:s18] =	ssyncset.done $0x0  }
0x2b: {  	s30 =	simm.s32 $0x100;
	[sflag:s18] =	ssyncadd.s32 $0xFFFFC000  }
0x2c: {  	[tilespmem:s17], [sflag:$0x1] =	stream.indirect.gather [hbm4b:s4+s16], $0x80, s30, s16, $0xb8;
	[tilespmem:$0x1E400] =	vst v63  }
0x2d: {  	s31 =	simm.s32 $0x1480  }
0x2e: {  	[spmem:s1] =	stream.indirect.scatter.add.f32 [tilespmem:s19], [sflag:$0x2], $0x80, s31, s16, $0xb8;
	[tilespmem:$0x1E400] =	vst v63  }
0x2f: {  	_ =	swait.ge [sflag:s14], $0x4000  }
0x30: {  	[sflag:s14] =	ssyncset.done $0x0  }
0x31: {  	[sflag:s14] =	ssyncadd.s32 $0xFFFFC000  }
0x32: {  	_ =	swait.ge [sflag:s18], $0x4000  }
0x33: {  	s25 =	simm.s32 $0x800;
	s24 =	simm.s32 $0x100;
	[sflag:s18] =	ssyncset.done $0x0  }
.LBB2_2:
0x34: {  	s26 =	sadd.s32 $0x80, s24  }
0x35: {  	[sflag:s18] =	ssyncadd.s32 $0xFFFFC000;
	s28 =	smov.u32 s25;
	s29 =	sadd.s32 $0x400, s25  }
0x36: {  	[tilespmem:s19], [sflag:$0x1] =	stream.indirect.gather [hbm4b:s4+s16], $0x80, s26, s16, $0xb8;
	[tilespmem:$0x1E400] =	vst v63  }
0x37: {  	p0 =	sne.s32 s25, $0x4800;
	s25 =	sadd.s32 $0x1400, s24  }
0x38: {  	[spmem:s1] =	stream.indirect.scatter.add.f32 [tilespmem:s17], [sflag:$0x2], $0x80, s25, s16, $0xb8;
	[tilespmem:$0x1E400] =	vst v63  }
0x39: {  	_ =	swait.ge [sflag:s14], $0x4000  }
0x3a: {  	[sflag:s14] =	ssyncset.done $0x0  }
0x3b: {  	[sflag:s14] =	ssyncadd.s32 $0xFFFFC000  }
0x3c: {  	_ =	swait.ge [sflag:s18], $0x4000  }
0x3d: {  	[sflag:s18] =	ssyncset.done $0x0  }
0x3e: {  	s25 =	sadd.s32 $0x100, s24;
	[sflag:s18] =	ssyncadd.s32 $0xFFFFC000  }
0x3f: {  	[tilespmem:s17], [sflag:$0x1] =	stream.indirect.gather [hbm4b:s4+s16], $0x80, s25, s16, $0xb8;
	[tilespmem:$0x1E400] =	vst v63  }
0x40: {  	s24 =	sadd.s32 $0x1480, s24  }
0x41: {  	[spmem:s1] =	stream.indirect.scatter.add.f32 [tilespmem:s19], [sflag:$0x2], $0x80, s24, s16, $0xb8;
	[tilespmem:$0x1E400] =	vst v63  }
.Ltmp0:
0x42: {  	_ =	swait.ge [sflag:s14], $0x4000;
	(pc) =	sbr.rel @p0 .LBB2_2-.Ltmp0, $4  }
0x43: {  	[sflag:s14] =	ssyncset.done $0x0  }
0x44: {  	[sflag:s14] =	ssyncadd.s32 $0xFFFFC000  }
0x45: {  	_ =	swait.ge [sflag:s18], $0x4000  }
0x46: {  	s25 =	smov.u32 s29;
	s24 =	sshra.s32 s28, $0x2;
	[sflag:s18] =	ssyncset.done $0x0  }
0x47: {  	s25 =	sadd.s32 $0x80, s24;
	[sflag:s18] =	ssyncadd.s32 $0xFFFFC000  }
0x48: {  	[tilespmem:s19], [sflag:$0x1] =	stream.indirect.gather [hbm4b:s4+s16], $0x80, s25, s16, $0xb8;
	[tilespmem:$0x1E400] =	vst v63  }
0x49: {  	s30 =	sadd.s32 $0x1400, s24  }
0x4a: {  	[spmem:s1] =	stream.indirect.scatter.add.f32 [tilespmem:s17], [sflag:$0x2], $0x80, s30, s16, $0xb8;
	[tilespmem:$0x1E400] =	vst v63  }
0x4b: {  	_ =	swait.ge [sflag:s14], $0x4000  }
0x4c: {  	[sflag:s14] =	ssyncset.done $0x0  }
0x4d: {  	[sflag:s14] =	ssyncadd.s32 $0xFFFFC000  }
0x4e: {  	_ =	swait.ge [sflag:s18], $0x4000  }
0x4f: {  	[sflag:s18] =	ssyncset.done $0x0  }
0x50: {  	s31 =	sadd.s32 $0x100, s24;
	[sflag:s18] =	ssyncadd.s32 $0xFFFFC000  }
0x51: {  	[tilespmem:s17], [sflag:$0x1] =	stream.indirect.gather [hbm4b:s4+s16], $0x80, s31, s16, $0xb8;
	[tilespmem:$0x1E400] =	vst v63  }
0x52: {  	s25 =	sadd.s32 $0x1480, s24  }
0x53: {  	[spmem:s1] =	stream.indirect.scatter.add.f32 [tilespmem:s19], [sflag:$0x2], $0x80, s25, s16, $0xb8;
	[tilespmem:$0x1E400] =	vst v63  }
0x54: {  	_ =	swait.ge [sflag:s14], $0x4000  }
0x55: {  	[sflag:s14] =	ssyncset.done $0x0  }
0x56: {  	[sflag:s14] =	ssyncadd.s32 $0xFFFFC000  }
0x57: {  	_ =	swait.ge [sflag:s18], $0x4000  }
0x58: {  	[sflag:s18] =	ssyncset.done $0x0  }
0x59: {  	[sflag:s18] =	ssyncadd.s32 $0xFFFFC000  }
0x5a: {  	[tilespmem:s19], [sflag:$0x1] =	stream.indirect.gather [hbm4b:s4+s16], $0x80, s20, s16, $0xb8;
	[tilespmem:$0x1E400] =	vst v63  }
0x5b: {  	_ = 	snop  }
0x5c: {  	[spmem:s1] =	stream.indirect.scatter.add.f32 [tilespmem:s17], [sflag:$0x2], $0x80, s21, s16, $0xb8;
	[tilespmem:$0x1E400] =	vst v63  }
0x5d: {  	_ =	swait.ge [sflag:s14], $0x4000  }
0x5e: {  	[sflag:s14] =	ssyncset.done $0x0  }
0x5f: {  	[sflag:s14] =	ssyncadd.s32 $0xFFFFC000  }
0x60: {  	_ =	swait.ge [sflag:s18], $0x4000  }
0x61: {  	[sflag:s18] =	ssyncset.done $0x0  }
0x62: {  	[sflag:s18] =	ssyncadd.s32 $0xFFFFC000  }
0x63: {  	[tilespmem:s17], [sflag:$0x1] =	stream.indirect.gather [hbm4b:s4+s16], $0x80, s20, s16, $0xb8;
	[tilespmem:$0x1E400] =	vst v63  }
0x64: {  	_ = 	snop  }
0x65: {  	[spmem:s1] =	stream.indirect.scatter.add.f32 [tilespmem:s19], [sflag:$0x2], $0x80, s22, s16, $0xb8;
	[tilespmem:$0x1E400] =	vst v63  }
0x66: {  	_ =	swait.ge [sflag:s14], $0x4000  }
0x67: {  	[sflag:s14] =	ssyncset.done $0x0  }
0x68: {  	[sflag:s14] =	ssyncadd.s32 $0xFFFFC000  }
0x69: {  	_ =	swait.ge [sflag:s18], $0x4000  }
0x6a: {  	[sflag:s18] =	ssyncset.done $0x0  }
0x6b: {  	s26 =	simm.s32 $0x0;
	[sflag:s18] =	ssyncadd.s32 $0xFFFFC000  }
0x6c: {  	[tilespmem:s26], [sflag:$0x2] =	stream.linear.gather [hbm4b:s9+s26], $0x1400, $0x38;
	[tilespmem:$0x1E400] =	vst v63  }
0x6d: {  	_ =	swait.ge [sflag:s14], $0x1400  }
0x6e: {  	[sflag:s14] =	ssyncset.done $0x0  }
0x6f: {  	[sflag:s14] =	ssyncadd.s32 $0xFFFFEC00  }
0x70: {  	[tilespmem:s15], [sflag:$0x2] =	stream.linear.gather [hbm4b:s10+s26], $0x1400, $0x38;
	[tilespmem:$0x1E400] =	vst v63  }
0x71: {  	_ =	swait.ge [sflag:s14], $0x1400  }
0x72: {  	[sflag:s14] =	ssyncset.done $0x0  }
0x73: {  	[sflag:s14] =	ssyncadd.s32 $0xFFFFEC00  }
0x74: {  	[tilespmem:s17], [sflag:$0x1] =	stream.indirect.gather [hbm4b:s4+s16], $0x80, s26, s16, $0xb8;
	[tilespmem:$0x1E400] =	vst v63  }
0x75: {  	_ =	swait.ge [sflag:s18], $0x4000  }
0x76: {  	[sflag:s18] =	ssyncset.done $0x0  }
0x77: {  	s28 =	simm.s32 $0x80;
	[sflag:s18] =	ssyncadd.s32 $0xFFFFC000  }
0x78: {  	[tilespmem:s19], [sflag:$0x1] =	stream.indirect.gather [hbm4b:s4+s16], $0x80, s28, s16, $0xb8;
	[tilespmem:$0x1E400] =	vst v63  }
0x79: {  	s29 =	simm.s32 $0x1400  }
0x7a: {  	[spmem:s1] =	stream.indirect.scatter.add.f32 [tilespmem:s17], [sflag:$0x2], $0x80, s29, s16, $0xb8;
	[tilespmem:$0x1E400] =	vst v63  }
0x7b: {  	_ =	swait.ge [sflag:s14], $0x4000  }
0x7c: {  	[sflag:s14] =	ssyncset.done $0x0  }
0x7d: {  	[sflag:s14] =	ssyncadd.s32 $0xFFFFC000  }
0x7e: {  	_ =	swait.ge [sflag:s18], $0x4000  }
0x7f: {  	[sflag:s18] =	ssyncset.done $0x0  }
0x80: {  	s30 =	simm.s32 $0x100;
	[sflag:s18] =	ssyncadd.s32 $0xFFFFC000  }
0x81: {  	[tilespmem:s17], [sflag:$0x1] =	stream.indirect.gather [hbm4b:s4+s16], $0x80, s30, s16, $0xb8;
	[tilespmem:$0x1E400] =	vst v63  }
0x82: {  	s31 =	simm.s32 $0x1480  }
0x83: {  	[spmem:s1] =	stream.indirect.scatter.add.f32 [tilespmem:s19], [sflag:$0x2], $0x80, s31, s16, $0xb8;
	[tilespmem:$0x1E400] =	vst v63  }
0x84: {  	_ =	swait.ge [sflag:s14], $0x4000  }
0x85: {  	[sflag:s14] =	ssyncset.done $0x0  }
0x86: {  	[sflag:s14] =	ssyncadd.s32 $0xFFFFC000  }
0x87: {  	_ =	swait.ge [sflag:s18], $0x4000  }
0x88: {  	s24 =	simm.s32 $0x100;
	s25 =	simm.s32 $0x800;
	[sflag:s18] =	ssyncset.done $0x0  }
.LBB2_4:
0x89: {  	s26 =	sadd.s32 $0x80, s24  }
0x8a: {  	[sflag:s18] =	ssyncadd.s32 $0xFFFFC000;
	s28 =	smov.u32 s25;
	s29 =	sadd.s32 $0x400, s25  }
0x8b: {  	[tilespmem:s19], [sflag:$0x1] =	stream.indirect.gather [hbm4b:s4+s16], $0x80, s26, s16, $0xb8;
	[tilespmem:$0x1E400] =	vst v63  }
0x8c: {  	p0 =	sne.s32 s25, $0x4800;
	s25 =	sadd.s32 $0x1400, s24  }
0x8d: {  	[spmem:s1] =	stream.indirect.scatter.add.f32 [tilespmem:s17], [sflag:$0x2], $0x80, s25, s16, $0xb8;
	[tilespmem:$0x1E400] =	vst v63  }
0x8e: {  	_ =	swait.ge [sflag:s14], $0x4000  }
0x8f: {  	[sflag:s14] =	ssyncset.done $0x0  }
0x90: {  	[sflag:s14] =	ssyncadd.s32 $0xFFFFC000  }
0x91: {  	_ =	swait.ge [sflag:s18], $0x4000  }
0x92: {  	[sflag:s18] =	ssyncset.done $0x0  }
0x93: {  	s25 =	sadd.s32 $0x100, s24;
	[sflag:s18] =	ssyncadd.s32 $0xFFFFC000  }
0x94: {  	[tilespmem:s17], [sflag:$0x1] =	stream.indirect.gather [hbm4b:s4+s16], $0x80, s25, s16, $0xb8;
	[tilespmem:$0x1E400] =	vst v63  }
0x95: {  	s24 =	sadd.s32 $0x1480, s24  }
0x96: {  	[spmem:s1] =	stream.indirect.scatter.add.f32 [tilespmem:s19], [sflag:$0x2], $0x80, s24, s16, $0xb8;
	[tilespmem:$0x1E400] =	vst v63  }
.Ltmp1:
0x97: {  	_ =	swait.ge [sflag:s14], $0x4000;
	(pc) =	sbr.rel @p0 .LBB2_4-.Ltmp1, $4  }
0x98: {  	[sflag:s14] =	ssyncset.done $0x0  }
0x99: {  	[sflag:s14] =	ssyncadd.s32 $0xFFFFC000  }
0x9a: {  	_ =	swait.ge [sflag:s18], $0x4000  }
0x9b: {  	s25 =	smov.u32 s29;
	s24 =	sshra.s32 s28, $0x2;
	[sflag:s18] =	ssyncset.done $0x0  }
0x9c: {  	s25 =	sadd.s32 $0x80, s24;
	[sflag:s18] =	ssyncadd.s32 $0xFFFFC000  }
0x9d: {  	[tilespmem:s19], [sflag:$0x1] =	stream.indirect.gather [hbm4b:s4+s16], $0x80, s25, s16, $0xb8;
	[tilespmem:$0x1E400] =	vst v63  }
0x9e: {  	s29 =	sadd.s32 $0x1400, s24  }
0x9f: {  	[spmem:s1] =	stream.indirect.scatter.add.f32 [tilespmem:s17], [sflag:$0x2], $0x80, s29, s16, $0xb8;
	[tilespmem:$0x1E400] =	vst v63  }
0xa0: {  	_ =	swait.ge [sflag:s14], $0x4000  }
0xa1: {  	[sflag:s14] =	ssyncset.done $0x0  }
0xa2: {  	[sflag:s14] =	ssyncadd.s32 $0xFFFFC000  }
0xa3: {  	_ =	swait.ge [sflag:s18], $0x4000  }
0xa4: {  	[sflag:s18] =	ssyncset.done $0x0  }
0xa5: {  	s30 =	sadd.s32 $0x100, s24;
	[sflag:s18] =	ssyncadd.s32 $0xFFFFC000  }
0xa6: {  	[tilespmem:s17], [sflag:$0x1] =	stream.indirect.gather [hbm4b:s4+s16], $0x80, s30, s16, $0xb8;
	[tilespmem:$0x1E400] =	vst v63  }
0xa7: {  	s31 =	sadd.s32 $0x1480, s24  }
0xa8: {  	[spmem:s1] =	stream.indirect.scatter.add.f32 [tilespmem:s19], [sflag:$0x2], $0x80, s31, s16, $0xb8;
	[tilespmem:$0x1E400] =	vst v63  }
0xa9: {  	_ =	swait.ge [sflag:s14], $0x4000  }
0xaa: {  	[sflag:s14] =	ssyncset.done $0x0  }
0xab: {  	[sflag:s14] =	ssyncadd.s32 $0xFFFFC000  }
0xac: {  	_ =	swait.ge [sflag:s18], $0x4000  }
0xad: {  	[sflag:s18] =	ssyncset.done $0x0  }
0xae: {  	[sflag:s18] =	ssyncadd.s32 $0xFFFFC000  }
0xaf: {  	[tilespmem:s19], [sflag:$0x1] =	stream.indirect.gather [hbm4b:s4+s16], $0x80, s20, s16, $0xb8;
	[tilespmem:$0x1E400] =	vst v63  }
0xb0: {  	_ = 	snop  }
0xb1: {  	[spmem:s1] =	stream.indirect.scatter.add.f32 [tilespmem:s17], [sflag:$0x2], $0x80, s21, s16, $0xb8;
	[tilespmem:$0x1E400] =	vst v63  }
0xb2: {  	_ =	swait.ge [sflag:s14], $0x4000  }
0xb3: {  	[sflag:s14] =	ssyncset.done $0x0  }
0xb4: {  	[sflag:s14] =	ssyncadd.s32 $0xFFFFC000  }
0xb5: {  	_ =	swait.ge [sflag:s18], $0x4000  }
0xb6: {  	[sflag:s18] =	ssyncset.done $0x0  }
0xb7: {  	[sflag:s18] =	ssyncadd.s32 $0xFFFFC000  }
0xb8: {  	[tilespmem:s17], [sflag:$0x1] =	stream.indirect.gather [hbm4b:s4+s16], $0x80, s20, s16, $0xb8;
	[tilespmem:$0x1E400] =	vst v63  }
0xb9: {  	_ = 	snop  }
0xba: {  	[spmem:s1] =	stream.indirect.scatter.add.f32 [tilespmem:s19], [sflag:$0x2], $0x80, s22, s16, $0xb8;
	[tilespmem:$0x1E400] =	vst v63  }
0xbb: {  	_ =	swait.ge [sflag:s14], $0x4000  }
0xbc: {  	[sflag:s14] =	ssyncset.done $0x0  }
0xbd: {  	[sflag:s14] =	ssyncadd.s32 $0xFFFFC000  }
0xbe: {  	_ =	swait.ge [sflag:s18], $0x4000  }
0xbf: {  	s23 =	sadd.s32 $0x1, s23;
	[sflag:s18] =	ssyncset.done $0x0  }
0xc0: {  	p0 =	sne.s32 s23, s12;
	[sflag:s18] =	ssyncadd.s32 $0xFFFFC000  }
.Ltmp2:
0xc1: {  	[bflag:$0x0] =	sbarrier.arrive $0xFFFF;
	(pc) =	sbr.rel @p0 .LBB2_1-.Ltmp2, $4  }
0xc2: {  	[hbm:s11], [sflag:s6] =	dma.local [spmem:s13], $0x2780  }
0xc3: {  	_ =	swait.ge [sflag:s14], $0x2780  }
0xc4: {  	[sflag:s14] =	ssyncset.done $0x0  }
0xc5: {  	[sflag:s14] =	ssyncadd.s32 $0xFFFFD880  }
0xc6: {  	_ =	sfence.sel $0x180000  }
0xc7: {  	[bflag:$0x0] =	sbarrier.arrive $0xFFFF  }
0xc8: {  	p0 =	sne.s32 s2, $0x0;
	_ =	strace $0x9000004A  }
0xc9: {  	s0 =	sadd.s32 @!p0 $0x100000, s0;
	[bflag:$0x2] =	sbarrier.arrive $0xFFFF  }
0xca: {  	[sflag:s0] =	ssyncadd.tile.s32 @!p0 $0x1;
	_ =	shalt  }
.Lfunc_end2:
_tile_overlayer_lowered:
.L_overlay_start_2:
0xcb: {  	(tag) =	ssettag $0x2  }
0xcc: {  	s0 =	rddreg [dreg:$0x0];
	s2 =	stileid.u32  }
0xcd: {  	s1 =	rddreg [dreg:$0x1];
	p0 =	sne.s32 s2, $0x0  }
0xce: {  	s3 =	rddreg [dreg:$0x2];
	[bflag:$0x3] =	sbarrier.arrive $0xFFFF;
	s2 =	simm.s32 @!p0 $0x1C02  }
0xcf: {  	[timem:s3], [sflag:s2] =	dma.local @!p0 [hbm:s0], s1  }
0xd0: {  	s0 =	simm.s32 @!p0 $0x2  }
0xd1: {  	_ =	swait.ge @!p0 [sflag:s0], s1  }
0xd2: {  	s1 =	ssub.s32 @!p0 $0x0, s1;
	[sflag:s0] =	ssyncset.done @!p0 $0x0  }
0xd3: {  	[sflag:s0] =	ssyncadd.s32 @!p0 s1  }
0xd4: {  	[bflag:$0x3] =	sbarrier.arrive $0xFFFF  }
0xd5: {  	_ =	shalt  }

// kernel: kernel.15.cloned.1.call-start
scs
__scs_entry_jumppad:
0x0: {  	(pc) =	sbr.rel $0x88, $3  }
0x1: {  	(tag) =	ssettag $0x0;
	lr =	simm.s32 $0x1  }
0x2: {  	[smem:$0x3F8E] =	sst lr;
	_ =	strace $0xD0000000  }
0x3: {  	_ = 	snop  }
0x4: {  	_ = 	snop  }
0x5: {  	_ = 	snop  }
0x6: {  	_ = 	snop  }
0x7: {  	_ = 	snop  }
__scs_overlays_trampoline_lowered:
0x8: {  	[smem:$0x3F9D] =	sst s0  }
0x9: {  	[smem:$0x3F9E] =	sst s1  }
0xa: {  	[smem:$0x3F9F] =	sst s2  }
0xb: {  	[smem:$0x3FA0] =	sst s3  }
0xc: {  	[smem:$0x3FA1] =	sst s4  }
0xd: {  	[smem:$0x3FA2] =	sst s5  }
0xe: {  	[smem:$0x3FA3] =	sst s6  }
0xf: {  	[smem:$0x3FA4] =	sst s7  }
0x10: {  	[smem:$0x3FA5] =	sst s8  }
0x11: {  	[smem:$0x3FA6] =	sst s9;
	s0 =	simm.s32 @!p0 $0x0  }
0x12: {  	s1 =	sld [smem:$0x3F8C];
	s0 =	simm.s32 @p0 $0x1  }
0x13: {  	[smem:$0x3FA7] =	sst s0;
	s0 =	simm.s32 @!p1 $0x0  }
0x14: {  	s2 =	sld [smem:$0x3F8B];
	s0 =	simm.s32 @p1 $0x1  }
0x15: {  	[smem:$0x3FA8] =	sst s0;
	s0 =	simm.s32 @!p2 $0x0  }
0x16: {  	s3 =	sld [smem:$0x3FDB];
	s0 =	simm.s32 @p2 $0x1  }
0x17: {  	s4 =	simm.s32 $0x1BF5;
	[smem:$0x3FAA] =	sst s0  }
0x18: {  	s0 =	sld [smem:$0x3F8D];
	_ =	swait.ge [sflag:s4], $0x0  }
0x19: {  	s7 =	sld [smem:$0x3F8E]  }
0x1a: {  	s8 =	sadd.s32 $0xFFFFE003, lr  }
0x1b: {  	s9 =	sadd.s32 $0xFFFFFEF7, lr;
	s5 =	simm.s32 $0xFFFFFFFF;
	p2 =	slt.u32 s8, $0xFFFFF086  }
0x1c: {  	p1 =	slt.u32 s9, $0xF7A;
	s5 =	simm.s32 @!p2 $0x0  }
0x1d: {  	s5 =	simm.s32 @p1 $0x1;
	p0 =	seq.s32 s7, s2  }
0x1e: {  	s7 =	smul.u32 @!p0 $0xF7A, s2;
	p2 =	seq.s32 @!p0 s5, $0x0  }
0x1f: {  	s9 =	smul.u32 $0xF7A, s1;
	s8 =	simm.s32 @!p0 $0x1BF5;
	p2 =	por !p2, p0  }
0x20: {  	[sflag:s8] =	ssyncset.s32 @!p0 $0xFFFFF086;
	s6 =	sadd.s32 @!p0 s3, s7;
	s7 =	simm.s32 @!p0 $0x108  }
0x21: {  	s3 =	sadd.s32 s3, s9;
	s6 =	sadd.s32 @!p0 $0x88, s6;
	s7 =	simm.s32 @p2 $0x1082  }
0x22: {  	[simem:s7], [sflag:s8] =	dma.local @!p0 [hbm:s6], $0xF7A  }
0x23: {  	s9 =	sor.u32 $0xD0000000, s2;
	s6 =	simm.s32 $0x108;
	_ =	swait.ge @!p0 [sflag:s8], $0x0  }
0x24: {  	s3 =	sadd.s32 $0x88, s3;
	s6 =	simm.s32 @!p1 $0x1082;
	[sflag:s4] =	ssyncset.s32 $0xFFFFF086  }
0x25: {  	[simem:s6], [sflag:s4] =	dma.local [hbm:s3], $0xF7A  }
0x26: {  	[smem:$0x3F8E] =	sst s1;
	(tag) =	ssettag s2;
	_ =	strace s9  }
0x27: {  	s1 =	sld [smem:$0x3F9E]  }
0x28: {  	s2 =	sld [smem:$0x3F9F]  }
0x29: {  	s4 =	sld [smem:$0x3FA1]  }
0x2a: {  	p0 =	seq.s32 s5, $0x0;
	s5 =	sld [smem:$0x3FA2]  }
0x2b: {  	s6 =	sld [smem:$0x3FA3]  }
0x2c: {  	s7 =	sld [smem:$0x3FA4]  }
0x2d: {  	s3 =	simm.s32 $0x108;
	s8 =	sld [smem:$0x3FA5]  }
0x2e: {  	s3 =	simm.s32 @!p0 $0x1082;
	s9 =	sld [smem:$0x3FA6]  }
0x2f: {  	lr =	sadd.s32 s0, s3;
	s0 =	sld [smem:$0x3F9D]  }
0x30: {  	s3 =	sld [smem:$0x3FA0]  }
0x31: {  	[smem:$0x3FA9] =	sst s10  }
0x32: {  	s10 =	sld [smem:$0x3FA7];
	_ =	sdelay $0x3  }
0x33: {  	p0 =	seq.s32 s10, $0x1;
	s10 =	sld [smem:$0x3FA9];
	_ =	sdelay $0x3  }
0x34: {  	[smem:$0x3FA9] =	sst s10  }
0x35: {  	s10 =	sld [smem:$0x3FA8];
	_ =	sdelay $0x3  }
0x36: {  	p1 =	seq.s32 s10, $0x1;
	s10 =	sld [smem:$0x3FA9];
	_ =	sdelay $0x3  }
0x37: {  	[smem:$0x3FA9] =	sst s10  }
0x38: {  	s10 =	sld [smem:$0x3FAA]  }
0x39: {  	_ = 	snop;
	(pc) =	sbr.ind lr, $3  }
0x3a: {  	_ = 	snop  }
0x3b: {  	_ = 	snop  }
0x3c: {  	p2 =	seq.s32 s10, $0x1;
	s10 =	sld [smem:$0x3FA9]  }
0x3d: {  	_ =	shalt  }
0x3e: {  	_ =	shalt  }
0x3f: {  	_ =	shalt  }
0x40: {  	_ =	shalt  }
0x41: {  	_ =	shalt  }
0x42: {  	_ =	shalt  }
0x43: {  	_ =	shalt  }
0x44: {  	_ =	shalt  }
0x45: {  	_ =	shalt  }
0x46: {  	_ =	shalt  }
0x47: {  	_ =	shalt  }
0x48: {  	_ =	shalt  }
0x49: {  	_ =	shalt  }
0x4a: {  	_ =	shalt  }
0x4b: {  	_ =	shalt  }
0x4c: {  	_ =	shalt  }
0x4d: {  	_ =	shalt  }
0x4e: {  	_ =	shalt  }
0x4f: {  	_ =	shalt  }
0x50: {  	_ =	shalt  }
0x51: {  	_ =	shalt  }
0x52: {  	_ =	shalt  }
0x53: {  	_ =	shalt  }
0x54: {  	_ =	shalt  }
0x55: {  	_ =	shalt  }
0x56: {  	_ =	shalt  }
0x57: {  	_ =	shalt  }
0x58: {  	_ =	shalt  }
0x59: {  	_ =	shalt  }
0x5a: {  	_ =	shalt  }
0x5b: {  	_ =	shalt  }
0x5c: {  	_ =	shalt  }
0x5d: {  	_ =	shalt  }
0x5e: {  	_ =	shalt  }
0x5f: {  	_ =	shalt  }
0x60: {  	_ =	shalt  }
0x61: {  	_ =	shalt  }
0x62: {  	_ =	shalt  }
0x63: {  	_ =	shalt  }
0x64: {  	_ =	shalt  }
0x65: {  	_ =	shalt  }
0x66: {  	_ =	shalt  }
0x67: {  	_ =	shalt  }
0x68: {  	_ =	shalt  }
0x69: {  	_ =	shalt  }
0x6a: {  	_ =	shalt  }
0x6b: {  	_ =	shalt  }
0x6c: {  	_ =	shalt  }
0x6d: {  	_ =	shalt  }
0x6e: {  	_ =	shalt  }
0x6f: {  	_ =	shalt  }
0x70: {  	_ =	shalt  }
0x71: {  	_ =	shalt  }
0x72: {  	_ =	shalt  }
0x73: {  	_ =	shalt  }
0x74: {  	_ =	shalt  }
0x75: {  	_ =	shalt  }
0x76: {  	_ =	shalt  }
0x77: {  	_ =	shalt  }
0x78: {  	_ =	shalt  }
0x79: {  	_ =	shalt  }
0x7a: {  	_ =	shalt  }
0x7b: {  	_ =	shalt  }
0x7c: {  	_ =	shalt  }
0x7d: {  	_ =	shalt  }
0x7e: {  	_ =	shalt  }
0x7f: {  	_ =	shalt  }
0x80: {  	_ =	shalt  }
0x81: {  	_ =	shalt  }
0x82: {  	_ =	shalt  }
0x83: {  	_ =	shalt  }
0x84: {  	_ =	shalt  }
0x85: {  	_ =	shalt  }
0x86: {  	_ =	shalt  }
0x87: {  	_ =	shalt  }
.Lfunc_end0:
.L_simem_size_0:
called_computation.2_lowered:
.L_overlay_start_0:
0x88: {  	s2 =	sld [smem:$0x3FD9]  }
0x89: {  	s3 =	sld [smem:$0x3FFE];
	_ =	sdelay $0x1  }
0x8a: {  	s1 =	srdreg.scid  }
0x8b: {  	s0 =	sand.u32 $0x1, s1  }
0x8c: {  	s16 =	sshll.u32 s0, $0xA;
	s2 =	sadd.s32 s3, s2  }
0x8d: {  	s2 =	sadd.s32 s2, s16  }
0x8e: {  	[smem:$0x3FB5] =	sst s2  }
0x8f: {  	_ = 	snop  }
0x90: {  	(tm) =	ssettm $0x1  }
0x91: {  	s17 =	sld [smem:$0x3FFB];
	_ =	sdelay $0x3  }
0x92: {  	_ =	strace s17  }
0x93: {  	s2 =	sld [smem:$0x3FFC];
	_ =	sdelay $0x3  }
0x94: {  	_ =	strace s2  }
0x95: {  	s2 =	sld [smem:$0x3FFD];
	_ =	sdelay $0x3  }
0x96: {  	_ =	strace s2  }
0x97: {  	_ =	strace $0x8FFFFFFF  }
0x98: {  	s18 =	sld [smem:$0x3FDB];
	_ =	sdelay $0x1  }
0x99: {  	s19 =	simm.s32 $_scs_section_size  }
0x9a: {  	s4 =	simm.s32 $_size__tile_overlayer_lowered;
	s5 =	simm.s32 $_tile_overlayer_lowered  }
0x9b: {  	s22 =	simm.s32 $0x1BFF;
	s21 =	sshll.u32 s5, $0x1;
	s2 =	sadd.s32 s19, s18  }
0x9c: {  	s6 =	simm.s32 $0x0;
	s20 =	sshll.u32 s4, $0x1;
	s4 =	sadd.s32 s21, s2  }
0x9d: {  	[timem:s6], [sflag:s22] =	dma.local [hbm:s4], s20  }
0x9e: {  	_ =	swait.ge [sflag:s22], s20  }
0x9f: {  	s3 =	ssub.s32 $0x0, s20;
	[sflag:s22] =	ssyncset.done $0x0  }
0xa0: {  	[sflag:s22] =	ssyncadd.s32 s3;
	_ =	sdelay $0x1  }
0xa1: {  	s23 =	simm.s32 $0x1B8B  }
0xa2: {  	_ =	swait.ge [sflag:s23], $0x1  }
0xa3: {  	[sflag:s23] =	ssyncset.done $0x0  }
0xa4: {  	s25 =	simm.s32 $0x1B8E;
	s24 =	sld [smem:$0x3FFE];
	[sflag:s23] =	ssyncadd.s32 $0xFFFFFFFF  }
0xa5: {  	s26 =	simm.s32 $execute0_lowered;
	[smem:$0x3FD2] =	sst s25  }
0xa6: {  	s4 =	sshll.u32 s26, $0x1;
	_ =	strace $0x8000004C;
	[dreg:$0x1] =	wrdreg $0xFFFFFFFF  }
0xa7: {  	s28 =	simm.s32 $_size_execute0_lowered;
	s2 =	sadd.s32 s2, s4;
	[dreg:$0x0] =	wrdreg $0x0  }
0xa8: {  	s4 =	sshll.u32 s28, $0x1;
	[dreg:$0x2] =	wrdreg s2  }
0xa9: {  	[dreg:$0x3] =	wrdreg s4  }
0xaa: {  	[dreg:$0x4] =	wrdreg $0xC0  }
0xab: {  	_ =	task [dreg:s6], $0x5FFFF  }
0xac: {  	[dreg:$0x1] =	wrdreg $0xFFFFFFFF  }
0xad: {  	[dreg:$0x0] =	wrdreg $0x60  }
0xae: {  	[dreg:$0x2] =	wrdreg s24  }
0xaf: {  	[dreg:$0x3] =	wrdreg $0xA8000  }
0xb0: {  	[dreg:$0x4] =	wrdreg $0x9  }
0xb1: {  	_ =	task.clear_ibuf [dreg:s6], $0x5FFFF;
	_ =	strace $0x9000004C  }
0xb2: {  	s29 =	simm.s32 $0x9;
	_ =	strace $0x8000004E  }
0xb3: {  	_ =	swait.ge [sflag:s29], $0x1  }
0xb4: {  	[sflag:s29] =	ssyncadd.s32 $0xFFFFFFFF  }
0xb5: {  	_ =	strace $0x9000004E  }
0xb6: {  	_ =	sfence  }
0xb7: {  	s30 =	sld [smem:$0x0];
	_ =	sdelay $0x2  }
0xb8: {  	s31 =	sshll.u32 s1, $0xD;
	s1 =	sshrl.u32 s1, $0x2  }
0xb9: {  	s3 =	sand.u32 $0x4000, s31;
	s1 =	sadd.s32 s1, s30  }
0xba: {  	s0 =	sor.u32 s3, s0;
	s1 =	sshll.u32 s1, $0x11  }
0xbb: {  	s0 =	sor.u32 s1, s0  }
0xbc: {  	s0 =	sadd.s32 $0x8F2B, s0  }
0xbd: {  	[sflag:s0] =	ssyncadd.remote.s32 $0x1  }
0xbe: {  	_ =	sfence.sel $0xFFFF  }
0xbf: {  	[dreg:$0x0] =	wrdreg $0xFFFFFFFF;
	(pc) =	sbr.abs _section_cstart, $3  }
0xc0: {  	[dreg:$0x1] =	wrdreg $0xFFFFFFFF  }
0xc1: {  	_ =	task.clear_ibuf [dreg:s6], $0x2FFFF;
	_ =	strace $0x9FFFFFFF  }
0xc2: {  	(tm) =	ssettm $0x7FFFFFFF  }
0xc3: {  	_ =	shalt  }
tec
execute0_lowered:
.L_overlay_start_1:
0x0: {  	(tag) =	ssettag $0x1  }
0x1: {  	s6 =	rddreg [dreg:$0x0]  }
0x2: {  	s1 =	rddreg [dreg:$0x1];
	s2 =	srdreg.scid  }
0x3: {  	s0 =	rddreg [dreg:$0x2];
	s3 =	simm.s32 $0x0;
	s15 =	simm.s32 $0x1400  }
0x4: {  	s16 =	simm.s32 $0x80;
	s17 =	simm.s32 $0x2800;
	s18 =	simm.s32 $0x1  }
0x5: {  	s19 =	simm.s32 $0x6800;
	s20 =	simm.s32 $0x1380;
	s21 =	simm.s32 $0x2700  }
0x6: {  	s22 =	simm.s32 $0x2780;
	s23 =	simm.s32 $0x0;
	s7 =	sand.u32 $0x1, s2  }
0x7: {  	s2 =	stileid.u32;
	[smem:$0x7FF] =	sst s3;
	s4 =	sadd.s32 $0x17A00, s6  }
0x8: {  	s9 =	sadd.s32 $0x3A00, s6;
	s10 =	sadd.s32 $0xDA00, s6;
	s5 =	smul.u32 $0x13C000, s7  }
0x9: {  	s8 =	smul.u32 $0x13C00, s2;
	_ =	strace $0x8000004D;
	s11 =	sshll.u32 s2, $0x1  }
0xa: {  	s12 =	ssub.s32 $0x2, s7;
	s26 =	smul.u32 $0x4F000, s2;
	s30 =	sshll.u32 s2, $0x6  }
0xb: {  	s7 =	sor.u32 s7, s11;
	s28 =	sshrl.u32 s12, $0x1;
	s8 =	sadd.s32 s8, s5  }
0xc: {  	s5 =	sadd.s32 $0x3EC00, s6;
	s7 =	smul.u32 $0x2800, s7;
	s29 =	sshrl.u32 s26, $0x2  }
0xd: {  	s12 =	ssub.s32 s12, s28;
	s8 =	sshrl.u32 s8, $0x3;
	s14 =	sadd.s32 s29, s1  }
0xe: {  	s12 =	smax.u32 s12, $0x1;
	s13 =	sadd.s32 s8, s6;
	s31 =	sshrl.u32 s7, $0x3  }
0xf: {  	s6 =	sor.u32 $0x1C02, s30;
	s7 =	sadd.s32 s9, s31;
	s11 =	sadd.s32 $0x280, s31  }
0x10: {  	s8 =	sadd.s32 s10, s31;
	s9 =	sadd.s32 s9, s11;
	s10 =	sadd.s32 s10, s11  }
0x11: {  	s11 =	sadd.s32 $0x41400, s13;
	s13 =	sshrl.u32 s14, $0x3;
	s14 =	simm.s32 $0x2  }
.LBB2_1:
0x12: {  	[spmem:s13], [sflag:s6] =	dma.local [hbm:s5], $0x2780  }
0x13: {  	_ =	swait.ge [sflag:s14], $0x2780  }
0x14: {  	[sflag:s14] =	ssyncset.done $0x0  }
0x15: {  	[sflag:s14] =	ssyncadd.s32 $0xFFFFD880  }
0x16: {  	[bflag:$0x0] =	sbarrier.arrive $0xFFFF  }
0x17: {  	[tilespmem:s3], [sflag:$0x2] =	stream.linear.gather [hbm4b:s7+s3], $0x1400, $0x38;
	[tilespmem:$0x1E400] =	vst v63  }
0x18: {  	_ =	swait.ge [sflag:s14], $0x1400  }
0x19: {  	[sflag:s14] =	ssyncset.done $0x0  }
0x1a: {  	[sflag:s14] =	ssyncadd.s32 $0xFFFFEC00  }
0x1b: {  	[tilespmem:s15], [sflag:$0x2] =	stream.linear.gather [hbm4b:s8+s3], $0x1400, $0x38;
	[tilespmem:$0x1E400] =	vst v63  }
0x1c: {  	_ =	swait.ge [sflag:s14], $0x1400  }
0x1d: {  	[sflag:s14] =	ssyncset.done $0x0  }
0x1e: {  	[sflag:s14] =	ssyncadd.s32 $0xFFFFEC00  }
0x1f: {  	[tilespmem:s17], [sflag:$0x1] =	stream.indirect.gather [hbm4b:s4+s16], $0x80, s3, s16, $0xb8;
	[tilespmem:$0x1E400] =	vst v63  }
0x20: {  	_ =	swait.ge [sflag:s18], $0x4000  }
0x21: {  	[sflag:s18] =	ssyncset.done $0x0  }
0x22: {  	s24 =	simm.s32 $0x80;
	[sflag:s18] =	ssyncadd.s32 $0xFFFFC000  }
0x23: {  	[tilespmem:s19], [sflag:$0x1] =	stream.indirect.gather [hbm4b:s4+s16], $0x80, s24, s16, $0xb8;
	[tilespmem:$0x1E400] =	vst v63  }
0x24: {  	s29 =	simm.s32 $0x1400  }
0x25: {  	[spmem:s1] =	stream.indirect.scatter.add.f32 [tilespmem:s17], [sflag:$0x2], $0x80, s29, s16, $0xb8;
	[tilespmem:$0x1E400] =	vst v63  }
0x26: {  	_ =	swait.ge [sflag:s14], $0x4000  }
0x27: {  	[sflag:s14] =	ssyncset.done $0x0  }
0x28: {  	[sflag:s14] =	ssyncadd.s32 $0xFFFFC000  }
0x29: {  	_ =	swait.ge [sflag:s18], $0x4000  }
0x2a: {  	[sflag:s18] =	ssyncset.done $0x0  }
0x2b: {  	s30 =	simm.s32 $0x100;
	[sflag:s18] =	ssyncadd.s32 $0xFFFFC000  }
0x2c: {  	[tilespmem:s17], [sflag:$0x1] =	stream.indirect.gather [hbm4b:s4+s16], $0x80, s30, s16, $0xb8;
	[tilespmem:$0x1E400] =	vst v63  }
0x2d: {  	s31 =	simm.s32 $0x1480  }
0x2e: {  	[spmem:s1] =	stream.indirect.scatter.add.f32 [tilespmem:s19], [sflag:$0x2], $0x80, s31, s16, $0xb8;
	[tilespmem:$0x1E400] =	vst v63  }
0x2f: {  	_ =	swait.ge [sflag:s14], $0x4000  }
0x30: {  	[sflag:s14] =	ssyncset.done $0x0  }
0x31: {  	[sflag:s14] =	ssyncadd.s32 $0xFFFFC000  }
0x32: {  	_ =	swait.ge [sflag:s18], $0x4000  }
0x33: {  	s25 =	simm.s32 $0x800;
	s24 =	simm.s32 $0x100;
	[sflag:s18] =	ssyncset.done $0x0  }
.LBB2_2:
0x34: {  	s26 =	sadd.s32 $0x80, s24  }
0x35: {  	[sflag:s18] =	ssyncadd.s32 $0xFFFFC000;
	s28 =	smov.u32 s25;
	s29 =	sadd.s32 $0x400, s25  }
0x36: {  	[tilespmem:s19], [sflag:$0x1] =	stream.indirect.gather [hbm4b:s4+s16], $0x80, s26, s16, $0xb8;
	[tilespmem:$0x1E400] =	vst v63  }
0x37: {  	p0 =	sne.s32 s25, $0x4800;
	s25 =	sadd.s32 $0x1400, s24  }
0x38: {  	[spmem:s1] =	stream.indirect.scatter.add.f32 [tilespmem:s17], [sflag:$0x2], $0x80, s25, s16, $0xb8;
	[tilespmem:$0x1E400] =	vst v63  }
0x39: {  	_ =	swait.ge [sflag:s14], $0x4000  }
0x3a: {  	[sflag:s14] =	ssyncset.done $0x0  }
0x3b: {  	[sflag:s14] =	ssyncadd.s32 $0xFFFFC000  }
0x3c: {  	_ =	swait.ge [sflag:s18], $0x4000  }
0x3d: {  	[sflag:s18] =	ssyncset.done $0x0  }
0x3e: {  	s25 =	sadd.s32 $0x100, s24;
	[sflag:s18] =	ssyncadd.s32 $0xFFFFC000  }
0x3f: {  	[tilespmem:s17], [sflag:$0x1] =	stream.indirect.gather [hbm4b:s4+s16], $0x80, s25, s16, $0xb8;
	[tilespmem:$0x1E400] =	vst v63  }
0x40: {  	s24 =	sadd.s32 $0x1480, s24  }
0x41: {  	[spmem:s1] =	stream.indirect.scatter.add.f32 [tilespmem:s19], [sflag:$0x2], $0x80, s24, s16, $0xb8;
	[tilespmem:$0x1E400] =	vst v63  }
.Ltmp0:
0x42: {  	_ =	swait.ge [sflag:s14], $0x4000;
	(pc) =	sbr.rel @p0 .LBB2_2-.Ltmp0, $4  }
0x43: {  	[sflag:s14] =	ssyncset.done $0x0  }
0x44: {  	[sflag:s14] =	ssyncadd.s32 $0xFFFFC000  }
0x45: {  	_ =	swait.ge [sflag:s18], $0x4000  }
0x46: {  	s25 =	smov.u32 s29;
	s24 =	sshra.s32 s28, $0x2;
	[sflag:s18] =	ssyncset.done $0x0  }
0x47: {  	s25 =	sadd.s32 $0x80, s24;
	[sflag:s18] =	ssyncadd.s32 $0xFFFFC000  }
0x48: {  	[tilespmem:s19], [sflag:$0x1] =	stream.indirect.gather [hbm4b:s4+s16], $0x80, s25, s16, $0xb8;
	[tilespmem:$0x1E400] =	vst v63  }
0x49: {  	s30 =	sadd.s32 $0x1400, s24  }
0x4a: {  	[spmem:s1] =	stream.indirect.scatter.add.f32 [tilespmem:s17], [sflag:$0x2], $0x80, s30, s16, $0xb8;
	[tilespmem:$0x1E400] =	vst v63  }
0x4b: {  	_ =	swait.ge [sflag:s14], $0x4000  }
0x4c: {  	[sflag:s14] =	ssyncset.done $0x0  }
0x4d: {  	[sflag:s14] =	ssyncadd.s32 $0xFFFFC000  }
0x4e: {  	_ =	swait.ge [sflag:s18], $0x4000  }
0x4f: {  	[sflag:s18] =	ssyncset.done $0x0  }
0x50: {  	s31 =	sadd.s32 $0x100, s24;
	[sflag:s18] =	ssyncadd.s32 $0xFFFFC000  }
0x51: {  	[tilespmem:s17], [sflag:$0x1] =	stream.indirect.gather [hbm4b:s4+s16], $0x80, s31, s16, $0xb8;
	[tilespmem:$0x1E400] =	vst v63  }
0x52: {  	s25 =	sadd.s32 $0x1480, s24  }
0x53: {  	[spmem:s1] =	stream.indirect.scatter.add.f32 [tilespmem:s19], [sflag:$0x2], $0x80, s25, s16, $0xb8;
	[tilespmem:$0x1E400] =	vst v63  }
0x54: {  	_ =	swait.ge [sflag:s14], $0x4000  }
0x55: {  	[sflag:s14] =	ssyncset.done $0x0  }
0x56: {  	[sflag:s14] =	ssyncadd.s32 $0xFFFFC000  }
0x57: {  	_ =	swait.ge [sflag:s18], $0x4000  }
0x58: {  	[sflag:s18] =	ssyncset.done $0x0  }
0x59: {  	[sflag:s18] =	ssyncadd.s32 $0xFFFFC000  }
0x5a: {  	[tilespmem:s19], [sflag:$0x1] =	stream.indirect.gather [hbm4b:s4+s16], $0x80, s20, s16, $0xb8;
	[tilespmem:$0x1E400] =	vst v63  }
0x5b: {  	_ = 	snop  }
0x5c: {  	[spmem:s1] =	stream.indirect.scatter.add.f32 [tilespmem:s17], [sflag:$0x2], $0x80, s21, s16, $0xb8;
	[tilespmem:$0x1E400] =	vst v63  }
0x5d: {  	_ =	swait.ge [sflag:s14], $0x4000  }
0x5e: {  	[sflag:s14] =	ssyncset.done $0x0  }
0x5f: {  	[sflag:s14] =	ssyncadd.s32 $0xFFFFC000  }
0x60: {  	_ =	swait.ge [sflag:s18], $0x4000  }
0x61: {  	[sflag:s18] =	ssyncset.done $0x0  }
0x62: {  	[sflag:s18] =	ssyncadd.s32 $0xFFFFC000  }
0x63: {  	[tilespmem:s17], [sflag:$0x1] =	stream.indirect.gather [hbm4b:s4+s16], $0x80, s20, s16, $0xb8;
	[tilespmem:$0x1E400] =	vst v63  }
0x64: {  	_ = 	snop  }
0x65: {  	[spmem:s1] =	stream.indirect.scatter.add.f32 [tilespmem:s19], [sflag:$0x2], $0x80, s22, s16, $0xb8;
	[tilespmem:$0x1E400] =	vst v63  }
0x66: {  	_ =	swait.ge [sflag:s14], $0x4000  }
0x67: {  	[sflag:s14] =	ssyncset.done $0x0  }
0x68: {  	[sflag:s14] =	ssyncadd.s32 $0xFFFFC000  }
0x69: {  	_ =	swait.ge [sflag:s18], $0x4000  }
0x6a: {  	[sflag:s18] =	ssyncset.done $0x0  }
0x6b: {  	s26 =	simm.s32 $0x0;
	[sflag:s18] =	ssyncadd.s32 $0xFFFFC000  }
0x6c: {  	[tilespmem:s26], [sflag:$0x2] =	stream.linear.gather [hbm4b:s9+s26], $0x1400, $0x38;
	[tilespmem:$0x1E400] =	vst v63  }
0x6d: {  	_ =	swait.ge [sflag:s14], $0x1400  }
0x6e: {  	[sflag:s14] =	ssyncset.done $0x0  }
0x6f: {  	[sflag:s14] =	ssyncadd.s32 $0xFFFFEC00  }
0x70: {  	[tilespmem:s15], [sflag:$0x2] =	stream.linear.gather [hbm4b:s10+s26], $0x1400, $0x38;
	[tilespmem:$0x1E400] =	vst v63  }
0x71: {  	_ =	swait.ge [sflag:s14], $0x1400  }
0x72: {  	[sflag:s14] =	ssyncset.done $0x0  }
0x73: {  	[sflag:s14] =	ssyncadd.s32 $0xFFFFEC00  }
0x74: {  	[tilespmem:s17], [sflag:$0x1] =	stream.indirect.gather [hbm4b:s4+s16], $0x80, s26, s16, $0xb8;
	[tilespmem:$0x1E400] =	vst v63  }
0x75: {  	_ =	swait.ge [sflag:s18], $0x4000  }
0x76: {  	[sflag:s18] =	ssyncset.done $0x0  }
0x77: {  	s28 =	simm.s32 $0x80;
	[sflag:s18] =	ssyncadd.s32 $0xFFFFC000  }
0x78: {  	[tilespmem:s19], [sflag:$0x1] =	stream.indirect.gather [hbm4b:s4+s16], $0x80, s28, s16, $0xb8;
	[tilespmem:$0x1E400] =	vst v63  }
0x79: {  	s29 =	simm.s32 $0x1400  }
0x7a: {  	[spmem:s1] =	stream.indirect.scatter.add.f32 [tilespmem:s17], [sflag:$0x2], $0x80, s29, s16, $0xb8;
	[tilespmem:$0x1E400] =	vst v63  }
0x7b: {  	_ =	swait.ge [sflag:s14], $0x4000  }
0x7c: {  	[sflag:s14] =	ssyncset.done $0x0  }
0x7d: {  	[sflag:s14] =	ssyncadd.s32 $0xFFFFC000  }
0x7e: {  	_ =	swait.ge [sflag:s18], $0x4000  }
0x7f: {  	[sflag:s18] =	ssyncset.done $0x0  }
0x80: {  	s30 =	simm.s32 $0x100;
	[sflag:s18] =	ssyncadd.s32 $0xFFFFC000  }
0x81: {  	[tilespmem:s17], [sflag:$0x1] =	stream.indirect.gather [hbm4b:s4+s16], $0x80, s30, s16, $0xb8;
	[tilespmem:$0x1E400] =	vst v63  }
0x82: {  	s31 =	simm.s32 $0x1480  }
0x83: {  	[spmem:s1] =	stream.indirect.scatter.add.f32 [tilespmem:s19], [sflag:$0x2], $0x80, s31, s16, $0xb8;
	[tilespmem:$0x1E400] =	vst v63  }
0x84: {  	_ =	swait.ge [sflag:s14], $0x4000  }
0x85: {  	[sflag:s14] =	ssyncset.done $0x0  }
0x86: {  	[sflag:s14] =	ssyncadd.s32 $0xFFFFC000  }
0x87: {  	_ =	swait.ge [sflag:s18], $0x4000  }
0x88: {  	s24 =	simm.s32 $0x100;
	s25 =	simm.s32 $0x800;
	[sflag:s18] =	ssyncset.done $0x0  }
.LBB2_4:
0x89: {  	s26 =	sadd.s32 $0x80, s24  }
0x8a: {  	[sflag:s18] =	ssyncadd.s32 $0xFFFFC000;
	s28 =	smov.u32 s25;
	s29 =	sadd.s32 $0x400, s25  }
0x8b: {  	[tilespmem:s19], [sflag:$0x1] =	stream.indirect.gather [hbm4b:s4+s16], $0x80, s26, s16, $0xb8;
	[tilespmem:$0x1E400] =	vst v63  }
0x8c: {  	p0 =	sne.s32 s25, $0x4800;
	s25 =	sadd.s32 $0x1400, s24  }
0x8d: {  	[spmem:s1] =	stream.indirect.scatter.add.f32 [tilespmem:s17], [sflag:$0x2], $0x80, s25, s16, $0xb8;
	[tilespmem:$0x1E400] =	vst v63  }
0x8e: {  	_ =	swait.ge [sflag:s14], $0x4000  }
0x8f: {  	[sflag:s14] =	ssyncset.done $0x0  }
0x90: {  	[sflag:s14] =	ssyncadd.s32 $0xFFFFC000  }
0x91: {  	_ =	swait.ge [sflag:s18], $0x4000  }
0x92: {  	[sflag:s18] =	ssyncset.done $0x0  }
0x93: {  	s25 =	sadd.s32 $0x100, s24;
	[sflag:s18] =	ssyncadd.s32 $0xFFFFC000  }
0x94: {  	[tilespmem:s17], [sflag:$0x1] =	stream.indirect.gather [hbm4b:s4+s16], $0x80, s25, s16, $0xb8;
	[tilespmem:$0x1E400] =	vst v63  }
0x95: {  	s24 =	sadd.s32 $0x1480, s24  }
0x96: {  	[spmem:s1] =	stream.indirect.scatter.add.f32 [tilespmem:s19], [sflag:$0x2], $0x80, s24, s16, $0xb8;
	[tilespmem:$0x1E400] =	vst v63  }
.Ltmp1:
0x97: {  	_ =	swait.ge [sflag:s14], $0x4000;
	(pc) =	sbr.rel @p0 .LBB2_4-.Ltmp1, $4  }
0x98: {  	[sflag:s14] =	ssyncset.done $0x0  }
0x99: {  	[sflag:s14] =	ssyncadd.s32 $0xFFFFC000  }
0x9a: {  	_ =	swait.ge [sflag:s18], $0x4000  }
0x9b: {  	s25 =	smov.u32 s29;
	s24 =	sshra.s32 s28, $0x2;
	[sflag:s18] =	ssyncset.done $0x0  }
0x9c: {  	s25 =	sadd.s32 $0x80, s24;
	[sflag:s18] =	ssyncadd.s32 $0xFFFFC000  }
0x9d: {  	[tilespmem:s19], [sflag:$0x1] =	stream.indirect.gather [hbm4b:s4+s16], $0x80, s25, s16, $0xb8;
	[tilespmem:$0x1E400] =	vst v63  }
0x9e: {  	s29 =	sadd.s32 $0x1400, s24  }
0x9f: {  	[spmem:s1] =	stream.indirect.scatter.add.f32 [tilespmem:s17], [sflag:$0x2], $0x80, s29, s16, $0xb8;
	[tilespmem:$0x1E400] =	vst v63  }
0xa0: {  	_ =	swait.ge [sflag:s14], $0x4000  }
0xa1: {  	[sflag:s14] =	ssyncset.done $0x0  }
0xa2: {  	[sflag:s14] =	ssyncadd.s32 $0xFFFFC000  }
0xa3: {  	_ =	swait.ge [sflag:s18], $0x4000  }
0xa4: {  	[sflag:s18] =	ssyncset.done $0x0  }
0xa5: {  	s30 =	sadd.s32 $0x100, s24;
	[sflag:s18] =	ssyncadd.s32 $0xFFFFC000  }
0xa6: {  	[tilespmem:s17], [sflag:$0x1] =	stream.indirect.gather [hbm4b:s4+s16], $0x80, s30, s16, $0xb8;
	[tilespmem:$0x1E400] =	vst v63  }
0xa7: {  	s31 =	sadd.s32 $0x1480, s24  }
0xa8: {  	[spmem:s1] =	stream.indirect.scatter.add.f32 [tilespmem:s19], [sflag:$0x2], $0x80, s31, s16, $0xb8;
	[tilespmem:$0x1E400] =	vst v63  }
0xa9: {  	_ =	swait.ge [sflag:s14], $0x4000  }
0xaa: {  	[sflag:s14] =	ssyncset.done $0x0  }
0xab: {  	[sflag:s14] =	ssyncadd.s32 $0xFFFFC000  }
0xac: {  	_ =	swait.ge [sflag:s18], $0x4000  }
0xad: {  	[sflag:s18] =	ssyncset.done $0x0  }
0xae: {  	[sflag:s18] =	ssyncadd.s32 $0xFFFFC000  }
0xaf: {  	[tilespmem:s19], [sflag:$0x1] =	stream.indirect.gather [hbm4b:s4+s16], $0x80, s20, s16, $0xb8;
	[tilespmem:$0x1E400] =	vst v63  }
0xb0: {  	_ = 	snop  }
0xb1: {  	[spmem:s1] =	stream.indirect.scatter.add.f32 [tilespmem:s17], [sflag:$0x2], $0x80, s21, s16, $0xb8;
	[tilespmem:$0x1E400] =	vst v63  }
0xb2: {  	_ =	swait.ge [sflag:s14], $0x4000  }
0xb3: {  	[sflag:s14] =	ssyncset.done $0x0  }
0xb4: {  	[sflag:s14] =	ssyncadd.s32 $0xFFFFC000  }
0xb5: {  	_ =	swait.ge [sflag:s18], $0x4000  }
0xb6: {  	[sflag:s18] =	ssyncset.done $0x0  }
0xb7: {  	[sflag:s18] =	ssyncadd.s32 $0xFFFFC000  }
0xb8: {  	[tilespmem:s17], [sflag:$0x1] =	stream.indirect.gather [hbm4b:s4+s16], $0x80, s20, s16, $0xb8;
	[tilespmem:$0x1E400] =	vst v63  }
0xb9: {  	_ = 	snop  }
0xba: {  	[spmem:s1] =	stream.indirect.scatter.add.f32 [tilespmem:s19], [sflag:$0x2], $0x80, s22, s16, $0xb8;
	[tilespmem:$0x1E400] =	vst v63  }
0xbb: {  	_ =	swait.ge [sflag:s14], $0x4000  }
0xbc: {  	[sflag:s14] =	ssyncset.done $0x0  }
0xbd: {  	[sflag:s14] =	ssyncadd.s32 $0xFFFFC000  }
0xbe: {  	_ =	swait.ge [sflag:s18], $0x4000  }
0xbf: {  	s23 =	sadd.s32 $0x1, s23;
	[sflag:s18] =	ssyncset.done $0x0  }
0xc0: {  	p0 =	sne.s32 s23, s12;
	[sflag:s18] =	ssyncadd.s32 $0xFFFFC000  }
.Ltmp2:
0xc1: {  	[bflag:$0x0] =	sbarrier.arrive $0xFFFF;
	(pc) =	sbr.rel @p0 .LBB2_1-.Ltmp2, $4  }
0xc2: {  	[hbm:s11], [sflag:s6] =	dma.local [spmem:s13], $0x2780  }
0xc3: {  	_ =	swait.ge [sflag:s14], $0x2780  }
0xc4: {  	[sflag:s14] =	ssyncset.done $0x0  }
0xc5: {  	[sflag:s14] =	ssyncadd.s32 $0xFFFFD880  }
0xc6: {  	_ =	sfence.sel $0x180000  }
0xc7: {  	[bflag:$0x0] =	sbarrier.arrive $0xFFFF  }
0xc8: {  	p0 =	sne.s32 s2, $0x0;
	_ =	strace $0x9000004D  }
0xc9: {  	s0 =	sadd.s32 @!p0 $0x100000, s0;
	[bflag:$0x2] =	sbarrier.arrive $0xFFFF  }
0xca: {  	[sflag:s0] =	ssyncadd.tile.s32 @!p0 $0x1;
	_ =	shalt  }
.Lfunc_end2:
_tile_overlayer_lowered:
.L_overlay_start_2:
0xcb: {  	(tag) =	ssettag $0x2  }
0xcc: {  	s0 =	rddreg [dreg:$0x0];
	s2 =	stileid.u32  }
0xcd: {  	s1 =	rddreg [dreg:$0x1];
	p0 =	sne.s32 s2, $0x0  }
0xce: {  	s3 =	rddreg [dreg:$0x2];
	[bflag:$0x3] =	sbarrier.arrive $0xFFFF;
	s2 =	simm.s32 @!p0 $0x1C02  }
0xcf: {  	[timem:s3], [sflag:s2] =	dma.local @!p0 [hbm:s0], s1  }
0xd0: {  	s0 =	simm.s32 @!p0 $0x2  }
0xd1: {  	_ =	swait.ge @!p0 [sflag:s0], s1  }
0xd2: {  	s1 =	ssub.s32 @!p0 $0x0, s1;
	[sflag:s0] =	ssyncset.done @!p0 $0x0  }
0xd3: {  	[sflag:s0] =	ssyncadd.s32 @!p0 s1  }
0xd4: {  	[bflag:$0x3] =	sbarrier.arrive $0xFFFF  }
0xd5: {  	_ =	shalt  }

// kernel: kernel.9.cloned.1.call-start
scs
__scs_entry_jumppad:
0x0: {  	(pc) =	sbr.rel $0x88, $3  }
0x1: {  	(tag) =	ssettag $0x0;
	lr =	simm.s32 $0x1  }
0x2: {  	[smem:$0x3F8E] =	sst lr;
	_ =	strace $0xD0000000  }
0x3: {  	_ = 	snop  }
0x4: {  	_ = 	snop  }
0x5: {  	_ = 	snop  }
0x6: {  	_ = 	snop  }
0x7: {  	_ = 	snop  }
__scs_overlays_trampoline_lowered:
0x8: {  	[smem:$0x3F9D] =	sst s0  }
0x9: {  	[smem:$0x3F9E] =	sst s1  }
0xa: {  	[smem:$0x3F9F] =	sst s2  }
0xb: {  	[smem:$0x3FA0] =	sst s3  }
0xc: {  	[smem:$0x3FA1] =	sst s4  }
0xd: {  	[smem:$0x3FA2] =	sst s5  }
0xe: {  	[smem:$0x3FA3] =	sst s6  }
0xf: {  	[smem:$0x3FA4] =	sst s7  }
0x10: {  	[smem:$0x3FA5] =	sst s8  }
0x11: {  	[smem:$0x3FA6] =	sst s9;
	s0 =	simm.s32 @!p0 $0x0  }
0x12: {  	s1 =	sld [smem:$0x3F8C];
	s0 =	simm.s32 @p0 $0x1  }
0x13: {  	[smem:$0x3FA7] =	sst s0;
	s0 =	simm.s32 @!p1 $0x0  }
0x14: {  	s2 =	sld [smem:$0x3F8B];
	s0 =	simm.s32 @p1 $0x1  }
0x15: {  	[smem:$0x3FA8] =	sst s0;
	s0 =	simm.s32 @!p2 $0x0  }
0x16: {  	s3 =	sld [smem:$0x3FDB];
	s0 =	simm.s32 @p2 $0x1  }
0x17: {  	s4 =	simm.s32 $0x1BF5;
	[smem:$0x3FAA] =	sst s0  }
0x18: {  	s0 =	sld [smem:$0x3F8D];
	_ =	swait.ge [sflag:s4], $0x0  }
0x19: {  	s7 =	sld [smem:$0x3F8E]  }
0x1a: {  	s8 =	sadd.s32 $0xFFFFE003, lr  }
0x1b: {  	s9 =	sadd.s32 $0xFFFFFEF7, lr;
	s5 =	simm.s32 $0xFFFFFFFF;
	p2 =	slt.u32 s8, $0xFFFFF086  }
0x1c: {  	p1 =	slt.u32 s9, $0xF7A;
	s5 =	simm.s32 @!p2 $0x0  }
0x1d: {  	s5 =	simm.s32 @p1 $0x1;
	p0 =	seq.s32 s7, s2  }
0x1e: {  	s7 =	smul.u32 @!p0 $0xF7A, s2;
	p2 =	seq.s32 @!p0 s5, $0x0  }
0x1f: {  	s9 =	smul.u32 $0xF7A, s1;
	s8 =	simm.s32 @!p0 $0x1BF5;
	p2 =	por !p2, p0  }
0x20: {  	[sflag:s8] =	ssyncset.s32 @!p0 $0xFFFFF086;
	s6 =	sadd.s32 @!p0 s3, s7;
	s7 =	simm.s32 @!p0 $0x108  }
0x21: {  	s3 =	sadd.s32 s3, s9;
	s6 =	sadd.s32 @!p0 $0x88, s6;
	s7 =	simm.s32 @p2 $0x1082  }
0x22: {  	[simem:s7], [sflag:s8] =	dma.local @!p0 [hbm:s6], $0xF7A  }
0x23: {  	s9 =	sor.u32 $0xD0000000, s2;
	s6 =	simm.s32 $0x108;
	_ =	swait.ge @!p0 [sflag:s8], $0x0  }
0x24: {  	s3 =	sadd.s32 $0x88, s3;
	s6 =	simm.s32 @!p1 $0x1082;
	[sflag:s4] =	ssyncset.s32 $0xFFFFF086  }
0x25: {  	[simem:s6], [sflag:s4] =	dma.local [hbm:s3], $0xF7A  }
0x26: {  	[smem:$0x3F8E] =	sst s1;
	(tag) =	ssettag s2;
	_ =	strace s9  }
0x27: {  	s1 =	sld [smem:$0x3F9E]  }
0x28: {  	s2 =	sld [smem:$0x3F9F]  }
0x29: {  	s4 =	sld [smem:$0x3FA1]  }
0x2a: {  	p0 =	seq.s32 s5, $0x0;
	s5 =	sld [smem:$0x3FA2]  }
0x2b: {  	s6 =	sld [smem:$0x3FA3]  }
0x2c: {  	s7 =	sld [smem:$0x3FA4]  }
0x2d: {  	s3 =	simm.s32 $0x108;
	s8 =	sld [smem:$0x3FA5]  }
0x2e: {  	s3 =	simm.s32 @!p0 $0x1082;
	s9 =	sld [smem:$0x3FA6]  }
0x2f: {  	lr =	sadd.s32 s0, s3;
	s0 =	sld [smem:$0x3F9D]  }
0x30: {  	s3 =	sld [smem:$0x3FA0]  }
0x31: {  	[smem:$0x3FA9] =	sst s10  }
0x32: {  	s10 =	sld [smem:$0x3FA7];
	_ =	sdelay $0x3  }
0x33: {  	p0 =	seq.s32 s10, $0x1;
	s10 =	sld [smem:$0x3FA9];
	_ =	sdelay $0x3  }
0x34: {  	[smem:$0x3FA9] =	sst s10  }
0x35: {  	s10 =	sld [smem:$0x3FA8];
	_ =	sdelay $0x3  }
0x36: {  	p1 =	seq.s32 s10, $0x1;
	s10 =	sld [smem:$0x3FA9];
	_ =	sdelay $0x3  }
0x37: {  	[smem:$0x3FA9] =	sst s10  }
0x38: {  	s10 =	sld [smem:$0x3FAA]  }
0x39: {  	_ = 	snop;
	(pc) =	sbr.ind lr, $3  }
0x3a: {  	_ = 	snop  }
0x3b: {  	_ = 	snop  }
0x3c: {  	p2 =	seq.s32 s10, $0x1;
	s10 =	sld [smem:$0x3FA9]  }
0x3d: {  	_ =	shalt  }
0x3e: {  	_ =	shalt  }
0x3f: {  	_ =	shalt  }
0x40: {  	_ =	shalt  }
0x41: {  	_ =	shalt  }
0x42: {  	_ =	shalt  }
0x43: {  	_ =	shalt  }
0x44: {  	_ =	shalt  }
0x45: {  	_ =	shalt  }
0x46: {  	_ =	shalt  }
0x47: {  	_ =	shalt  }
0x48: {  	_ =	shalt  }
0x49: {  	_ =	shalt  }
0x4a: {  	_ =	shalt  }
0x4b: {  	_ =	shalt  }
0x4c: {  	_ =	shalt  }
0x4d: {  	_ =	shalt  }
0x4e: {  	_ =	shalt  }
0x4f: {  	_ =	shalt  }
0x50: {  	_ =	shalt  }
0x51: {  	_ =	shalt  }
0x52: {  	_ =	shalt  }
0x53: {  	_ =	shalt  }
0x54: {  	_ =	shalt  }
0x55: {  	_ =	shalt  }
0x56: {  	_ =	shalt  }
0x57: {  	_ =	shalt  }
0x58: {  	_ =	shalt  }
0x59: {  	_ =	shalt  }
0x5a: {  	_ =	shalt  }
0x5b: {  	_ =	shalt  }
0x5c: {  	_ =	shalt  }
0x5d: {  	_ =	shalt  }
0x5e: {  	_ =	shalt  }
0x5f: {  	_ =	shalt  }
0x60: {  	_ =	shalt  }
0x61: {  	_ =	shalt  }
0x62: {  	_ =	shalt  }
0x63: {  	_ =	shalt  }
0x64: {  	_ =	shalt  }
0x65: {  	_ =	shalt  }
0x66: {  	_ =	shalt  }
0x67: {  	_ =	shalt  }
0x68: {  	_ =	shalt  }
0x69: {  	_ =	shalt  }
0x6a: {  	_ =	shalt  }
0x6b: {  	_ =	shalt  }
0x6c: {  	_ =	shalt  }
0x6d: {  	_ =	shalt  }
0x6e: {  	_ =	shalt  }
0x6f: {  	_ =	shalt  }
0x70: {  	_ =	shalt  }
0x71: {  	_ =	shalt  }
0x72: {  	_ =	shalt  }
0x73: {  	_ =	shalt  }
0x74: {  	_ =	shalt  }
0x75: {  	_ =	shalt  }
0x76: {  	_ =	shalt  }
0x77: {  	_ =	shalt  }
0x78: {  	_ =	shalt  }
0x79: {  	_ =	shalt  }
0x7a: {  	_ =	shalt  }
0x7b: {  	_ =	shalt  }
0x7c: {  	_ =	shalt  }
0x7d: {  	_ =	shalt  }
0x7e: {  	_ =	shalt  }
0x7f: {  	_ =	shalt  }
0x80: {  	_ =	shalt  }
0x81: {  	_ =	shalt  }
0x82: {  	_ =	shalt  }
0x83: {  	_ =	shalt  }
0x84: {  	_ =	shalt  }
0x85: {  	_ =	shalt  }
0x86: {  	_ =	shalt  }
0x87: {  	_ =	shalt  }
.Lfunc_end0:
.L_simem_size_0:
called_computation_lowered:
.L_overlay_start_0:
0x88: {  	s2 =	sld [smem:$0x3FD9]  }
0x89: {  	s3 =	sld [smem:$0x3FFE];
	_ =	sdelay $0x1  }
0x8a: {  	s1 =	srdreg.scid  }
0x8b: {  	s0 =	sand.u32 $0x1, s1  }
0x8c: {  	s16 =	sshll.u32 s0, $0xA;
	s2 =	sadd.s32 s3, s2  }
0x8d: {  	s2 =	sadd.s32 s2, s16  }
0x8e: {  	[smem:$0x3FB5] =	sst s2  }
0x8f: {  	_ = 	snop  }
0x90: {  	(tm) =	ssettm $0x1  }
0x91: {  	s17 =	sld [smem:$0x3FFB];
	_ =	sdelay $0x3  }
0x92: {  	_ =	strace s17  }
0x93: {  	s2 =	sld [smem:$0x3FFC];
	_ =	sdelay $0x3  }
0x94: {  	_ =	strace s2  }
0x95: {  	s2 =	sld [smem:$0x3FFD];
	_ =	sdelay $0x3  }
0x96: {  	_ =	strace s2  }
0x97: {  	_ =	strace $0x8FFFFFFF  }
0x98: {  	s18 =	sld [smem:$0x3FDB];
	_ =	sdelay $0x1  }
0x99: {  	s19 =	simm.s32 $_scs_section_size  }
0x9a: {  	s4 =	simm.s32 $_size__tile_overlayer_lowered;
	s5 =	simm.s32 $_tile_overlayer_lowered  }
0x9b: {  	s22 =	simm.s32 $0x1BFF;
	s21 =	sshll.u32 s5, $0x1;
	s2 =	sadd.s32 s19, s18  }
0x9c: {  	s6 =	simm.s32 $0x0;
	s20 =	sshll.u32 s4, $0x1;
	s4 =	sadd.s32 s21, s2  }
0x9d: {  	[timem:s6], [sflag:s22] =	dma.local [hbm:s4], s20  }
0x9e: {  	_ =	swait.ge [sflag:s22], s20  }
0x9f: {  	s3 =	ssub.s32 $0x0, s20;
	[sflag:s22] =	ssyncset.done $0x0  }
0xa0: {  	[sflag:s22] =	ssyncadd.s32 s3;
	_ =	sdelay $0x1  }
0xa1: {  	s23 =	simm.s32 $0x1B8B  }
0xa2: {  	_ =	swait.ge [sflag:s23], $0x1  }
0xa3: {  	[sflag:s23] =	ssyncset.done $0x0  }
0xa4: {  	s25 =	simm.s32 $0x1B8E;
	s24 =	sld [smem:$0x3FFE];
	[sflag:s23] =	ssyncadd.s32 $0xFFFFFFFF  }
0xa5: {  	s26 =	simm.s32 $execute0_lowered;
	[smem:$0x3FD2] =	sst s25  }
0xa6: {  	s4 =	sshll.u32 s26, $0x1;
	_ =	strace $0x80000046;
	[dreg:$0x1] =	wrdreg $0xFFFFFFFF  }
0xa7: {  	s28 =	simm.s32 $_size_execute0_lowered;
	s2 =	sadd.s32 s2, s4;
	[dreg:$0x0] =	wrdreg $0x0  }
0xa8: {  	s4 =	sshll.u32 s28, $0x1;
	[dreg:$0x2] =	wrdreg s2  }
0xa9: {  	[dreg:$0x3] =	wrdreg s4  }
0xaa: {  	[dreg:$0x4] =	wrdreg $0xC0  }
0xab: {  	_ =	task [dreg:s6], $0x5FFFF  }
0xac: {  	[dreg:$0x1] =	wrdreg $0xFFFFFFFF  }
0xad: {  	[dreg:$0x0] =	wrdreg $0x60  }
0xae: {  	[dreg:$0x2] =	wrdreg s24  }
0xaf: {  	[dreg:$0x3] =	wrdreg $0xA8000  }
0xb0: {  	[dreg:$0x4] =	wrdreg $0x9  }
0xb1: {  	_ =	task.clear_ibuf [dreg:s6], $0x5FFFF;
	_ =	strace $0x90000046  }
0xb2: {  	s29 =	simm.s32 $0x9;
	_ =	strace $0x80000048  }
0xb3: {  	_ =	swait.ge [sflag:s29], $0x1  }
0xb4: {  	[sflag:s29] =	ssyncadd.s32 $0xFFFFFFFF  }
0xb5: {  	_ =	strace $0x90000048  }
0xb6: {  	_ =	sfence  }
0xb7: {  	s30 =	sld [smem:$0x0];
	_ =	sdelay $0x2  }
0xb8: {  	s31 =	sshll.u32 s1, $0xD;
	s1 =	sshrl.u32 s1, $0x2  }
0xb9: {  	s3 =	sand.u32 $0x4000, s31;
	s1 =	sadd.s32 s1, s30  }
0xba: {  	s0 =	sor.u32 s3, s0;
	s1 =	sshll.u32 s1, $0x11  }
0xbb: {  	s0 =	sor.u32 s1, s0  }
0xbc: {  	s0 =	sadd.s32 $0x8F2B, s0  }
0xbd: {  	[sflag:s0] =	ssyncadd.remote.s32 $0x1  }
0xbe: {  	_ =	sfence.sel $0xFFFF  }
0xbf: {  	[dreg:$0x0] =	wrdreg $0xFFFFFFFF;
	(pc) =	sbr.abs _section_cstart, $3  }
0xc0: {  	[dreg:$0x1] =	wrdreg $0xFFFFFFFF  }
0xc1: {  	_ =	task.clear_ibuf [dreg:s6], $0x2FFFF;
	_ =	strace $0x9FFFFFFF  }
0xc2: {  	(tm) =	ssettm $0x7FFFFFFF  }
0xc3: {  	_ =	shalt  }
tec
execute0_lowered:
.L_overlay_start_1:
0x0: {  	(tag) =	ssettag $0x1  }
0x1: {  	s6 =	rddreg [dreg:$0x0]  }
0x2: {  	s1 =	rddreg [dreg:$0x1];
	s2 =	srdreg.scid  }
0x3: {  	s0 =	rddreg [dreg:$0x2];
	s3 =	simm.s32 $0x0;
	s15 =	simm.s32 $0x1400  }
0x4: {  	s16 =	simm.s32 $0x80;
	s17 =	simm.s32 $0x2800;
	s18 =	simm.s32 $0x1  }
0x5: {  	s19 =	simm.s32 $0x6800;
	s20 =	simm.s32 $0x1380;
	s21 =	simm.s32 $0x2700  }
0x6: {  	s22 =	simm.s32 $0x2780;
	s23 =	simm.s32 $0x0;
	s7 =	sand.u32 $0x1, s2  }
0x7: {  	s2 =	stileid.u32;
	[smem:$0x7FF] =	sst s3;
	s4 =	sadd.s32 $0x17A00, s6  }
0x8: {  	s9 =	sadd.s32 $0x3A00, s6;
	s10 =	sadd.s32 $0xDA00, s6;
	s5 =	smul.u32 $0x13C000, s7  }
0x9: {  	s8 =	smul.u32 $0x13C00, s2;
	_ =	strace $0x80000047;
	s11 =	sshll.u32 s2, $0x1  }
0xa: {  	s12 =	ssub.s32 $0x2, s7;
	s26 =	smul.u32 $0x4F000, s2;
	s30 =	sshll.u32 s2, $0x6  }
0xb: {  	s7 =	sor.u32 s7, s11;
	s28 =	sshrl.u32 s12, $0x1;
	s8 =	sadd.s32 s8, s5  }
0xc: {  	s5 =	sadd.s32 $0x3EC00, s6;
	s7 =	smul.u32 $0x2800, s7;
	s29 =	sshrl.u32 s26, $0x2  }
0xd: {  	s12 =	ssub.s32 s12, s28;
	s8 =	sshrl.u32 s8, $0x3;
	s14 =	sadd.s32 s29, s1  }
0xe: {  	s12 =	smax.u32 s12, $0x1;
	s13 =	sadd.s32 s8, s6;
	s31 =	sshrl.u32 s7, $0x3  }
0xf: {  	s6 =	sor.u32 $0x1C02, s30;
	s7 =	sadd.s32 s9, s31;
	s11 =	sadd.s32 $0x280, s31  }
0x10: {  	s8 =	sadd.s32 s10, s31;
	s9 =	sadd.s32 s9, s11;
	s10 =	sadd.s32 s10, s11  }
0x11: {  	s11 =	sadd.s32 $0x41400, s13;
	s13 =	sshrl.u32 s14, $0x3;
	s14 =	simm.s32 $0x2  }
.LBB2_1:
0x12: {  	[spmem:s13], [sflag:s6] =	dma.local [hbm:s5], $0x2780  }
0x13: {  	_ =	swait.ge [sflag:s14], $0x2780  }
0x14: {  	[sflag:s14] =	ssyncset.done $0x0  }
0x15: {  	[sflag:s14] =	ssyncadd.s32 $0xFFFFD880  }
0x16: {  	[bflag:$0x0] =	sbarrier.arrive $0xFFFF  }
0x17: {  	[tilespmem:s3], [sflag:$0x2] =	stream.linear.gather [hbm4b:s7+s3], $0x1400, $0x38;
	[tilespmem:$0x1E400] =	vst v63  }
0x18: {  	_ =	swait.ge [sflag:s14], $0x1400  }
0x19: {  	[sflag:s14] =	ssyncset.done $0x0  }
0x1a: {  	[sflag:s14] =	ssyncadd.s32 $0xFFFFEC00  }
0x1b: {  	[tilespmem:s15], [sflag:$0x2] =	stream.linear.gather [hbm4b:s8+s3], $0x1400, $0x38;
	[tilespmem:$0x1E400] =	vst v63  }
0x1c: {  	_ =	swait.ge [sflag:s14], $0x1400  }
0x1d: {  	[sflag:s14] =	ssyncset.done $0x0  }
0x1e: {  	[sflag:s14] =	ssyncadd.s32 $0xFFFFEC00  }
0x1f: {  	[tilespmem:s17], [sflag:$0x1] =	stream.indirect.gather [hbm4b:s4+s16], $0x80, s3, s16, $0xb8;
	[tilespmem:$0x1E400] =	vst v63  }
0x20: {  	_ =	swait.ge [sflag:s18], $0x4000  }
0x21: {  	[sflag:s18] =	ssyncset.done $0x0  }
0x22: {  	s24 =	simm.s32 $0x80;
	[sflag:s18] =	ssyncadd.s32 $0xFFFFC000  }
0x23: {  	[tilespmem:s19], [sflag:$0x1] =	stream.indirect.gather [hbm4b:s4+s16], $0x80, s24, s16, $0xb8;
	[tilespmem:$0x1E400] =	vst v63  }
0x24: {  	s29 =	simm.s32 $0x1400  }
0x25: {  	[spmem:s1] =	stream.indirect.scatter.add.f32 [tilespmem:s17], [sflag:$0x2], $0x80, s29, s16, $0xb8;
	[tilespmem:$0x1E400] =	vst v63  }
0x26: {  	_ =	swait.ge [sflag:s14], $0x4000  }
0x27: {  	[sflag:s14] =	ssyncset.done $0x0  }
0x28: {  	[sflag:s14] =	ssyncadd.s32 $0xFFFFC000  }
0x29: {  	_ =	swait.ge [sflag:s18], $0x4000  }
0x2a: {  	[sflag:s18] =	ssyncset.done $0x0  }
0x2b: {  	s30 =	simm.s32 $0x100;
	[sflag:s18] =	ssyncadd.s32 $0xFFFFC000  }
0x2c: {  	[tilespmem:s17], [sflag:$0x1] =	stream.indirect.gather [hbm4b:s4+s16], $0x80, s30, s16, $0xb8;
	[tilespmem:$0x1E400] =	vst v63  }
0x2d: {  	s31 =	simm.s32 $0x1480  }
0x2e: {  	[spmem:s1] =	stream.indirect.scatter.add.f32 [tilespmem:s19], [sflag:$0x2], $0x80, s31, s16, $0xb8;
	[tilespmem:$0x1E400] =	vst v63  }
0x2f: {  	_ =	swait.ge [sflag:s14], $0x4000  }
0x30: {  	[sflag:s14] =	ssyncset.done $0x0  }
0x31: {  	[sflag:s14] =	ssyncadd.s32 $0xFFFFC000  }
0x32: {  	_ =	swait.ge [sflag:s18], $0x4000  }
0x33: {  	s25 =	simm.s32 $0x800;
	s24 =	simm.s32 $0x100;
	[sflag:s18] =	ssyncset.done $0x0  }
.LBB2_2:
0x34: {  	s26 =	sadd.s32 $0x80, s24  }
0x35: {  	[sflag:s18] =	ssyncadd.s32 $0xFFFFC000;
	s28 =	smov.u32 s25;
	s29 =	sadd.s32 $0x400, s25  }
0x36: {  	[tilespmem:s19], [sflag:$0x1] =	stream.indirect.gather [hbm4b:s4+s16], $0x80, s26, s16, $0xb8;
	[tilespmem:$0x1E400] =	vst v63  }
0x37: {  	p0 =	sne.s32 s25, $0x4800;
	s25 =	sadd.s32 $0x1400, s24  }
0x38: {  	[spmem:s1] =	stream.indirect.scatter.add.f32 [tilespmem:s17], [sflag:$0x2], $0x80, s25, s16, $0xb8;
	[tilespmem:$0x1E400] =	vst v63  }
0x39: {  	_ =	swait.ge [sflag:s14], $0x4000  }
0x3a: {  	[sflag:s14] =	ssyncset.done $0x0  }
0x3b: {  	[sflag:s14] =	ssyncadd.s32 $0xFFFFC000  }
0x3c: {  	_ =	swait.ge [sflag:s18], $0x4000  }
0x3d: {  	[sflag:s18] =	ssyncset.done $0x0  }
0x3e: {  	s25 =	sadd.s32 $0x100, s24;
	[sflag:s18] =	ssyncadd.s32 $0xFFFFC000  }
0x3f: {  	[tilespmem:s17], [sflag:$0x1] =	stream.indirect.gather [hbm4b:s4+s16], $0x80, s25, s16, $0xb8;
	[tilespmem:$0x1E400] =	vst v63  }
0x40: {  	s24 =	sadd.s32 $0x1480, s24  }
0x41: {  	[spmem:s1] =	stream.indirect.scatter.add.f32 [tilespmem:s19], [sflag:$0x2], $0x80, s24, s16, $0xb8;
	[tilespmem:$0x1E400] =	vst v63  }
.Ltmp0:
0x42: {  	_ =	swait.ge [sflag:s14], $0x4000;
	(pc) =	sbr.rel @p0 .LBB2_2-.Ltmp0, $4  }
0x43: {  	[sflag:s14] =	ssyncset.done $0x0  }
0x44: {  	[sflag:s14] =	ssyncadd.s32 $0xFFFFC000  }
0x45: {  	_ =	swait.ge [sflag:s18], $0x4000  }
0x46: {  	s25 =	smov.u32 s29;
	s24 =	sshra.s32 s28, $0x2;
	[sflag:s18] =	ssyncset.done $0x0  }
0x47: {  	s25 =	sadd.s32 $0x80, s24;
	[sflag:s18] =	ssyncadd.s32 $0xFFFFC000  }
0x48: {  	[tilespmem:s19], [sflag:$0x1] =	stream.indirect.gather [hbm4b:s4+s16], $0x80, s25, s16, $0xb8;
	[tilespmem:$0x1E400] =	vst v63  }
0x49: {  	s30 =	sadd.s32 $0x1400, s24  }
0x4a: {  	[spmem:s1] =	stream.indirect.scatter.add.f32 [tilespmem:s17], [sflag:$0x2], $0x80, s30, s16, $0xb8;
	[tilespmem:$0x1E400] =	vst v63  }
0x4b: {  	_ =	swait.ge [sflag:s14], $0x4000  }
0x4c: {  	[sflag:s14] =	ssyncset.done $0x0  }
0x4d: {  	[sflag:s14] =	ssyncadd.s32 $0xFFFFC000  }
0x4e: {  	_ =	swait.ge [sflag:s18], $0x4000  }
0x4f: {  	[sflag:s18] =	ssyncset.done $0x0  }
0x50: {  	s31 =	sadd.s32 $0x100, s24;
	[sflag:s18] =	ssyncadd.s32 $0xFFFFC000  }
0x51: {  	[tilespmem:s17], [sflag:$0x1] =	stream.indirect.gather [hbm4b:s4+s16], $0x80, s31, s16, $0xb8;
	[tilespmem:$0x1E400] =	vst v63  }
0x52: {  	s25 =	sadd.s32 $0x1480, s24  }
0x53: {  	[spmem:s1] =	stream.indirect.scatter.add.f32 [tilespmem:s19], [sflag:$0x2], $0x80, s25, s16, $0xb8;
	[tilespmem:$0x1E400] =	vst v63  }
0x54: {  	_ =	swait.ge [sflag:s14], $0x4000  }
0x55: {  	[sflag:s14] =	ssyncset.done $0x0  }
0x56: {  	[sflag:s14] =	ssyncadd.s32 $0xFFFFC000  }
0x57: {  	_ =	swait.ge [sflag:s18], $0x4000  }
0x58: {  	[sflag:s18] =	ssyncset.done $0x0  }
0x59: {  	[sflag:s18] =	ssyncadd.s32 $0xFFFFC000  }
0x5a: {  	[tilespmem:s19], [sflag:$0x1] =	stream.indirect.gather [hbm4b:s4+s16], $0x80, s20, s16, $0xb8;
	[tilespmem:$0x1E400] =	vst v63  }
0x5b: {  	_ = 	snop  }
0x5c: {  	[spmem:s1] =	stream.indirect.scatter.add.f32 [tilespmem:s17], [sflag:$0x2], $0x80, s21, s16, $0xb8;
	[tilespmem:$0x1E400] =	vst v63  }
0x5d: {  	_ =	swait.ge [sflag:s14], $0x4000  }
0x5e: {  	[sflag:s14] =	ssyncset.done $0x0  }
0x5f: {  	[sflag:s14] =	ssyncadd.s32 $0xFFFFC000  }
0x60: {  	_ =	swait.ge [sflag:s18], $0x4000  }
0x61: {  	[sflag:s18] =	ssyncset.done $0x0  }
0x62: {  	[sflag:s18] =	ssyncadd.s32 $0xFFFFC000  }
0x63: {  	[tilespmem:s17], [sflag:$0x1] =	stream.indirect.gather [hbm4b:s4+s16], $0x80, s20, s16, $0xb8;
	[tilespmem:$0x1E400] =	vst v63  }
0x64: {  	_ = 	snop  }
0x65: {  	[spmem:s1] =	stream.indirect.scatter.add.f32 [tilespmem:s19], [sflag:$0x2], $0x80, s22, s16, $0xb8;
	[tilespmem:$0x1E400] =	vst v63  }
0x66: {  	_ =	swait.ge [sflag:s14], $0x4000  }
0x67: {  	[sflag:s14] =	ssyncset.done $0x0  }
0x68: {  	[sflag:s14] =	ssyncadd.s32 $0xFFFFC000  }
0x69: {  	_ =	swait.ge [sflag:s18], $0x4000  }
0x6a: {  	[sflag:s18] =	ssyncset.done $0x0  }
0x6b: {  	s26 =	simm.s32 $0x0;
	[sflag:s18] =	ssyncadd.s32 $0xFFFFC000  }
0x6c: {  	[tilespmem:s26], [sflag:$0x2] =	stream.linear.gather [hbm4b:s9+s26], $0x1400, $0x38;
	[tilespmem:$0x1E400] =	vst v63  }
0x6d: {  	_ =	swait.ge [sflag:s14], $0x1400  }
0x6e: {  	[sflag:s14] =	ssyncset.done $0x0  }
0x6f: {  	[sflag:s14] =	ssyncadd.s32 $0xFFFFEC00  }
0x70: {  	[tilespmem:s15], [sflag:$0x2] =	stream.linear.gather [hbm4b:s10+s26], $0x1400, $0x38;
	[tilespmem:$0x1E400] =	vst v63  }
0x71: {  	_ =	swait.ge [sflag:s14], $0x1400  }
0x72: {  	[sflag:s14] =	ssyncset.done $0x0  }
0x73: {  	[sflag:s14] =	ssyncadd.s32 $0xFFFFEC00  }
0x74: {  	[tilespmem:s17], [sflag:$0x1] =	stream.indirect.gather [hbm4b:s4+s16], $0x80, s26, s16, $0xb8;
	[tilespmem:$0x1E400] =	vst v63  }
0x75: {  	_ =	swait.ge [sflag:s18], $0x4000  }
0x76: {  	[sflag:s18] =	ssyncset.done $0x0  }
0x77: {  	s28 =	simm.s32 $0x80;
	[sflag:s18] =	ssyncadd.s32 $0xFFFFC000  }
0x78: {  	[tilespmem:s19], [sflag:$0x1] =	stream.indirect.gather [hbm4b:s4+s16], $0x80, s28, s16, $0xb8;
	[tilespmem:$0x1E400] =	vst v63  }
0x79: {  	s29 =	simm.s32 $0x1400  }
0x7a: {  	[spmem:s1] =	stream.indirect.scatter.add.f32 [tilespmem:s17], [sflag:$0x2], $0x80, s29, s16, $0xb8;
	[tilespmem:$0x1E400] =	vst v63  }
0x7b: {  	_ =	swait.ge [sflag:s14], $0x4000  }
0x7c: {  	[sflag:s14] =	ssyncset.done $0x0  }
0x7d: {  	[sflag:s14] =	ssyncadd.s32 $0xFFFFC000  }
0x7e: {  	_ =	swait.ge [sflag:s18], $0x4000  }
0x7f: {  	[sflag:s18] =	ssyncset.done $0x0  }
0x80: {  	s30 =	simm.s32 $0x100;
	[sflag:s18] =	ssyncadd.s32 $0xFFFFC000  }
0x81: {  	[tilespmem:s17], [sflag:$0x1] =	stream.indirect.gather [hbm4b:s4+s16], $0x80, s30, s16, $0xb8;
	[tilespmem:$0x1E400] =	vst v63  }
0x82: {  	s31 =	simm.s32 $0x1480  }
0x83: {  	[spmem:s1] =	stream.indirect.scatter.add.f32 [tilespmem:s19], [sflag:$0x2], $0x80, s31, s16, $0xb8;
	[tilespmem:$0x1E400] =	vst v63  }
0x84: {  	_ =	swait.ge [sflag:s14], $0x4000  }
0x85: {  	[sflag:s14] =	ssyncset.done $0x0  }
0x86: {  	[sflag:s14] =	ssyncadd.s32 $0xFFFFC000  }
0x87: {  	_ =	swait.ge [sflag:s18], $0x4000  }
0x88: {  	s24 =	simm.s32 $0x100;
	s25 =	simm.s32 $0x800;
	[sflag:s18] =	ssyncset.done $0x0  }
.LBB2_4:
0x89: {  	s26 =	sadd.s32 $0x80, s24  }
0x8a: {  	[sflag:s18] =	ssyncadd.s32 $0xFFFFC000;
	s28 =	smov.u32 s25;
	s29 =	sadd.s32 $0x400, s25  }
0x8b: {  	[tilespmem:s19], [sflag:$0x1] =	stream.indirect.gather [hbm4b:s4+s16], $0x80, s26, s16, $0xb8;
	[tilespmem:$0x1E400] =	vst v63  }
0x8c: {  	p0 =	sne.s32 s25, $0x4800;
	s25 =	sadd.s32 $0x1400, s24  }
0x8d: {  	[spmem:s1] =	stream.indirect.scatter.add.f32 [tilespmem:s17], [sflag:$0x2], $0x80, s25, s16, $0xb8;
	[tilespmem:$0x1E400] =	vst v63  }
0x8e: {  	_ =	swait.ge [sflag:s14], $0x4000  }
0x8f: {  	[sflag:s14] =	ssyncset.done $0x0  }
0x90: {  	[sflag:s14] =	ssyncadd.s32 $0xFFFFC000  }
0x91: {  	_ =	swait.ge [sflag:s18], $0x4000  }
0x92: {  	[sflag:s18] =	ssyncset.done $0x0  }
0x93: {  	s25 =	sadd.s32 $0x100, s24;
	[sflag:s18] =	ssyncadd.s32 $0xFFFFC000  }
0x94: {  	[tilespmem:s17], [sflag:$0x1] =	stream.indirect.gather [hbm4b:s4+s16], $0x80, s25, s16, $0xb8;
	[tilespmem:$0x1E400] =	vst v63  }
0x95: {  	s24 =	sadd.s32 $0x1480, s24  }
0x96: {  	[spmem:s1] =	stream.indirect.scatter.add.f32 [tilespmem:s19], [sflag:$0x2], $0x80, s24, s16, $0xb8;
	[tilespmem:$0x1E400] =	vst v63  }
.Ltmp1:
0x97: {  	_ =	swait.ge [sflag:s14], $0x4000;
	(pc) =	sbr.rel @p0 .LBB2_4-.Ltmp1, $4  }
0x98: {  	[sflag:s14] =	ssyncset.done $0x0  }
0x99: {  	[sflag:s14] =	ssyncadd.s32 $0xFFFFC000  }
0x9a: {  	_ =	swait.ge [sflag:s18], $0x4000  }
0x9b: {  	s25 =	smov.u32 s29;
	s24 =	sshra.s32 s28, $0x2;
	[sflag:s18] =	ssyncset.done $0x0  }
0x9c: {  	s25 =	sadd.s32 $0x80, s24;
	[sflag:s18] =	ssyncadd.s32 $0xFFFFC000  }
0x9d: {  	[tilespmem:s19], [sflag:$0x1] =	stream.indirect.gather [hbm4b:s4+s16], $0x80, s25, s16, $0xb8;
	[tilespmem:$0x1E400] =	vst v63  }
0x9e: {  	s29 =	sadd.s32 $0x1400, s24  }
0x9f: {  	[spmem:s1] =	stream.indirect.scatter.add.f32 [tilespmem:s17], [sflag:$0x2], $0x80, s29, s16, $0xb8;
	[tilespmem:$0x1E400] =	vst v63  }
0xa0: {  	_ =	swait.ge [sflag:s14], $0x4000  }
0xa1: {  	[sflag:s14] =	ssyncset.done $0x0  }
0xa2: {  	[sflag:s14] =	ssyncadd.s32 $0xFFFFC000  }
0xa3: {  	_ =	swait.ge [sflag:s18], $0x4000  }
0xa4: {  	[sflag:s18] =	ssyncset.done $0x0  }
0xa5: {  	s30 =	sadd.s32 $0x100, s24;
	[sflag:s18] =	ssyncadd.s32 $0xFFFFC000  }
0xa6: {  	[tilespmem:s17], [sflag:$0x1] =	stream.indirect.gather [hbm4b:s4+s16], $0x80, s30, s16, $0xb8;
	[tilespmem:$0x1E400] =	vst v63  }
0xa7: {  	s31 =	sadd.s32 $0x1480, s24  }
0xa8: {  	[spmem:s1] =	stream.indirect.scatter.add.f32 [tilespmem:s19], [sflag:$0x2], $0x80, s31, s16, $0xb8;
	[tilespmem:$0x1E400] =	vst v63  }
0xa9: {  	_ =	swait.ge [sflag:s14], $0x4000  }
0xaa: {  	[sflag:s14] =	ssyncset.done $0x0  }
0xab: {  	[sflag:s14] =	ssyncadd.s32 $0xFFFFC000  }
0xac: {  	_ =	swait.ge [sflag:s18], $0x4000  }
0xad: {  	[sflag:s18] =	ssyncset.done $0x0  }
0xae: {  	[sflag:s18] =	ssyncadd.s32 $0xFFFFC000  }
0xaf: {  	[tilespmem:s19], [sflag:$0x1] =	stream.indirect.gather [hbm4b:s4+s16], $0x80, s20, s16, $0xb8;
	[tilespmem:$0x1E400] =	vst v63  }
0xb0: {  	_ = 	snop  }
0xb1: {  	[spmem:s1] =	stream.indirect.scatter.add.f32 [tilespmem:s17], [sflag:$0x2], $0x80, s21, s16, $0xb8;
	[tilespmem:$0x1E400] =	vst v63  }
0xb2: {  	_ =	swait.ge [sflag:s14], $0x4000  }
0xb3: {  	[sflag:s14] =	ssyncset.done $0x0  }
0xb4: {  	[sflag:s14] =	ssyncadd.s32 $0xFFFFC000  }
0xb5: {  	_ =	swait.ge [sflag:s18], $0x4000  }
0xb6: {  	[sflag:s18] =	ssyncset.done $0x0  }
0xb7: {  	[sflag:s18] =	ssyncadd.s32 $0xFFFFC000  }
0xb8: {  	[tilespmem:s17], [sflag:$0x1] =	stream.indirect.gather [hbm4b:s4+s16], $0x80, s20, s16, $0xb8;
	[tilespmem:$0x1E400] =	vst v63  }
0xb9: {  	_ = 	snop  }
0xba: {  	[spmem:s1] =	stream.indirect.scatter.add.f32 [tilespmem:s19], [sflag:$0x2], $0x80, s22, s16, $0xb8;
	[tilespmem:$0x1E400] =	vst v63  }
0xbb: {  	_ =	swait.ge [sflag:s14], $0x4000  }
0xbc: {  	[sflag:s14] =	ssyncset.done $0x0  }
0xbd: {  	[sflag:s14] =	ssyncadd.s32 $0xFFFFC000  }
0xbe: {  	_ =	swait.ge [sflag:s18], $0x4000  }
0xbf: {  	s23 =	sadd.s32 $0x1, s23;
	[sflag:s18] =	ssyncset.done $0x0  }
0xc0: {  	p0 =	sne.s32 s23, s12;
	[sflag:s18] =	ssyncadd.s32 $0xFFFFC000  }
.Ltmp2:
0xc1: {  	[bflag:$0x0] =	sbarrier.arrive $0xFFFF;
	(pc) =	sbr.rel @p0 .LBB2_1-.Ltmp2, $4  }
0xc2: {  	[hbm:s11], [sflag:s6] =	dma.local [spmem:s13], $0x2780  }
0xc3: {  	_ =	swait.ge [sflag:s14], $0x2780  }
0xc4: {  	[sflag:s14] =	ssyncset.done $0x0  }
0xc5: {  	[sflag:s14] =	ssyncadd.s32 $0xFFFFD880  }
0xc6: {  	_ =	sfence.sel $0x180000  }
0xc7: {  	[bflag:$0x0] =	sbarrier.arrive $0xFFFF  }
0xc8: {  	p0 =	sne.s32 s2, $0x0;
	_ =	strace $0x90000047  }
0xc9: {  	s0 =	sadd.s32 @!p0 $0x100000, s0;
	[bflag:$0x2] =	sbarrier.arrive $0xFFFF  }
0xca: {  	[sflag:s0] =	ssyncadd.tile.s32 @!p0 $0x1;
	_ =	shalt  }
.Lfunc_end2:
_tile_overlayer_lowered:
.L_overlay_start_2:
0xcb: {  	(tag) =	ssettag $0x2  }
0xcc: {  	s0 =	rddreg [dreg:$0x0];
	s2 =	stileid.u32  }
0xcd: {  	s1 =	rddreg [dreg:$0x1];
	p0 =	sne.s32 s2, $0x0  }
0xce: {  	s3 =	rddreg [dreg:$0x2];
	[bflag:$0x3] =	sbarrier.arrive $0xFFFF;
	s2 =	simm.s32 @!p0 $0x1C02  }
0xcf: {  	[timem:s3], [sflag:s2] =	dma.local @!p0 [hbm:s0], s1  }
0xd0: {  	s0 =	simm.s32 @!p0 $0x2  }
0xd1: {  	_ =	swait.ge @!p0 [sflag:s0], s1  }
0xd2: {  	s1 =	ssub.s32 @!p0 $0x0, s1;
	[sflag:s0] =	ssyncset.done @!p0 $0x0  }
0xd3: {  	[sflag:s0] =	ssyncadd.s32 @!p0 s1  }
0xd4: {  	[bflag:$0x3] =	sbarrier.arrive $0xFFFF  }
0xd5: {  	_ =	shalt  }

</sc_bundles>
